<compile_context>
chip_gen: v7x
topology: tpu7x:2x2x1
jax: 0.10.2.dev20260603
libtpu: 0.0.44.dev20260713+nightly
codegen_flags: <defaults>
</compile_context>

<pallas_src>
import functools

import jax
import jax.numpy as jnp
from jax import lax
from jax.experimental import pallas as pl
from jax.experimental.pallas import tpu as pltpu
from jax.experimental.pallas import tpu_sc as plsc

N = 10000
E = 320000
B = 2048
D_IN = 128
D_HID = 256
D_OUT = 128

NC = 2
NS = 16
NW = NC * NS

NPAD = 10240
RB = 1024

ROWW = NPAD
A_SIZE = N * ROWW
A_PER_CORE = A_SIZE // NC
A_PER_TILE = A_PER_CORE // NS
A_CHUNK = 32000
A_ZITERS = A_PER_TILE // A_CHUNK
SK = 128

EK = 80
E_PER_TILE_AGG = E // NW
E_ITERS_AGG = E_PER_TILE_AGG // EK
E_PER_TILE_A = E // NS
E_ITERS_A = E_PER_TILE_A // EK

Q_PER_TILE = B // NW

_mesh = functools.partial(
    plsc.VectorSubcoreMesh,
    core_axis_name="c", subcore_axis_name="s", num_cores=NC, num_subcores=NS)


def _sds(shape, dtype=jnp.float32):
    return jax.ShapeDtypeStruct(shape, dtype)


@functools.partial(
    pl.kernel,
    out_type=(_sds((NC, NPAD, D_IN)), _sds((NC, NPAD))),
    mesh=_mesh(),
    scratch_types=[
        pltpu.VMEM_SHARED((NPAD, D_IN), jnp.float32),
        pltpu.VMEM_SHARED((NPAD,), jnp.float32),
        pltpu.VMEM((EK,), jnp.int32),
        pltpu.VMEM((EK,), jnp.int32),
        pltpu.VMEM((EK, D_IN), jnp.float32),
        pltpu.VMEM((128, D_IN), jnp.float32),
        pltpu.VMEM((1024,), jnp.float32),
        pltpu.VMEM((EK,), jnp.float32),
        pltpu.SemaphoreType.DMA,
    ],
)
def _sc_agg(x_hbm, row_hbm, col_hbm, zb_hbm, zd_hbm, on_hbm,
            agg_out, deg_out,
            agg_sh, deg_sh, ridx, cidx, rows, zb_v, zd_v, on_v, sem):
    c = lax.axis_index("c")
    s = lax.axis_index("s")
    wid = s * NC + c
    pltpu.sync_copy(zb_hbm, zb_v)
    pltpu.sync_copy(zd_hbm, zd_v)
    pltpu.sync_copy(on_hbm.at[pl.ds(0, EK)], on_v)
    for k in range(5):
        pltpu.sync_copy(zb_v, agg_sh.at[pl.ds(s * 640 + k * 128, 128)])

    @pl.when(s < 10)
    def _():
        pltpu.sync_copy(zd_v, deg_sh.at[pl.ds(s * 1024, 1024)])

    plsc.subcore_barrier()
    base = wid * E_PER_TILE_AGG

    def step(i, carry):
        off = base + i * EK
        pltpu.sync_copy(row_hbm.at[pl.ds(off, EK)], ridx)
        pltpu.sync_copy(col_hbm.at[pl.ds(off, EK)], cidx)
        pltpu.async_copy(x_hbm.at[cidx], rows, sem).wait()
        pltpu.sync_copy(rows, agg_sh.at[ridx], add=True)
        pltpu.sync_copy(on_v, deg_sh.at[ridx], add=True)
        return carry

    lax.fori_loop(0, E_ITERS_AGG, step, 0)
    plsc.subcore_barrier()
    pltpu.sync_copy(agg_sh.at[pl.ds(s * 640, 640)],
                    agg_out.at[c, pl.ds(s * 640, 640)])

    @pl.when(s == 0)
    def _():
        pltpu.sync_copy(deg_sh, deg_out.at[c])


@functools.partial(
    pl.kernel,
    out_type=_sds((A_SIZE,)),
    mesh=_mesh(),
    scratch_types=[
        pltpu.VMEM((EK,), jnp.int32),
        pltpu.VMEM((EK,), jnp.int32),
        pltpu.VMEM((2 * EK,), jnp.int32),
        pltpu.VMEM((A_CHUNK,), jnp.float32),
        pltpu.VMEM((EK,), jnp.float32),
        pltpu.SemaphoreType.DMA,
        pltpu.SemaphoreType.DMA,
    ],
)
def _sc_abuild(row_hbm, col_hbm, zf_hbm, on_hbm,
               a_out, ridx, cidx, fidx, zf_v, on_v, zsem, ssem):
    c = lax.axis_index("c")
    s = lax.axis_index("s")
    ebase = s * E_PER_TILE_A
    pltpu.sync_copy(zf_hbm, zf_v)
    pltpu.sync_copy(on_hbm.at[pl.ds(0, EK)], on_v)
    zbase = c * A_PER_CORE + s * A_PER_TILE

    def zstep(i, carry):
        pltpu.async_copy(zf_v, a_out.at[pl.ds(zbase + i * A_CHUNK, A_CHUNK)],
                         zsem)
        return carry

    lax.fori_loop(0, A_ZITERS, zstep, 0)

    def zdrain(i, carry):
        pltpu.make_async_copy(
            zf_v, a_out.at[pl.ds(zbase, A_CHUNK)], zsem).wait()
        return carry

    lax.fori_loop(0, A_ZITERS, zdrain, 0)
    plsc.subcore_barrier()
    lo = c * (N // NC)
    hi = lo + (N // NC)
    lanes = lax.iota(jnp.int32, 16)
    nsub = EK // 16
    srows = (N // NC) // NS

    def estep(i, carry):
        buf = (i % 2) * EK
        off = ebase + i * EK
        pltpu.sync_copy(row_hbm.at[pl.ds(off, EK)], ridx)
        pltpu.sync_copy(col_hbm.at[pl.ds(off, EK)], cidx)

        @pl.when(i >= 1)
        def _():
            pltpu.make_async_copy(
                on_v, a_out.at[pl.ds(zbase, EK)], ssem).wait()

        for j in range(nsub):
            r = ridx[pl.ds(j * 16, 16)]
            cc = cidx[pl.ds(j * 16, 16)]
            owned = (r >= lo) & (r < hi)
            srow = lo + s * srows + (i * nsub + j) % srows
            sink = srow * ROWW + N + j * 16 + lanes
            fidx[pl.ds(buf + j * 16, 16)] = jnp.where(
                owned, r * ROWW + cc, sink)
        pltpu.async_copy(on_v, a_out.at[fidx.at[pl.ds(buf, EK)]], ssem)
        return carry

    lax.fori_loop(0, E_ITERS_A, estep, 0)
    pltpu.make_async_copy(on_v, a_out.at[pl.ds(zbase, EK)], ssem).wait()


@functools.partial(
    pl.kernel,
    out_type=(_sds((B, D_OUT)), _sds((B, D_OUT)),
              _sds((B, NPAD // 128, 128))),
    mesh=_mesh(),
    scratch_types=[
        pltpu.VMEM((Q_PER_TILE,), jnp.int32),
        pltpu.VMEM((Q_PER_TILE,), jnp.int32),
        pltpu.VMEM((2 * Q_PER_TILE,), jnp.int32),
        pltpu.VMEM((Q_PER_TILE, D_OUT), jnp.float32),
        pltpu.VMEM((8, ROWW), jnp.float32),
        pltpu.VMEM((NPAD // 128, 128), jnp.float32),
        pltpu.SemaphoreType.DMA,
    ],
)
def _sc_gm(hn_hbm, a2_hbm, u_hbm, v_hbm, uvi_hbm,
           hu_out, hv_out, m_out,
           uq, vq, uvq, hnr, auv, mrow, sem):
    c = lax.axis_index("c")
    s = lax.axis_index("s")
    wid = s * NC + c
    qb = wid * Q_PER_TILE
    pltpu.sync_copy(u_hbm.at[pl.ds(qb, Q_PER_TILE)], uq)
    pltpu.async_copy(hn_hbm.at[uq], hnr, sem).wait()
    pltpu.sync_copy(hnr, hu_out.at[pl.ds(qb, Q_PER_TILE)])
    pltpu.sync_copy(v_hbm.at[pl.ds(qb, Q_PER_TILE)], vq)
    pltpu.async_copy(hn_hbm.at[vq], hnr, sem).wait()
    pltpu.sync_copy(hnr, hv_out.at[pl.ds(qb, Q_PER_TILE)])
    pltpu.sync_copy(uvi_hbm.at[pl.ds(2 * qb, 2 * Q_PER_TILE)], uvq)
    z16 = jnp.zeros((16,), jnp.float32)
    for j in range(N // 16, NPAD // 16):
        mrow[j // 8, pl.ds((j % 8) * 16, 16)] = z16

    def qstep(g, carry):
        pltpu.async_copy(a2_hbm.at[uvq.at[pl.ds(8 * g, 8)]], auv, sem).wait()
        for i in range(4):
            def colstep(j, carry2, _i=i):
                st = j * 16
                mrow[j // 8, pl.ds((j % 8) * 16, 16)] = (
                    auv[2 * _i, pl.ds(st, 16)] *
                    auv[2 * _i + 1, pl.ds(st, 16)])
                return carry2

            lax.fori_loop(0, N // 16, colstep, 0)
            pltpu.sync_copy(mrow, m_out.at[qb + 4 * g + i])
        return carry

    lax.fori_loop(0, Q_PER_TILE // 4, qstep, 0)


def _tc_mlp_body(x_ref, agg_ref, deg_ref, w1_ref, b1_ref, w2_ref, b2_ref,
                 w3_ref, b3_ref, hn_ref):
    deg = deg_ref[0] + deg_ref[1] + 1e-6
    agg = agg_ref[0] + agg_ref[1]
    h = x_ref[...] + agg / deg
    h = jnp.maximum(jnp.dot(h, w1_ref[...],
                            preferred_element_type=jnp.float32)
                    + b1_ref[...], 0.0)
    h = jnp.maximum(jnp.dot(h, w2_ref[...],
                            preferred_element_type=jnp.float32)
                    + b2_ref[...], 0.0)
    h = jnp.dot(h, w3_ref[...], preferred_element_type=jnp.float32) \
        + b3_ref[...]
    nrm = jnp.sqrt(jnp.sum(h * h, axis=1, keepdims=True))
    hn_ref[...] = h / jnp.maximum(nrm, 1e-8)


def _tc_mlp(xp, agg2, deg3, W1, b1, W2, b2, W3, b3):
    g = NPAD // RB
    return pl.pallas_call(
        _tc_mlp_body,
        grid=(g,),
        in_specs=[
            pl.BlockSpec((RB, D_IN), lambda i: (i, 0)),
            pl.BlockSpec((NC, RB, D_IN), lambda i: (0, i, 0)),
            pl.BlockSpec((NC, RB, 1), lambda i: (0, i, 0)),
            pl.BlockSpec((D_IN, D_HID), lambda i: (0, 0)),
            pl.BlockSpec((1, D_HID), lambda i: (0, 0)),
            pl.BlockSpec((D_HID, D_HID), lambda i: (0, 0)),
            pl.BlockSpec((1, D_HID), lambda i: (0, 0)),
            pl.BlockSpec((D_HID, D_OUT), lambda i: (0, 0)),
            pl.BlockSpec((1, D_OUT), lambda i: (0, 0)),
        ],
        out_specs=pl.BlockSpec((RB, D_OUT), lambda i: (i, 0)),
        out_shape=_sds((NPAD, D_OUT)),
    )(xp, agg2, deg3, W1, b1, W2, b2, W3, b3)


def _tc_query_body(hu_ref, hv_ref, hn_ref, m_ref, w_ref, acc):
    i = pl.program_id(0)

    @pl.when(i == 0)
    def _():
        acc[...] = jnp.zeros_like(acc)

    hnb = hn_ref[...]
    cl = lax.dot_general(hu_ref[...], hnb, (((1,), (1,)), ((), ())),
                         preferred_element_type=jnp.float32)
    cr = lax.dot_general(hv_ref[...], hnb, (((1,), (1,)), ((), ())),
                         preferred_element_type=jnp.float32)
    acc[...] += jnp.sum(m_ref[...] * cl * cr, axis=1, keepdims=True)

    @pl.when(i == pl.num_programs(0) - 1)
    def _():
        w_ref[...] = jax.nn.sigmoid(acc[...])


def _tc_query(hu, hv, hn, M):
    g = NPAD // RB
    return pl.pallas_call(
        _tc_query_body,
        grid=(g,),
        in_specs=[
            pl.BlockSpec((B, D_OUT), lambda i: (0, 0)),
            pl.BlockSpec((B, D_OUT), lambda i: (0, 0)),
            pl.BlockSpec((RB, D_OUT), lambda i: (i, 0)),
            pl.BlockSpec((B, RB), lambda i: (0, i)),
        ],
        out_specs=pl.BlockSpec((B, 1), lambda i: (0, 0)),
        out_shape=_sds((B, 1)),
        scratch_shapes=[pltpu.VMEM((B, 1), jnp.float32)],
    )(hu, hv, hn, M)


def kernel(x, edges, adj, W1, b1, W2, b2, W3, b3):
    row = adj[0].astype(jnp.int32)
    col = adj[1].astype(jnp.int32)
    u = edges[0].astype(jnp.int32)
    v = edges[1].astype(jnp.int32)

    zb = jnp.zeros((128, D_IN), jnp.float32)
    zd = jnp.zeros((1024,), jnp.float32)
    on = jnp.ones((SK,), jnp.float32)
    zf = jnp.zeros((A_CHUNK,), jnp.float32)
    uvi = jnp.stack([u, v], axis=1).reshape(-1)

    agg2, deg2 = _sc_agg(x, row, col, zb, zd, on)
    aflat = _sc_abuild(row, col, zf, on)
    xp = jnp.pad(x, ((0, NPAD - N), (0, 0)))
    deg3 = deg2.reshape(NC, NPAD, 1)
    hn = _tc_mlp(xp, agg2, deg3, W1, b1.reshape(1, D_HID),
                 W2, b2.reshape(1, D_HID), W3, b3.reshape(1, D_OUT))
    a2 = aflat.reshape(N, ROWW)
    hu, hv, M3 = _sc_gm(hn, a2, u, v, uvi)
    w = _tc_query(hu, hv, hn, M3.reshape(B, NPAD))
    return w.reshape(B)

# --- scband reference (transcript-rebuilt; emitter-appended) ---
"""Pipeline reference for scband-weighted-common-neighbors-predictor-84310208020585 (READ-ONLY COPY).

The authoritative reference and input builder live on the scoring server;
editing this copy changes nothing except your own understanding.
"""

import jax, jax.numpy as jnp
import numpy as np

N_NODES = 10000
N_EDGES = 320000
B_QUERY = 2048
D_IN = 128
D_HID = 256
D_OUT = 128


def setup_inputs(seed: int = 0) -> dict:
    key = jax.random.key(seed)
    ks = jax.random.split(key, 9)
    x = jax.random.normal(ks[0], (N_NODES, D_IN), dtype=jnp.float32)
    edges = jax.random.randint(ks[1], (2, B_QUERY), 0, N_NODES, dtype=jnp.int64 if jax.config.jax_enable_x64 else jnp.int32)
    adj = jax.random.randint(ks[2], (2, N_EDGES), 0, N_NODES, dtype=jnp.int64 if jax.config.jax_enable_x64 else jnp.int32)
    s1 = 1.0 / np.sqrt(D_IN)
    s2 = 1.0 / np.sqrt(D_HID)
    W1 = jax.random.uniform(ks[3], (D_IN, D_HID), minval=-s1, maxval=s1, dtype=jnp.float32)
    b1 = jax.random.uniform(ks[4], (D_HID,), minval=-s1, maxval=s1, dtype=jnp.float32)
    W2 = jax.random.uniform(ks[5], (D_HID, D_HID), minval=-s2, maxval=s2, dtype=jnp.float32)
    b2 = jax.random.uniform(ks[6], (D_HID,), minval=-s2, maxval=s2, dtype=jnp.float32)
    W3 = jax.random.uniform(ks[7], (D_HID, D_OUT), minval=-s2, maxval=s2, dtype=jnp.float32)
    b3 = jax.random.uniform(ks[8], (D_OUT,), minval=-s2, maxval=s2, dtype=jnp.float32)
    return {"x": x, "edges": edges, "adj": adj, "W1": W1, "b1": b1, "W2": W2, "b2": b2, "W3": W3, "b3": b3}


def reference(x, edges, adj, W1, b1, W2, b2, W3, b3):
    N = x.shape[0]
    row = adj[0]
    col = adj[1]
    # degrees = adj.sum(-1) + 1e-6 (binary adjacency)
    deg = jax.ops.segment_sum(jnp.ones((row.shape[0],), dtype=x.dtype), row, num_segments=N) + 1e-6
    # adj @ x  (scatter-add aggregation)
    agg = jax.ops.segment_sum(x[col], row, num_segments=N)
    h = x + agg / deg[:, None]
    # MLP (eval mode: dropout off; BatchNorms are never applied in original forward)
    h = jax.nn.relu(h @ W1 + b1)
    h = jax.nn.relu(h @ W2 + b2)
    h = h @ W3 + b3
    # cosine-normalized features (torch CosineSimilarity eps=1e-8)
    norms = jnp.sqrt(jnp.sum(h * h, axis=1, keepdims=True))
    hn = h / jnp.maximum(norms, 1e-8)
    # dense boolean adjacency for common-neighbor masking
    A = jnp.zeros((N, N), dtype=jnp.bool_).at[row, col].set(True)
    u = edges[0]
    v = edges[1]
    # weights[b] = sum_n A[u_b,n]*A[v_b,n] * cos(h[u_b],h[n]) * cos(h[v_b],h[n])
    cosL = hn[u] @ hn.T
    cosR = hn[v] @ hn.T
    mask = (A[u] & A[v]).astype(x.dtype)
    w = jnp.sum(mask * cosL * cosR, axis=1)
    return jax.nn.sigmoid(w)

if __name__ == "__main__":
    import jax
    _d = setup_inputs()
    print(jax.jit(kernel)(*tuple(_d.values())))

</pallas_src>

<mosaic_0001>
#map = affine_map<(d0, d1) -> (0, 0)>
#map1 = affine_map<(d0, d1) -> (0)>
#map2 = affine_map<(d0, d1) -> (0, 0, 0)>
module attributes {stable_mosaic.version = 14 : i64} {
  func.func @_sc_agg(%arg0: i32, %arg1: i32, %arg2: memref<10000x128xf32, #tpu.memory_space<hbm>>, %arg3: memref<320000xi32, #tpu.memory_space<hbm>>, %arg4: memref<320000xi32, #tpu.memory_space<hbm>>, %arg5: memref<128x128xf32, #tpu.memory_space<hbm>>, %arg6: memref<1024xf32, #tpu.memory_space<hbm>>, %arg7: memref<128xf32, #tpu.memory_space<hbm>>, %arg8: memref<2x10240x128xf32, #tpu.memory_space<hbm>>, %arg9: memref<2x10240xf32, #tpu.memory_space<hbm>>, %arg10: memref<10240x128xf32, #tpu.memory_space<vmem_shared>>, %arg11: memref<10240xf32, #tpu.memory_space<vmem_shared>>, %arg12: memref<80xi32, #tpu.memory_space<vmem>>, %arg13: memref<80xi32, #tpu.memory_space<vmem>>, %arg14: memref<80x128xf32, #tpu.memory_space<vmem>>, %arg15: memref<128x128xf32, #tpu.memory_space<vmem>>, %arg16: memref<1024xf32, #tpu.memory_space<vmem>>, %arg17: memref<80xf32, #tpu.memory_space<vmem>>, %arg18: memref<!tpu.dma_semaphore, #tpu.memory_space<semaphore_mem>>) attributes {dimension_semantics = [#tpu.dimension_semantics<core_parallel>, #tpu.dimension_semantics<subcore_parallel>], iteration_bounds = array<i64: 2, 16>, scalar_prefetch = 0 : i64, scratch_operands = 9 : i64, tpu.core_type = #tpu.core_type<sc_vector_subcore>, window_params = [{transform_indices = #map}, {transform_indices = #map1}, {transform_indices = #map1}, {transform_indices = #map}, {transform_indices = #map1}, {transform_indices = #map1}, {transform_indices = #map2}, {transform_indices = #map}]} {
    %mul3A = arith.constant 2 : i32
    %mul3A_0 = arith.muli %arg1, %mul3A : i32
    %add3A = arith.addi %mul3A_0, %arg0 : i32
    "tpu.region"() ({
      %run_scoped3A = tpu.sem_alloc : memref<!tpu.dma_semaphore, #tpu.memory_space<semaphore_mem>>
      tpu.enqueue_dma source(%arg5 : memref<128x128xf32, #tpu.memory_space<hbm>>) target(%arg15 : memref<128x128xf32, #tpu.memory_space<vmem>>) target_semaphore(%run_scoped3A : memref<!tpu.dma_semaphore, #tpu.memory_space<semaphore_mem>>)
      tpu.wait_dma2 semaphore(%run_scoped3A : memref<!tpu.dma_semaphore, #tpu.memory_space<semaphore_mem>>) src(%arg5 : memref<128x128xf32, #tpu.memory_space<hbm>>) dst(%arg15 : memref<128x128xf32, #tpu.memory_space<vmem>>)
      tpu.yield
    }) : () -> ()
    "tpu.region"() ({
      %run_scoped3A = tpu.sem_alloc : memref<!tpu.dma_semaphore, #tpu.memory_space<semaphore_mem>>
      tpu.enqueue_dma source(%arg6 : memref<1024xf32, #tpu.memory_space<hbm>>) target(%arg16 : memref<1024xf32, #tpu.memory_space<vmem>>) target_semaphore(%run_scoped3A : memref<!tpu.dma_semaphore, #tpu.memory_space<semaphore_mem>>)
      tpu.wait_dma2 semaphore(%run_scoped3A : memref<!tpu.dma_semaphore, #tpu.memory_space<semaphore_mem>>) src(%arg6 : memref<1024xf32, #tpu.memory_space<hbm>>) dst(%arg16 : memref<1024xf32, #tpu.memory_space<vmem>>)
      tpu.yield
    }) : () -> ()
    "tpu.region"() ({
      %run_scoped3A = tpu.sem_alloc : memref<!tpu.dma_semaphore, #tpu.memory_space<semaphore_mem>>
      %dma_start3A = arith.constant 0 : i32
      %dma_start3A_39 = tpu.memref_slice %arg7[%dma_start3A] : memref<128xf32, #tpu.memory_space<hbm>> -> memref<80xf32, #tpu.memory_space<hbm>>
      %dma_start3A_40 = arith.constant 0 : i32
      %dma_start3A_41 = tpu.memref_slice %arg7[%dma_start3A_40] : memref<128xf32, #tpu.memory_space<hbm>> -> memref<80xf32, #tpu.memory_space<hbm>>
      tpu.enqueue_dma source(%dma_start3A_41 : memref<80xf32, #tpu.memory_space<hbm>>) target(%arg17 : memref<80xf32, #tpu.memory_space<vmem>>) target_semaphore(%run_scoped3A : memref<!tpu.dma_semaphore, #tpu.memory_space<semaphore_mem>>)
      %dma_wait3A = arith.constant 0 : i32
      %dma_wait3A_42 = tpu.memref_slice %arg7[%dma_wait3A] : memref<128xf32, #tpu.memory_space<hbm>> -> memref<80xf32, #tpu.memory_space<hbm>>
      %dma_wait3A_43 = arith.constant 0 : i32
      %dma_wait3A_44 = tpu.memref_slice %arg7[%dma_wait3A_43] : memref<128xf32, #tpu.memory_space<hbm>> -> memref<80xf32, #tpu.memory_space<hbm>>
      tpu.wait_dma2 semaphore(%run_scoped3A : memref<!tpu.dma_semaphore, #tpu.memory_space<semaphore_mem>>) src(%dma_wait3A_44 : memref<80xf32, #tpu.memory_space<hbm>>) dst(%arg17 : memref<80xf32, #tpu.memory_space<vmem>>)
      tpu.yield
    }) : () -> ()
    %mul3A_1 = arith.constant 640 : i32
    %mul3A_2 = arith.muli %arg1, %mul3A_1 : i32
    %add3A_3 = arith.constant 0 : i32
    %add3A_4 = arith.addi %mul3A_2, %add3A_3 : i32
    "tpu.region"() ({
      %run_scoped3A = tpu.sem_alloc : memref<!tpu.dma_semaphore, #tpu.memory_space<semaphore_mem>>
      %dma_start3A = arith.constant 0 : i32
      %dma_start3A_39 = tpu.memref_slice %arg10[%add3A_4, %dma_start3A] : memref<10240x128xf32, #tpu.memory_space<vmem_shared>> -> memref<128x128xf32, #tpu.memory_space<vmem_shared>>
      %dma_start3A_40 = arith.constant 0 : i32
      %dma_start3A_41 = tpu.memref_slice %arg10[%add3A_4, %dma_start3A_40] : memref<10240x128xf32, #tpu.memory_space<vmem_shared>> -> memref<128x128xf32, #tpu.memory_space<vmem_shared>>
      tpu.enqueue_dma source(%arg15 : memref<128x128xf32, #tpu.memory_space<vmem>>) target(%dma_start3A_41 : memref<128x128xf32, #tpu.memory_space<vmem_shared>>) target_semaphore(%run_scoped3A : memref<!tpu.dma_semaphore, #tpu.memory_space<semaphore_mem>>)
      %dma_wait3A = arith.constant 0 : i32
      %dma_wait3A_42 = tpu.memref_slice %arg10[%add3A_4, %dma_wait3A] : memref<10240x128xf32, #tpu.memory_space<vmem_shared>> -> memref<128x128xf32, #tpu.memory_space<vmem_shared>>
      %dma_wait3A_43 = arith.constant 0 : i32
      %dma_wait3A_44 = tpu.memref_slice %arg10[%add3A_4, %dma_wait3A_43] : memref<10240x128xf32, #tpu.memory_space<vmem_shared>> -> memref<128x128xf32, #tpu.memory_space<vmem_shared>>
      tpu.wait_dma2 semaphore(%run_scoped3A : memref<!tpu.dma_semaphore, #tpu.memory_space<semaphore_mem>>) src(%arg15 : memref<128x128xf32, #tpu.memory_space<vmem>>) dst(%dma_wait3A_44 : memref<128x128xf32, #tpu.memory_space<vmem_shared>>)
      tpu.yield
    }) : () -> ()
    %mul3A_5 = arith.constant 640 : i32
    %mul3A_6 = arith.muli %arg1, %mul3A_5 : i32
    %add3A_7 = arith.constant 128 : i32
    %add3A_8 = arith.addi %mul3A_6, %add3A_7 : i32
    "tpu.region"() ({
      %run_scoped3A = tpu.sem_alloc : memref<!tpu.dma_semaphore, #tpu.memory_space<semaphore_mem>>
      %dma_start3A = arith.constant 0 : i32
      %dma_start3A_39 = tpu.memref_slice %arg10[%add3A_8, %dma_start3A] : memref<10240x128xf32, #tpu.memory_space<vmem_shared>> -> memref<128x128xf32, #tpu.memory_space<vmem_shared>>
      %dma_start3A_40 = arith.constant 0 : i32
      %dma_start3A_41 = tpu.memref_slice %arg10[%add3A_8, %dma_start3A_40] : memref<10240x128xf32, #tpu.memory_space<vmem_shared>> -> memref<128x128xf32, #tpu.memory_space<vmem_shared>>
      tpu.enqueue_dma source(%arg15 : memref<128x128xf32, #tpu.memory_space<vmem>>) target(%dma_start3A_41 : memref<128x128xf32, #tpu.memory_space<vmem_shared>>) target_semaphore(%run_scoped3A : memref<!tpu.dma_semaphore, #tpu.memory_space<semaphore_mem>>)
      %dma_wait3A = arith.constant 0 : i32
      %dma_wait3A_42 = tpu.memref_slice %arg10[%add3A_8, %dma_wait3A] : memref<10240x128xf32, #tpu.memory_space<vmem_shared>> -> memref<128x128xf32, #tpu.memory_space<vmem_shared>>
      %dma_wait3A_43 = arith.constant 0 : i32
      %dma_wait3A_44 = tpu.memref_slice %arg10[%add3A_8, %dma_wait3A_43] : memref<10240x128xf32, #tpu.memory_space<vmem_shared>> -> memref<128x128xf32, #tpu.memory_space<vmem_shared>>
      tpu.wait_dma2 semaphore(%run_scoped3A : memref<!tpu.dma_semaphore, #tpu.memory_space<semaphore_mem>>) src(%arg15 : memref<128x128xf32, #tpu.memory_space<vmem>>) dst(%dma_wait3A_44 : memref<128x128xf32, #tpu.memory_space<vmem_shared>>)
      tpu.yield
    }) : () -> ()
    %mul3A_9 = arith.constant 640 : i32
    %mul3A_10 = arith.muli %arg1, %mul3A_9 : i32
    %add3A_11 = arith.constant 256 : i32
    %add3A_12 = arith.addi %mul3A_10, %add3A_11 : i32
    "tpu.region"() ({
      %run_scoped3A = tpu.sem_alloc : memref<!tpu.dma_semaphore, #tpu.memory_space<semaphore_mem>>
      %dma_start3A = arith.constant 0 : i32
      %dma_start3A_39 = tpu.memref_slice %arg10[%add3A_12, %dma_start3A] : memref<10240x128xf32, #tpu.memory_space<vmem_shared>> -> memref<128x128xf32, #tpu.memory_space<vmem_shared>>
      %dma_start3A_40 = arith.constant 0 : i32
      %dma_start3A_41 = tpu.memref_slice %arg10[%add3A_12, %dma_start3A_40] : memref<10240x128xf32, #tpu.memory_space<vmem_shared>> -> memref<128x128xf32, #tpu.memory_space<vmem_shared>>
      tpu.enqueue_dma source(%arg15 : memref<128x128xf32, #tpu.memory_space<vmem>>) target(%dma_start3A_41 : memref<128x128xf32, #tpu.memory_space<vmem_shared>>) target_semaphore(%run_scoped3A : memref<!tpu.dma_semaphore, #tpu.memory_space<semaphore_mem>>)
      %dma_wait3A = arith.constant 0 : i32
      %dma_wait3A_42 = tpu.memref_slice %arg10[%add3A_12, %dma_wait3A] : memref<10240x128xf32, #tpu.memory_space<vmem_shared>> -> memref<128x128xf32, #tpu.memory_space<vmem_shared>>
      %dma_wait3A_43 = arith.constant 0 : i32
      %dma_wait3A_44 = tpu.memref_slice %arg10[%add3A_12, %dma_wait3A_43] : memref<10240x128xf32, #tpu.memory_space<vmem_shared>> -> memref<128x128xf32, #tpu.memory_space<vmem_shared>>
      tpu.wait_dma2 semaphore(%run_scoped3A : memref<!tpu.dma_semaphore, #tpu.memory_space<semaphore_mem>>) src(%arg15 : memref<128x128xf32, #tpu.memory_space<vmem>>) dst(%dma_wait3A_44 : memref<128x128xf32, #tpu.memory_space<vmem_shared>>)
      tpu.yield
    }) : () -> ()
    %mul3A_13 = arith.constant 640 : i32
    %mul3A_14 = arith.muli %arg1, %mul3A_13 : i32
    %add3A_15 = arith.constant 384 : i32
    %add3A_16 = arith.addi %mul3A_14, %add3A_15 : i32
    "tpu.region"() ({
      %run_scoped3A = tpu.sem_alloc : memref<!tpu.dma_semaphore, #tpu.memory_space<semaphore_mem>>
      %dma_start3A = arith.constant 0 : i32
      %dma_start3A_39 = tpu.memref_slice %arg10[%add3A_16, %dma_start3A] : memref<10240x128xf32, #tpu.memory_space<vmem_shared>> -> memref<128x128xf32, #tpu.memory_space<vmem_shared>>
      %dma_start3A_40 = arith.constant 0 : i32
      %dma_start3A_41 = tpu.memref_slice %arg10[%add3A_16, %dma_start3A_40] : memref<10240x128xf32, #tpu.memory_space<vmem_shared>> -> memref<128x128xf32, #tpu.memory_space<vmem_shared>>
      tpu.enqueue_dma source(%arg15 : memref<128x128xf32, #tpu.memory_space<vmem>>) target(%dma_start3A_41 : memref<128x128xf32, #tpu.memory_space<vmem_shared>>) target_semaphore(%run_scoped3A : memref<!tpu.dma_semaphore, #tpu.memory_space<semaphore_mem>>)
      %dma_wait3A = arith.constant 0 : i32
      %dma_wait3A_42 = tpu.memref_slice %arg10[%add3A_16, %dma_wait3A] : memref<10240x128xf32, #tpu.memory_space<vmem_shared>> -> memref<128x128xf32, #tpu.memory_space<vmem_shared>>
      %dma_wait3A_43 = arith.constant 0 : i32
      %dma_wait3A_44 = tpu.memref_slice %arg10[%add3A_16, %dma_wait3A_43] : memref<10240x128xf32, #tpu.memory_space<vmem_shared>> -> memref<128x128xf32, #tpu.memory_space<vmem_shared>>
      tpu.wait_dma2 semaphore(%run_scoped3A : memref<!tpu.dma_semaphore, #tpu.memory_space<semaphore_mem>>) src(%arg15 : memref<128x128xf32, #tpu.memory_space<vmem>>) dst(%dma_wait3A_44 : memref<128x128xf32, #tpu.memory_space<vmem_shared>>)
      tpu.yield
    }) : () -> ()
    %mul3A_17 = arith.constant 640 : i32
    %mul3A_18 = arith.muli %arg1, %mul3A_17 : i32
    %add3A_19 = arith.constant 512 : i32
    %add3A_20 = arith.addi %mul3A_18, %add3A_19 : i32
    "tpu.region"() ({
      %run_scoped3A = tpu.sem_alloc : memref<!tpu.dma_semaphore, #tpu.memory_space<semaphore_mem>>
      %dma_start3A = arith.constant 0 : i32
      %dma_start3A_39 = tpu.memref_slice %arg10[%add3A_20, %dma_start3A] : memref<10240x128xf32, #tpu.memory_space<vmem_shared>> -> memref<128x128xf32, #tpu.memory_space<vmem_shared>>
      %dma_start3A_40 = arith.constant 0 : i32
      %dma_start3A_41 = tpu.memref_slice %arg10[%add3A_20, %dma_start3A_40] : memref<10240x128xf32, #tpu.memory_space<vmem_shared>> -> memref<128x128xf32, #tpu.memory_space<vmem_shared>>
      tpu.enqueue_dma source(%arg15 : memref<128x128xf32, #tpu.memory_space<vmem>>) target(%dma_start3A_41 : memref<128x128xf32, #tpu.memory_space<vmem_shared>>) target_semaphore(%run_scoped3A : memref<!tpu.dma_semaphore, #tpu.memory_space<semaphore_mem>>)
      %dma_wait3A = arith.constant 0 : i32
      %dma_wait3A_42 = tpu.memref_slice %arg10[%add3A_20, %dma_wait3A] : memref<10240x128xf32, #tpu.memory_space<vmem_shared>> -> memref<128x128xf32, #tpu.memory_space<vmem_shared>>
      %dma_wait3A_43 = arith.constant 0 : i32
      %dma_wait3A_44 = tpu.memref_slice %arg10[%add3A_20, %dma_wait3A_43] : memref<10240x128xf32, #tpu.memory_space<vmem_shared>> -> memref<128x128xf32, #tpu.memory_space<vmem_shared>>
      tpu.wait_dma2 semaphore(%run_scoped3A : memref<!tpu.dma_semaphore, #tpu.memory_space<semaphore_mem>>) src(%arg15 : memref<128x128xf32, #tpu.memory_space<vmem>>) dst(%dma_wait3A_44 : memref<128x128xf32, #tpu.memory_space<vmem_shared>>)
      tpu.yield
    }) : () -> ()
    %lt3A = arith.constant 10 : i32
    %lt3A_21 = arith.cmpi slt, %arg1, %lt3A : i32
    %convert_element_type3A = arith.extui %lt3A_21 : i1 to i32
    %cond3A = arith.constant 0 : i32
    %cond3A_22 = arith.cmpi ne, %convert_element_type3A, %cond3A : i32
    scf.if %cond3A_22 {
      %mul3A_39 = arith.constant 1024 : i32
      %mul3A_40 = arith.muli %arg1, %mul3A_39 : i32
      "tpu.region"() ({
        %run_scoped3A = tpu.sem_alloc : memref<!tpu.dma_semaphore, #tpu.memory_space<semaphore_mem>>
        %dma_start3A = tpu.memref_slice %arg11[%mul3A_40] : memref<10240xf32, #tpu.memory_space<vmem_shared>> -> memref<1024xf32, #tpu.memory_space<vmem_shared>>
        %dma_start3A_41 = tpu.memref_slice %arg11[%mul3A_40] : memref<10240xf32, #tpu.memory_space<vmem_shared>> -> memref<1024xf32, #tpu.memory_space<vmem_shared>>
        tpu.enqueue_dma source(%arg16 : memref<1024xf32, #tpu.memory_space<vmem>>) target(%dma_start3A_41 : memref<1024xf32, #tpu.memory_space<vmem_shared>>) target_semaphore(%run_scoped3A : memref<!tpu.dma_semaphore, #tpu.memory_space<semaphore_mem>>)
        %dma_wait3A = tpu.memref_slice %arg11[%mul3A_40] : memref<10240xf32, #tpu.memory_space<vmem_shared>> -> memref<1024xf32, #tpu.memory_space<vmem_shared>>
        %dma_wait3A_42 = tpu.memref_slice %arg11[%mul3A_40] : memref<10240xf32, #tpu.memory_space<vmem_shared>> -> memref<1024xf32, #tpu.memory_space<vmem_shared>>
        tpu.wait_dma2 semaphore(%run_scoped3A : memref<!tpu.dma_semaphore, #tpu.memory_space<semaphore_mem>>) src(%arg16 : memref<1024xf32, #tpu.memory_space<vmem>>) dst(%dma_wait3A_42 : memref<1024xf32, #tpu.memory_space<vmem_shared>>)
        tpu.yield
      }) : () -> ()
    } else {
    }
    %barrier3A = arith.constant 0 : index
    tpu.barrier barrier_id(%barrier3A)
    %mul3A_23 = arith.constant 10000 : i32
    %mul3A_24 = arith.muli %add3A, %mul3A_23 : i32
    %scan3A = arith.constant 0 : i32
    %scan3A_25 = arith.constant 0 : i32
    %scan3A_26 = arith.constant 125 : i32
    %scan3A_27 = arith.addi %scan3A_25, %scan3A_26 : i32
    %scan3A_28 = arith.constant 1 : i32
    scf.for %scan3A_39 = %scan3A_25 to %scan3A_27 step %scan3A_28  : i32 {
      %mul3A_40 = arith.constant 80 : i32
      %mul3A_41 = arith.muli %scan3A_39, %mul3A_40 : i32
      %add3A_42 = arith.addi %mul3A_24, %mul3A_41 : i32
      "tpu.region"() ({
        %run_scoped3A = tpu.sem_alloc : memref<!tpu.dma_semaphore, #tpu.memory_space<semaphore_mem>>
        %dma_start3A_47 = tpu.memref_slice %arg3[%add3A_42] : memref<320000xi32, #tpu.memory_space<hbm>> -> memref<80xi32, #tpu.memory_space<hbm>>
        %dma_start3A_48 = tpu.memref_slice %arg3[%add3A_42] : memref<320000xi32, #tpu.memory_space<hbm>> -> memref<80xi32, #tpu.memory_space<hbm>>
        tpu.enqueue_dma source(%dma_start3A_48 : memref<80xi32, #tpu.memory_space<hbm>>) target(%arg12 : memref<80xi32, #tpu.memory_space<vmem>>) target_semaphore(%run_scoped3A : memref<!tpu.dma_semaphore, #tpu.memory_space<semaphore_mem>>)
        %dma_wait3A_49 = tpu.memref_slice %arg3[%add3A_42] : memref<320000xi32, #tpu.memory_space<hbm>> -> memref<80xi32, #tpu.memory_space<hbm>>
        %dma_wait3A_50 = tpu.memref_slice %arg3[%add3A_42] : memref<320000xi32, #tpu.memory_space<hbm>> -> memref<80xi32, #tpu.memory_space<hbm>>
        tpu.wait_dma2 semaphore(%run_scoped3A : memref<!tpu.dma_semaphore, #tpu.memory_space<semaphore_mem>>) src(%dma_wait3A_50 : memref<80xi32, #tpu.memory_space<hbm>>) dst(%arg12 : memref<80xi32, #tpu.memory_space<vmem>>)
        tpu.yield
      }) : () -> ()
      "tpu.region"() ({
        %run_scoped3A = tpu.sem_alloc : memref<!tpu.dma_semaphore, #tpu.memory_space<semaphore_mem>>
        %dma_start3A_47 = tpu.memref_slice %arg4[%add3A_42] : memref<320000xi32, #tpu.memory_space<hbm>> -> memref<80xi32, #tpu.memory_space<hbm>>
        %dma_start3A_48 = tpu.memref_slice %arg4[%add3A_42] : memref<320000xi32, #tpu.memory_space<hbm>> -> memref<80xi32, #tpu.memory_space<hbm>>
        tpu.enqueue_dma source(%dma_start3A_48 : memref<80xi32, #tpu.memory_space<hbm>>) target(%arg13 : memref<80xi32, #tpu.memory_space<vmem>>) target_semaphore(%run_scoped3A : memref<!tpu.dma_semaphore, #tpu.memory_space<semaphore_mem>>)
        %dma_wait3A_49 = tpu.memref_slice %arg4[%add3A_42] : memref<320000xi32, #tpu.memory_space<hbm>> -> memref<80xi32, #tpu.memory_space<hbm>>
        %dma_wait3A_50 = tpu.memref_slice %arg4[%add3A_42] : memref<320000xi32, #tpu.memory_space<hbm>> -> memref<80xi32, #tpu.memory_space<hbm>>
        tpu.wait_dma2 semaphore(%run_scoped3A : memref<!tpu.dma_semaphore, #tpu.memory_space<semaphore_mem>>) src(%dma_wait3A_50 : memref<80xi32, #tpu.memory_space<hbm>>) dst(%arg13 : memref<80xi32, #tpu.memory_space<vmem>>)
        tpu.yield
      }) : () -> ()
      %dma_start3A = arith.constant 0 : i32
      %dma_start3A_43 = arith.constant 0 : i32
      %dma_start3A_44 = tpu.memref_slice %arg2[%dma_start3A, %dma_start3A_43] : memref<10000x128xf32, #tpu.memory_space<hbm>> -> memref<10000x128xf32, #tpu.memory_space<hbm>>
      tpu.enqueue_indirect_dma source(%dma_start3A_44 : memref<10000x128xf32, #tpu.memory_space<hbm>>) target(%arg14 : memref<80x128xf32, #tpu.memory_space<vmem>>) offsets(%arg13 : memref<80xi32, #tpu.memory_space<vmem>>) semaphore(%arg18 : memref<!tpu.dma_semaphore, #tpu.memory_space<semaphore_mem>>)
      %dma_wait3A = arith.constant 0 : i32
      %dma_wait3A_45 = arith.constant 0 : i32
      %dma_wait3A_46 = tpu.memref_slice %arg2[%dma_wait3A, %dma_wait3A_45] : memref<10000x128xf32, #tpu.memory_space<hbm>> -> memref<10000x128xf32, #tpu.memory_space<hbm>>
      tpu.wait_indirect_dma semaphore(%arg18 : memref<!tpu.dma_semaphore, #tpu.memory_space<semaphore_mem>>) src(%dma_wait3A_46 : memref<10000x128xf32, #tpu.memory_space<hbm>>) dst(%arg14 : memref<80x128xf32, #tpu.memory_space<vmem>>)
      "tpu.region"() ({
        %run_scoped3A = tpu.sem_alloc : memref<!tpu.dma_semaphore, #tpu.memory_space<semaphore_mem>>
        %dma_start3A_47 = arith.constant 0 : i32
        %dma_start3A_48 = arith.constant 0 : i32
        %dma_start3A_49 = tpu.memref_slice %arg10[%dma_start3A_47, %dma_start3A_48] : memref<10240x128xf32, #tpu.memory_space<vmem_shared>> -> memref<10240x128xf32, #tpu.memory_space<vmem_shared>>
        tpu.enqueue_indirect_dma source(%arg14 : memref<80x128xf32, #tpu.memory_space<vmem>>) target(%dma_start3A_49 : memref<10240x128xf32, #tpu.memory_space<vmem_shared>>) offsets(%arg12 : memref<80xi32, #tpu.memory_space<vmem>>) semaphore(%run_scoped3A : memref<!tpu.dma_semaphore, #tpu.memory_space<semaphore_mem>>) {add = true}
        %dma_wait3A_50 = arith.constant 0 : i32
        %dma_wait3A_51 = arith.constant 0 : i32
        %dma_wait3A_52 = tpu.memref_slice %arg10[%dma_wait3A_50, %dma_wait3A_51] : memref<10240x128xf32, #tpu.memory_space<vmem_shared>> -> memref<10240x128xf32, #tpu.memory_space<vmem_shared>>
        tpu.wait_indirect_dma semaphore(%run_scoped3A : memref<!tpu.dma_semaphore, #tpu.memory_space<semaphore_mem>>) src(%arg14 : memref<80x128xf32, #tpu.memory_space<vmem>>) dst(%dma_wait3A_52 : memref<10240x128xf32, #tpu.memory_space<vmem_shared>>)
        tpu.yield
      }) : () -> ()
      "tpu.region"() ({
        %run_scoped3A = tpu.sem_alloc : memref<!tpu.dma_semaphore, #tpu.memory_space<semaphore_mem>>
        %dma_start3A_47 = arith.constant 0 : i32
        %dma_start3A_48 = tpu.memref_slice %arg11[%dma_start3A_47] : memref<10240xf32, #tpu.memory_space<vmem_shared>> -> memref<10240xf32, #tpu.memory_space<vmem_shared>>
        tpu.enqueue_indirect_dma source(%arg17 : memref<80xf32, #tpu.memory_space<vmem>>) target(%dma_start3A_48 : memref<10240xf32, #tpu.memory_space<vmem_shared>>) offsets(%arg12 : memref<80xi32, #tpu.memory_space<vmem>>) semaphore(%run_scoped3A : memref<!tpu.dma_semaphore, #tpu.memory_space<semaphore_mem>>) {add = true}
        %dma_wait3A_49 = arith.constant 0 : i32
        %dma_wait3A_50 = tpu.memref_slice %arg11[%dma_wait3A_49] : memref<10240xf32, #tpu.memory_space<vmem_shared>> -> memref<10240xf32, #tpu.memory_space<vmem_shared>>
        tpu.wait_indirect_dma semaphore(%run_scoped3A : memref<!tpu.dma_semaphore, #tpu.memory_space<semaphore_mem>>) src(%arg17 : memref<80xf32, #tpu.memory_space<vmem>>) dst(%dma_wait3A_50 : memref<10240xf32, #tpu.memory_space<vmem_shared>>)
        tpu.yield
      }) : () -> ()
    }
    %scan3A_29 = arith.constant 125 : i32
    %barrier3A_30 = arith.constant 0 : index
    tpu.barrier barrier_id(%barrier3A_30)
    %mul3A_31 = arith.constant 640 : i32
    %mul3A_32 = arith.muli %arg1, %mul3A_31 : i32
    %mul3A_33 = arith.constant 640 : i32
    %mul3A_34 = arith.muli %arg1, %mul3A_33 : i32
    "tpu.region"() ({
      %run_scoped3A = tpu.sem_alloc : memref<!tpu.dma_semaphore, #tpu.memory_space<semaphore_mem>>
      %dma_start3A = arith.constant 0 : i32
      %dma_start3A_39 = tpu.memref_slice %arg8[%arg0, %mul3A_34, %dma_start3A] : memref<2x10240x128xf32, #tpu.memory_space<hbm>> -> memref<1x640x128xf32, #tpu.memory_space<hbm>>
      %dma_start3A_40 = tpu.memref_squeeze %dma_start3A_39 : memref<1x640x128xf32, #tpu.memory_space<hbm>> -> memref<640x128xf32, #tpu.memory_space<hbm>>
      %dma_start3A_41 = arith.constant 0 : i32
      %dma_start3A_42 = tpu.memref_slice %arg10[%mul3A_32, %dma_start3A_41] : memref<10240x128xf32, #tpu.memory_space<vmem_shared>> -> memref<640x128xf32, #tpu.memory_space<vmem_shared>>
      tpu.enqueue_dma source(%dma_start3A_42 : memref<640x128xf32, #tpu.memory_space<vmem_shared>>) target(%dma_start3A_40 : memref<640x128xf32, #tpu.memory_space<hbm>>) target_semaphore(%run_scoped3A : memref<!tpu.dma_semaphore, #tpu.memory_space<semaphore_mem>>)
      %dma_wait3A = arith.constant 0 : i32
      %dma_wait3A_43 = tpu.memref_slice %arg8[%arg0, %mul3A_34, %dma_wait3A] : memref<2x10240x128xf32, #tpu.memory_space<hbm>> -> memref<1x640x128xf32, #tpu.memory_space<hbm>>
      %dma_wait3A_44 = tpu.memref_squeeze %dma_wait3A_43 : memref<1x640x128xf32, #tpu.memory_space<hbm>> -> memref<640x128xf32, #tpu.memory_space<hbm>>
      %dma_wait3A_45 = arith.constant 0 : i32
      %dma_wait3A_46 = tpu.memref_slice %arg10[%mul3A_32, %dma_wait3A_45] : memref<10240x128xf32, #tpu.memory_space<vmem_shared>> -> memref<640x128xf32, #tpu.memory_space<vmem_shared>>
      tpu.wait_dma2 semaphore(%run_scoped3A : memref<!tpu.dma_semaphore, #tpu.memory_space<semaphore_mem>>) src(%dma_wait3A_46 : memref<640x128xf32, #tpu.memory_space<vmem_shared>>) dst(%dma_wait3A_44 : memref<640x128xf32, #tpu.memory_space<hbm>>)
      tpu.yield
    }) : () -> ()
    %eq3A = arith.constant 0 : i32
    %eq3A_35 = arith.cmpi eq, %arg1, %eq3A : i32
    %convert_element_type3A_36 = arith.extui %eq3A_35 : i1 to i32
    %cond3A_37 = arith.constant 0 : i32
    %cond3A_38 = arith.cmpi ne, %convert_element_type3A_36, %cond3A_37 : i32
    scf.if %cond3A_38 {
      "tpu.region"() ({
        %run_scoped3A = tpu.sem_alloc : memref<!tpu.dma_semaphore, #tpu.memory_space<semaphore_mem>>
        %dma_start3A = arith.constant 0 : i32
        %dma_start3A_39 = tpu.memref_slice %arg9[%arg0, %dma_start3A] : memref<2x10240xf32, #tpu.memory_space<hbm>> -> memref<1x10240xf32, #tpu.memory_space<hbm>>
        %dma_start3A_40 = tpu.memref_squeeze %dma_start3A_39 : memref<1x10240xf32, #tpu.memory_space<hbm>> -> memref<10240xf32, #tpu.memory_space<hbm>>
        tpu.enqueue_dma source(%arg11 : memref<10240xf32, #tpu.memory_space<vmem_shared>>) target(%dma_start3A_40 : memref<10240xf32, #tpu.memory_space<hbm>>) target_semaphore(%run_scoped3A : memref<!tpu.dma_semaphore, #tpu.memory_space<semaphore_mem>>)
        %dma_wait3A = arith.constant 0 : i32
        %dma_wait3A_41 = tpu.memref_slice %arg9[%arg0, %dma_wait3A] : memref<2x10240xf32, #tpu.memory_space<hbm>> -> memref<1x10240xf32, #tpu.memory_space<hbm>>
        %dma_wait3A_42 = tpu.memref_squeeze %dma_wait3A_41 : memref<1x10240xf32, #tpu.memory_space<hbm>> -> memref<10240xf32, #tpu.memory_space<hbm>>
        tpu.wait_dma2 semaphore(%run_scoped3A : memref<!tpu.dma_semaphore, #tpu.memory_space<semaphore_mem>>) src(%arg11 : memref<10240xf32, #tpu.memory_space<vmem_shared>>) dst(%dma_wait3A_42 : memref<10240xf32, #tpu.memory_space<hbm>>)
        tpu.yield
      }) : () -> ()
    } else {
    }
    return
  }
}

#map = affine_map<(d0, d1) -> (0, 0)>
#map1 = affine_map<(d0, d1) -> (0)>
#map2 = affine_map<(d0, d1) -> (0, 0, 0)>
module attributes {stable_mosaic.version = 14 : i64} {
  func.func @_sc_gm(%arg0: i32, %arg1: i32, %arg2: memref<10240x128xf32, #tpu.memory_space<hbm>>, %arg3: memref<10000x10240xf32, #tpu.memory_space<hbm>>, %arg4: memref<2048xi32, #tpu.memory_space<hbm>>, %arg5: memref<2048xi32, #tpu.memory_space<hbm>>, %arg6: memref<4096xi32, #tpu.memory_space<hbm>>, %arg7: memref<2048x128xf32, #tpu.memory_space<hbm>>, %arg8: memref<2048x128xf32, #tpu.memory_space<hbm>>, %arg9: memref<2048x80x128xf32, #tpu.memory_space<hbm>>, %arg10: memref<64xi32, #tpu.memory_space<vmem>>, %arg11: memref<64xi32, #tpu.memory_space<vmem>>, %arg12: memref<128xi32, #tpu.memory_space<vmem>>, %arg13: memref<64x128xf32, #tpu.memory_space<vmem>>, %arg14: memref<8x10240xf32, #tpu.memory_space<vmem>>, %arg15: memref<80x128xf32, #tpu.memory_space<vmem>>, %arg16: memref<!tpu.dma_semaphore, #tpu.memory_space<semaphore_mem>>) attributes {dimension_semantics = [#tpu.dimension_semantics<core_parallel>, #tpu.dimension_semantics<subcore_parallel>], iteration_bounds = array<i64: 2, 16>, scalar_prefetch = 0 : i64, scratch_operands = 7 : i64, tpu.core_type = #tpu.core_type<sc_vector_subcore>, window_params = [{transform_indices = #map}, {transform_indices = #map}, {transform_indices = #map1}, {transform_indices = #map1}, {transform_indices = #map1}, {transform_indices = #map}, {transform_indices = #map}, {transform_indices = #map2}]} {
    %mul3A = arith.constant 2 : i32
    %mul3A_0 = arith.muli %arg1, %mul3A : i32
    %add3A = arith.addi %mul3A_0, %arg0 : i32
    %mul3A_1 = arith.constant 64 : i32
    %mul3A_2 = arith.muli %add3A, %mul3A_1 : i32
    "tpu.region"() ({
      %run_scoped3A = tpu.sem_alloc : memref<!tpu.dma_semaphore, #tpu.memory_space<semaphore_mem>>
      %dma_start3A_110 = tpu.memref_slice %arg4[%mul3A_2] : memref<2048xi32, #tpu.memory_space<hbm>> -> memref<64xi32, #tpu.memory_space<hbm>>
      %dma_start3A_111 = tpu.memref_slice %arg4[%mul3A_2] : memref<2048xi32, #tpu.memory_space<hbm>> -> memref<64xi32, #tpu.memory_space<hbm>>
      tpu.enqueue_dma source(%dma_start3A_111 : memref<64xi32, #tpu.memory_space<hbm>>) target(%arg10 : memref<64xi32, #tpu.memory_space<vmem>>) target_semaphore(%run_scoped3A : memref<!tpu.dma_semaphore, #tpu.memory_space<semaphore_mem>>)
      %dma_wait3A_112 = tpu.memref_slice %arg4[%mul3A_2] : memref<2048xi32, #tpu.memory_space<hbm>> -> memref<64xi32, #tpu.memory_space<hbm>>
      %dma_wait3A_113 = tpu.memref_slice %arg4[%mul3A_2] : memref<2048xi32, #tpu.memory_space<hbm>> -> memref<64xi32, #tpu.memory_space<hbm>>
      tpu.wait_dma2 semaphore(%run_scoped3A : memref<!tpu.dma_semaphore, #tpu.memory_space<semaphore_mem>>) src(%dma_wait3A_113 : memref<64xi32, #tpu.memory_space<hbm>>) dst(%arg10 : memref<64xi32, #tpu.memory_space<vmem>>)
      tpu.yield
    }) : () -> ()
    %dma_start3A = arith.constant 0 : i32
    %dma_start3A_3 = arith.constant 0 : i32
    %dma_start3A_4 = tpu.memref_slice %arg2[%dma_start3A, %dma_start3A_3] : memref<10240x128xf32, #tpu.memory_space<hbm>> -> memref<10240x128xf32, #tpu.memory_space<hbm>>
    tpu.enqueue_indirect_dma source(%dma_start3A_4 : memref<10240x128xf32, #tpu.memory_space<hbm>>) target(%arg13 : memref<64x128xf32, #tpu.memory_space<vmem>>) offsets(%arg10 : memref<64xi32, #tpu.memory_space<vmem>>) semaphore(%arg16 : memref<!tpu.dma_semaphore, #tpu.memory_space<semaphore_mem>>)
    %dma_wait3A = arith.constant 0 : i32
    %dma_wait3A_5 = arith.constant 0 : i32
    %dma_wait3A_6 = tpu.memref_slice %arg2[%dma_wait3A, %dma_wait3A_5] : memref<10240x128xf32, #tpu.memory_space<hbm>> -> memref<10240x128xf32, #tpu.memory_space<hbm>>
    tpu.wait_indirect_dma semaphore(%arg16 : memref<!tpu.dma_semaphore, #tpu.memory_space<semaphore_mem>>) src(%dma_wait3A_6 : memref<10240x128xf32, #tpu.memory_space<hbm>>) dst(%arg13 : memref<64x128xf32, #tpu.memory_space<vmem>>)
    "tpu.region"() ({
      %run_scoped3A = tpu.sem_alloc : memref<!tpu.dma_semaphore, #tpu.memory_space<semaphore_mem>>
      %dma_start3A_110 = arith.constant 0 : i32
      %dma_start3A_111 = tpu.memref_slice %arg7[%mul3A_2, %dma_start3A_110] : memref<2048x128xf32, #tpu.memory_space<hbm>> -> memref<64x128xf32, #tpu.memory_space<hbm>>
      %dma_start3A_112 = arith.constant 0 : i32
      %dma_start3A_113 = tpu.memref_slice %arg7[%mul3A_2, %dma_start3A_112] : memref<2048x128xf32, #tpu.memory_space<hbm>> -> memref<64x128xf32, #tpu.memory_space<hbm>>
      tpu.enqueue_dma source(%arg13 : memref<64x128xf32, #tpu.memory_space<vmem>>) target(%dma_start3A_113 : memref<64x128xf32, #tpu.memory_space<hbm>>) target_semaphore(%run_scoped3A : memref<!tpu.dma_semaphore, #tpu.memory_space<semaphore_mem>>)
      %dma_wait3A_114 = arith.constant 0 : i32
      %dma_wait3A_115 = tpu.memref_slice %arg7[%mul3A_2, %dma_wait3A_114] : memref<2048x128xf32, #tpu.memory_space<hbm>> -> memref<64x128xf32, #tpu.memory_space<hbm>>
      %dma_wait3A_116 = arith.constant 0 : i32
      %dma_wait3A_117 = tpu.memref_slice %arg7[%mul3A_2, %dma_wait3A_116] : memref<2048x128xf32, #tpu.memory_space<hbm>> -> memref<64x128xf32, #tpu.memory_space<hbm>>
      tpu.wait_dma2 semaphore(%run_scoped3A : memref<!tpu.dma_semaphore, #tpu.memory_space<semaphore_mem>>) src(%arg13 : memref<64x128xf32, #tpu.memory_space<vmem>>) dst(%dma_wait3A_117 : memref<64x128xf32, #tpu.memory_space<hbm>>)
      tpu.yield
    }) : () -> ()
    "tpu.region"() ({
      %run_scoped3A = tpu.sem_alloc : memref<!tpu.dma_semaphore, #tpu.memory_space<semaphore_mem>>
      %dma_start3A_110 = tpu.memref_slice %arg5[%mul3A_2] : memref<2048xi32, #tpu.memory_space<hbm>> -> memref<64xi32, #tpu.memory_space<hbm>>
      %dma_start3A_111 = tpu.memref_slice %arg5[%mul3A_2] : memref<2048xi32, #tpu.memory_space<hbm>> -> memref<64xi32, #tpu.memory_space<hbm>>
      tpu.enqueue_dma source(%dma_start3A_111 : memref<64xi32, #tpu.memory_space<hbm>>) target(%arg11 : memref<64xi32, #tpu.memory_space<vmem>>) target_semaphore(%run_scoped3A : memref<!tpu.dma_semaphore, #tpu.memory_space<semaphore_mem>>)
      %dma_wait3A_112 = tpu.memref_slice %arg5[%mul3A_2] : memref<2048xi32, #tpu.memory_space<hbm>> -> memref<64xi32, #tpu.memory_space<hbm>>
      %dma_wait3A_113 = tpu.memref_slice %arg5[%mul3A_2] : memref<2048xi32, #tpu.memory_space<hbm>> -> memref<64xi32, #tpu.memory_space<hbm>>
      tpu.wait_dma2 semaphore(%run_scoped3A : memref<!tpu.dma_semaphore, #tpu.memory_space<semaphore_mem>>) src(%dma_wait3A_113 : memref<64xi32, #tpu.memory_space<hbm>>) dst(%arg11 : memref<64xi32, #tpu.memory_space<vmem>>)
      tpu.yield
    }) : () -> ()
    %dma_start3A_7 = arith.constant 0 : i32
    %dma_start3A_8 = arith.constant 0 : i32
    %dma_start3A_9 = tpu.memref_slice %arg2[%dma_start3A_7, %dma_start3A_8] : memref<10240x128xf32, #tpu.memory_space<hbm>> -> memref<10240x128xf32, #tpu.memory_space<hbm>>
    tpu.enqueue_indirect_dma source(%dma_start3A_9 : memref<10240x128xf32, #tpu.memory_space<hbm>>) target(%arg13 : memref<64x128xf32, #tpu.memory_space<vmem>>) offsets(%arg11 : memref<64xi32, #tpu.memory_space<vmem>>) semaphore(%arg16 : memref<!tpu.dma_semaphore, #tpu.memory_space<semaphore_mem>>)
    %dma_wait3A_10 = arith.constant 0 : i32
    %dma_wait3A_11 = arith.constant 0 : i32
    %dma_wait3A_12 = tpu.memref_slice %arg2[%dma_wait3A_10, %dma_wait3A_11] : memref<10240x128xf32, #tpu.memory_space<hbm>> -> memref<10240x128xf32, #tpu.memory_space<hbm>>
    tpu.wait_indirect_dma semaphore(%arg16 : memref<!tpu.dma_semaphore, #tpu.memory_space<semaphore_mem>>) src(%dma_wait3A_12 : memref<10240x128xf32, #tpu.memory_space<hbm>>) dst(%arg13 : memref<64x128xf32, #tpu.memory_space<vmem>>)
    "tpu.region"() ({
      %run_scoped3A = tpu.sem_alloc : memref<!tpu.dma_semaphore, #tpu.memory_space<semaphore_mem>>
      %dma_start3A_110 = arith.constant 0 : i32
      %dma_start3A_111 = tpu.memref_slice %arg8[%mul3A_2, %dma_start3A_110] : memref<2048x128xf32, #tpu.memory_space<hbm>> -> memref<64x128xf32, #tpu.memory_space<hbm>>
      %dma_start3A_112 = arith.constant 0 : i32
      %dma_start3A_113 = tpu.memref_slice %arg8[%mul3A_2, %dma_start3A_112] : memref<2048x128xf32, #tpu.memory_space<hbm>> -> memref<64x128xf32, #tpu.memory_space<hbm>>
      tpu.enqueue_dma source(%arg13 : memref<64x128xf32, #tpu.memory_space<vmem>>) target(%dma_start3A_113 : memref<64x128xf32, #tpu.memory_space<hbm>>) target_semaphore(%run_scoped3A : memref<!tpu.dma_semaphore, #tpu.memory_space<semaphore_mem>>)
      %dma_wait3A_114 = arith.constant 0 : i32
      %dma_wait3A_115 = tpu.memref_slice %arg8[%mul3A_2, %dma_wait3A_114] : memref<2048x128xf32, #tpu.memory_space<hbm>> -> memref<64x128xf32, #tpu.memory_space<hbm>>
      %dma_wait3A_116 = arith.constant 0 : i32
      %dma_wait3A_117 = tpu.memref_slice %arg8[%mul3A_2, %dma_wait3A_116] : memref<2048x128xf32, #tpu.memory_space<hbm>> -> memref<64x128xf32, #tpu.memory_space<hbm>>
      tpu.wait_dma2 semaphore(%run_scoped3A : memref<!tpu.dma_semaphore, #tpu.memory_space<semaphore_mem>>) src(%arg13 : memref<64x128xf32, #tpu.memory_space<vmem>>) dst(%dma_wait3A_117 : memref<64x128xf32, #tpu.memory_space<hbm>>)
      tpu.yield
    }) : () -> ()
    %mul3A_13 = arith.constant 2 : i32
    %mul3A_14 = arith.muli %mul3A_13, %mul3A_2 : i32
    "tpu.region"() ({
      %run_scoped3A = tpu.sem_alloc : memref<!tpu.dma_semaphore, #tpu.memory_space<semaphore_mem>>
      %dma_start3A_110 = tpu.memref_slice %arg6[%mul3A_14] : memref<4096xi32, #tpu.memory_space<hbm>> -> memref<128xi32, #tpu.memory_space<hbm>>
      %dma_start3A_111 = tpu.memref_slice %arg6[%mul3A_14] : memref<4096xi32, #tpu.memory_space<hbm>> -> memref<128xi32, #tpu.memory_space<hbm>>
      tpu.enqueue_dma source(%dma_start3A_111 : memref<128xi32, #tpu.memory_space<hbm>>) target(%arg12 : memref<128xi32, #tpu.memory_space<vmem>>) target_semaphore(%run_scoped3A : memref<!tpu.dma_semaphore, #tpu.memory_space<semaphore_mem>>)
      %dma_wait3A_112 = tpu.memref_slice %arg6[%mul3A_14] : memref<4096xi32, #tpu.memory_space<hbm>> -> memref<128xi32, #tpu.memory_space<hbm>>
      %dma_wait3A_113 = tpu.memref_slice %arg6[%mul3A_14] : memref<4096xi32, #tpu.memory_space<hbm>> -> memref<128xi32, #tpu.memory_space<hbm>>
      tpu.wait_dma2 semaphore(%run_scoped3A : memref<!tpu.dma_semaphore, #tpu.memory_space<semaphore_mem>>) src(%dma_wait3A_113 : memref<128xi32, #tpu.memory_space<hbm>>) dst(%arg12 : memref<128xi32, #tpu.memory_space<vmem>>)
      tpu.yield
    }) : () -> ()
    %broadcast_in_dim3A = arith.constant 0.000000e+00 : f32
    %broadcast_in_dim3A_15 = vector.broadcast %broadcast_in_dim3A : f32 to vector<16xf32>
    %swap3A = arith.constant 78 : i32
    %swap3A_16 = arith.index_cast %swap3A : i32 to index
    %swap3A_17 = arith.constant 16 : index
    %swap3A_18 = tpu.vector_load %arg15[%swap3A_16, %swap3A_17] {strides = array<i32>} : memref<80x128xf32, #tpu.memory_space<vmem>>, vector<1x16xf32>,
    %swap3A_19 = vector.shape_cast %swap3A_18 : vector<1x16xf32> to vector<16xf32>
    %swap3A_20 = vector.shape_cast %broadcast_in_dim3A_15 : vector<16xf32> to vector<1x16xf32>
    tpu.vector_store %arg15[%swap3A_16, %swap3A_17], %swap3A_20 {strides = array<i32>} : memref<80x128xf32, #tpu.memory_space<vmem>>, vector<1x16xf32>,
    %swap3A_21 = arith.constant 78 : i32
    %swap3A_22 = arith.index_cast %swap3A_21 : i32 to index
    %swap3A_23 = arith.constant 32 : index
    %swap3A_24 = tpu.vector_load %arg15[%swap3A_22, %swap3A_23] {strides = array<i32>} : memref<80x128xf32, #tpu.memory_space<vmem>>, vector<1x16xf32>,
    %swap3A_25 = vector.shape_cast %swap3A_24 : vector<1x16xf32> to vector<16xf32>
    %swap3A_26 = vector.shape_cast %broadcast_in_dim3A_15 : vector<16xf32> to vector<1x16xf32>
    tpu.vector_store %arg15[%swap3A_22, %swap3A_23], %swap3A_26 {strides = array<i32>} : memref<80x128xf32, #tpu.memory_space<vmem>>, vector<1x16xf32>,
    %swap3A_27 = arith.constant 78 : i32
    %swap3A_28 = arith.index_cast %swap3A_27 : i32 to index
    %swap3A_29 = arith.constant 48 : index
    %swap3A_30 = tpu.vector_load %arg15[%swap3A_28, %swap3A_29] {strides = array<i32>} : memref<80x128xf32, #tpu.memory_space<vmem>>, vector<1x16xf32>,
    %swap3A_31 = vector.shape_cast %swap3A_30 : vector<1x16xf32> to vector<16xf32>
    %swap3A_32 = vector.shape_cast %broadcast_in_dim3A_15 : vector<16xf32> to vector<1x16xf32>
    tpu.vector_store %arg15[%swap3A_28, %swap3A_29], %swap3A_32 {strides = array<i32>} : memref<80x128xf32, #tpu.memory_space<vmem>>, vector<1x16xf32>,
    %swap3A_33 = arith.constant 78 : i32
    %swap3A_34 = arith.index_cast %swap3A_33 : i32 to index
    %swap3A_35 = arith.constant 64 : index
    %swap3A_36 = tpu.vector_load %arg15[%swap3A_34, %swap3A_35] {strides = array<i32>} : memref<80x128xf32, #tpu.memory_space<vmem>>, vector<1x16xf32>,
    %swap3A_37 = vector.shape_cast %swap3A_36 : vector<1x16xf32> to vector<16xf32>
    %swap3A_38 = vector.shape_cast %broadcast_in_dim3A_15 : vector<16xf32> to vector<1x16xf32>
    tpu.vector_store %arg15[%swap3A_34, %swap3A_35], %swap3A_38 {strides = array<i32>} : memref<80x128xf32, #tpu.memory_space<vmem>>, vector<1x16xf32>,
    %swap3A_39 = arith.constant 78 : i32
    %swap3A_40 = arith.index_cast %swap3A_39 : i32 to index
    %swap3A_41 = arith.constant 80 : index
    %swap3A_42 = tpu.vector_load %arg15[%swap3A_40, %swap3A_41] {strides = array<i32>} : memref<80x128xf32, #tpu.memory_space<vmem>>, vector<1x16xf32>,
    %swap3A_43 = vector.shape_cast %swap3A_42 : vector<1x16xf32> to vector<16xf32>
    %swap3A_44 = vector.shape_cast %broadcast_in_dim3A_15 : vector<16xf32> to vector<1x16xf32>
    tpu.vector_store %arg15[%swap3A_40, %swap3A_41], %swap3A_44 {strides = array<i32>} : memref<80x128xf32, #tpu.memory_space<vmem>>, vector<1x16xf32>,
    %swap3A_45 = arith.constant 78 : i32
    %swap3A_46 = arith.index_cast %swap3A_45 : i32 to index
    %swap3A_47 = arith.constant 96 : index
    %swap3A_48 = tpu.vector_load %arg15[%swap3A_46, %swap3A_47] {strides = array<i32>} : memref<80x128xf32, #tpu.memory_space<vmem>>, vector<1x16xf32>,
    %swap3A_49 = vector.shape_cast %swap3A_48 : vector<1x16xf32> to vector<16xf32>
    %swap3A_50 = vector.shape_cast %broadcast_in_dim3A_15 : vector<16xf32> to vector<1x16xf32>
    tpu.vector_store %arg15[%swap3A_46, %swap3A_47], %swap3A_50 {strides = array<i32>} : memref<80x128xf32, #tpu.memory_space<vmem>>, vector<1x16xf32>,
    %swap3A_51 = arith.constant 78 : i32
    %swap3A_52 = arith.index_cast %swap3A_51 : i32 to index
    %swap3A_53 = arith.constant 112 : index
    %swap3A_54 = tpu.vector_load %arg15[%swap3A_52, %swap3A_53] {strides = array<i32>} : memref<80x128xf32, #tpu.memory_space<vmem>>, vector<1x16xf32>,
    %swap3A_55 = vector.shape_cast %swap3A_54 : vector<1x16xf32> to vector<16xf32>
    %swap3A_56 = vector.shape_cast %broadcast_in_dim3A_15 : vector<16xf32> to vector<1x16xf32>
    tpu.vector_store %arg15[%swap3A_52, %swap3A_53], %swap3A_56 {strides = array<i32>} : memref<80x128xf32, #tpu.memory_space<vmem>>, vector<1x16xf32>,
    %swap3A_57 = arith.constant 79 : i32
    %swap3A_58 = arith.index_cast %swap3A_57 : i32 to index
    %swap3A_59 = arith.constant 0 : index
    %swap3A_60 = tpu.vector_load %arg15[%swap3A_58, %swap3A_59] {strides = array<i32>} : memref<80x128xf32, #tpu.memory_space<vmem>>, vector<1x16xf32>,
    %swap3A_61 = vector.shape_cast %swap3A_60 : vector<1x16xf32> to vector<16xf32>
    %swap3A_62 = vector.shape_cast %broadcast_in_dim3A_15 : vector<16xf32> to vector<1x16xf32>
    tpu.vector_store %arg15[%swap3A_58, %swap3A_59], %swap3A_62 {strides = array<i32>} : memref<80x128xf32, #tpu.memory_space<vmem>>, vector<1x16xf32>,
    %swap3A_63 = arith.constant 79 : i32
    %swap3A_64 = arith.index_cast %swap3A_63 : i32 to index
    %swap3A_65 = arith.constant 16 : index
    %swap3A_66 = tpu.vector_load %arg15[%swap3A_64, %swap3A_65] {strides = array<i32>} : memref<80x128xf32, #tpu.memory_space<vmem>>, vector<1x16xf32>,
    %swap3A_67 = vector.shape_cast %swap3A_66 : vector<1x16xf32> to vector<16xf32>
    %swap3A_68 = vector.shape_cast %broadcast_in_dim3A_15 : vector<16xf32> to vector<1x16xf32>
    tpu.vector_store %arg15[%swap3A_64, %swap3A_65], %swap3A_68 {strides = array<i32>} : memref<80x128xf32, #tpu.memory_space<vmem>>, vector<1x16xf32>,
    %swap3A_69 = arith.constant 79 : i32
    %swap3A_70 = arith.index_cast %swap3A_69 : i32 to index
    %swap3A_71 = arith.constant 32 : index
    %swap3A_72 = tpu.vector_load %arg15[%swap3A_70, %swap3A_71] {strides = array<i32>} : memref<80x128xf32, #tpu.memory_space<vmem>>, vector<1x16xf32>,
    %swap3A_73 = vector.shape_cast %swap3A_72 : vector<1x16xf32> to vector<16xf32>
    %swap3A_74 = vector.shape_cast %broadcast_in_dim3A_15 : vector<16xf32> to vector<1x16xf32>
    tpu.vector_store %arg15[%swap3A_70, %swap3A_71], %swap3A_74 {strides = array<i32>} : memref<80x128xf32, #tpu.memory_space<vmem>>, vector<1x16xf32>,
    %swap3A_75 = arith.constant 79 : i32
    %swap3A_76 = arith.index_cast %swap3A_75 : i32 to index
    %swap3A_77 = arith.constant 48 : index
    %swap3A_78 = tpu.vector_load %arg15[%swap3A_76, %swap3A_77] {strides = array<i32>} : memref<80x128xf32, #tpu.memory_space<vmem>>, vector<1x16xf32>,
    %swap3A_79 = vector.shape_cast %swap3A_78 : vector<1x16xf32> to vector<16xf32>
    %swap3A_80 = vector.shape_cast %broadcast_in_dim3A_15 : vector<16xf32> to vector<1x16xf32>
    tpu.vector_store %arg15[%swap3A_76, %swap3A_77], %swap3A_80 {strides = array<i32>} : memref<80x128xf32, #tpu.memory_space<vmem>>, vector<1x16xf32>,
    %swap3A_81 = arith.constant 79 : i32
    %swap3A_82 = arith.index_cast %swap3A_81 : i32 to index
    %swap3A_83 = arith.constant 64 : index
    %swap3A_84 = tpu.vector_load %arg15[%swap3A_82, %swap3A_83] {strides = array<i32>} : memref<80x128xf32, #tpu.memory_space<vmem>>, vector<1x16xf32>,
    %swap3A_85 = vector.shape_cast %swap3A_84 : vector<1x16xf32> to vector<16xf32>
    %swap3A_86 = vector.shape_cast %broadcast_in_dim3A_15 : vector<16xf32> to vector<1x16xf32>
    tpu.vector_store %arg15[%swap3A_82, %swap3A_83], %swap3A_86 {strides = array<i32>} : memref<80x128xf32, #tpu.memory_space<vmem>>, vector<1x16xf32>,
    %swap3A_87 = arith.constant 79 : i32
    %swap3A_88 = arith.index_cast %swap3A_87 : i32 to index
    %swap3A_89 = arith.constant 80 : index
    %swap3A_90 = tpu.vector_load %arg15[%swap3A_88, %swap3A_89] {strides = array<i32>} : memref<80x128xf32, #tpu.memory_space<vmem>>, vector<1x16xf32>,
    %swap3A_91 = vector.shape_cast %swap3A_90 : vector<1x16xf32> to vector<16xf32>
    %swap3A_92 = vector.shape_cast %broadcast_in_dim3A_15 : vector<16xf32> to vector<1x16xf32>
    tpu.vector_store %arg15[%swap3A_88, %swap3A_89], %swap3A_92 {strides = array<i32>} : memref<80x128xf32, #tpu.memory_space<vmem>>, vector<1x16xf32>,
    %swap3A_93 = arith.constant 79 : i32
    %swap3A_94 = arith.index_cast %swap3A_93 : i32 to index
    %swap3A_95 = arith.constant 96 : index
    %swap3A_96 = tpu.vector_load %arg15[%swap3A_94, %swap3A_95] {strides = array<i32>} : memref<80x128xf32, #tpu.memory_space<vmem>>, vector<1x16xf32>,
    %swap3A_97 = vector.shape_cast %swap3A_96 : vector<1x16xf32> to vector<16xf32>
    %swap3A_98 = vector.shape_cast %broadcast_in_dim3A_15 : vector<16xf32> to vector<1x16xf32>
    tpu.vector_store %arg15[%swap3A_94, %swap3A_95], %swap3A_98 {strides = array<i32>} : memref<80x128xf32, #tpu.memory_space<vmem>>, vector<1x16xf32>,
    %swap3A_99 = arith.constant 79 : i32
    %swap3A_100 = arith.index_cast %swap3A_99 : i32 to index
    %swap3A_101 = arith.constant 112 : index
    %swap3A_102 = tpu.vector_load %arg15[%swap3A_100, %swap3A_101] {strides = array<i32>} : memref<80x128xf32, #tpu.memory_space<vmem>>, vector<1x16xf32>,
    %swap3A_103 = vector.shape_cast %swap3A_102 : vector<1x16xf32> to vector<16xf32>
    %swap3A_104 = vector.shape_cast %broadcast_in_dim3A_15 : vector<16xf32> to vector<1x16xf32>
    tpu.vector_store %arg15[%swap3A_100, %swap3A_101], %swap3A_104 {strides = array<i32>} : memref<80x128xf32, #tpu.memory_space<vmem>>, vector<1x16xf32>,
    %scan3A = arith.constant 0 : i32
    %scan3A_105 = arith.constant 0 : i32
    %scan3A_106 = arith.constant 16 : i32
    %scan3A_107 = arith.addi %scan3A_105, %scan3A_106 : i32
    %scan3A_108 = arith.constant 1 : i32
    scf.for %scan3A_110 = %scan3A_105 to %scan3A_107 step %scan3A_108  : i32 {
      %mul3A_111 = arith.constant 8 : i32
      %mul3A_112 = arith.muli %mul3A_111, %scan3A_110 : i32
      %dma_start3A_113 = tpu.memref_slice %arg12[%mul3A_112] : memref<128xi32, #tpu.memory_space<vmem>> -> memref<8xi32, #tpu.memory_space<vmem>>
      %dma_start3A_114 = arith.constant 0 : i32
      %dma_start3A_115 = arith.constant 0 : i32
      %dma_start3A_116 = tpu.memref_slice %arg3[%dma_start3A_114, %dma_start3A_115] : memref<10000x10240xf32, #tpu.memory_space<hbm>> -> memref<10000x10240xf32, #tpu.memory_space<hbm>>
      tpu.enqueue_indirect_dma source(%dma_start3A_116 : memref<10000x10240xf32, #tpu.memory_space<hbm>>) target(%arg14 : memref<8x10240xf32, #tpu.memory_space<vmem>>) offsets(%dma_start3A_113 : memref<8xi32, #tpu.memory_space<vmem>>) semaphore(%arg16 : memref<!tpu.dma_semaphore, #tpu.memory_space<semaphore_mem>>)
      %dma_wait3A_117 = tpu.memref_slice %arg12[%mul3A_112] : memref<128xi32, #tpu.memory_space<vmem>> -> memref<8xi32, #tpu.memory_space<vmem>>
      %dma_wait3A_118 = arith.constant 0 : i32
      %dma_wait3A_119 = arith.constant 0 : i32
      %dma_wait3A_120 = tpu.memref_slice %arg3[%dma_wait3A_118, %dma_wait3A_119] : memref<10000x10240xf32, #tpu.memory_space<hbm>> -> memref<10000x10240xf32, #tpu.memory_space<hbm>>
      tpu.wait_indirect_dma semaphore(%arg16 : memref<!tpu.dma_semaphore, #tpu.memory_space<semaphore_mem>>) src(%dma_wait3A_120 : memref<10000x10240xf32, #tpu.memory_space<hbm>>) dst(%arg14 : memref<8x10240xf32, #tpu.memory_space<vmem>>)
      %scan3A_121 = arith.constant 0 : i32
      %scan3A_122 = arith.constant 0 : i32
      %scan3A_123 = arith.constant 625 : i32
      %scan3A_124 = arith.addi %scan3A_122, %scan3A_123 : i32
      %scan3A_125 = arith.constant 1 : i32
      scf.for %scan3A_165 = %scan3A_122 to %scan3A_124 step %scan3A_125  : i32 {
        %mul3A_166 = arith.constant 16 : i32
        %mul3A_167 = arith.muli %scan3A_165, %mul3A_166 : i32
        %get3A = arith.constant 0 : i32
        %get3A_168 = arith.index_cast %get3A : i32 to index
        %get3A_169 = arith.index_cast %mul3A_167 : i32 to index
        %get3A_170 = tpu.vector_load %arg14[%get3A_168, %get3A_169] {strides = array<i32>} : memref<8x10240xf32, #tpu.memory_space<vmem>>, vector<1x16xf32>,
        %get3A_171 = vector.shape_cast %get3A_170 : vector<1x16xf32> to vector<16xf32>
        %get3A_172 = arith.constant 1 : i32
        %get3A_173 = arith.index_cast %get3A_172 : i32 to index
        %get3A_174 = arith.index_cast %mul3A_167 : i32 to index
        %get3A_175 = tpu.vector_load %arg14[%get3A_173, %get3A_174] {strides = array<i32>} : memref<8x10240xf32, #tpu.memory_space<vmem>>, vector<1x16xf32>,
        %get3A_176 = vector.shape_cast %get3A_175 : vector<1x16xf32> to vector<16xf32>
        %mul3A_177 = arith.mulf %get3A_171, %get3A_176 : vector<16xf32>
        %jit3A = arith.constant 8 : i32
        %div3A = arith.divsi %scan3A_165, %jit3A : i32
        %sign3A = arith.constant 0 : i32
        %sign3A_178 = arith.cmpi sgt, %scan3A_165, %sign3A : i32
        %sign3A_179 = arith.extui %sign3A_178 : i1 to i32
        %sign3A_180 = arith.constant 0 : i32
        %sign3A_181 = arith.cmpi slt, %scan3A_165, %sign3A_180 : i32
        %sign3A_182 = arith.extui %sign3A_181 : i1 to i32
        %sign3A_183 = arith.subi %sign3A_179, %sign3A_182 : i32
        %sign3A_184 = arith.constant 0 : i32
        %sign3A_185 = arith.cmpi sgt, %jit3A, %sign3A_184 : i32
        %sign3A_186 = arith.extui %sign3A_185 : i1 to i32
        %sign3A_187 = arith.constant 0 : i32
        %sign3A_188 = arith.cmpi slt, %jit3A, %sign3A_187 : i32
        %sign3A_189 = arith.extui %sign3A_188 : i1 to i32
        %sign3A_190 = arith.subi %sign3A_186, %sign3A_189 : i32
        %ne3A = arith.cmpi ne, %sign3A_183, %sign3A_190 : i32
        %rem3A = arith.remsi %scan3A_165, %jit3A : i32
        %ne3A_191 = arith.constant 0 : i32
        %ne3A_192 = arith.cmpi ne, %rem3A, %ne3A_191 : i32
        %and3A = arith.andi %ne3A, %ne3A_192 : i1
        %sub3A = arith.constant 1 : i32
        %sub3A_193 = arith.subi %div3A, %sub3A : i32
        %select_n3A = arith.select %and3A, %sub3A_193, %div3A : i32
        %jit3A_194 = arith.constant 8 : i32
        %eq3A = arith.constant 0 : i32
        %eq3A_195 = arith.cmpi eq, %jit3A_194, %eq3A : i32
        %jit3A_196 = arith.constant 1 : i32
        %select_n3A_197 = arith.select %eq3A_195, %jit3A_196, %jit3A_194 : i32
        %rem3A_198 = arith.remsi %scan3A_165, %select_n3A_197 : i32
        %ne3A_199 = arith.constant 0 : i32
        %ne3A_200 = arith.cmpi ne, %rem3A_198, %ne3A_199 : i32
        %lt3A = arith.constant 0 : i32
        %lt3A_201 = arith.cmpi slt, %rem3A_198, %lt3A : i32
        %lt3A_202 = arith.constant 0 : i32
        %lt3A_203 = arith.cmpi slt, %select_n3A_197, %lt3A_202 : i32
        %ne3A_204 = arith.xori %lt3A_201, %lt3A_203 : i1
        %and3A_205 = arith.andi %ne3A_204, %ne3A_200 : i1
        %add3A_206 = arith.addi %rem3A_198, %select_n3A_197 : i32
        %select_n3A_207 = arith.select %and3A_205, %add3A_206, %rem3A_198 : i32
        %mul3A_208 = arith.constant 16 : i32
        %mul3A_209 = arith.muli %select_n3A_207, %mul3A_208 : i32
        %swap3A_210 = arith.index_cast %select_n3A : i32 to index
        %swap3A_211 = arith.index_cast %mul3A_209 : i32 to index
        %swap3A_212 = tpu.vector_load %arg15[%swap3A_210, %swap3A_211] {strides = array<i32>} : memref<80x128xf32, #tpu.memory_space<vmem>>, vector<1x16xf32>,
        %swap3A_213 = vector.shape_cast %swap3A_212 : vector<1x16xf32> to vector<16xf32>
        %swap3A_214 = vector.shape_cast %mul3A_177 : vector<16xf32> to vector<1x16xf32>
        tpu.vector_store %arg15[%swap3A_210, %swap3A_211], %swap3A_214 {strides = array<i32>} : memref<80x128xf32, #tpu.memory_space<vmem>>, vector<1x16xf32>,
      }
      %scan3A_126 = arith.constant 625 : i32
      %mul3A_127 = arith.constant 4 : i32
      %mul3A_128 = arith.muli %mul3A_127, %scan3A_110 : i32
      %add3A_129 = arith.addi %mul3A_2, %mul3A_128 : i32
      %add3A_130 = arith.constant 0 : i32
      %add3A_131 = arith.addi %add3A_129, %add3A_130 : i32
      "tpu.region"() ({
        %run_scoped3A = tpu.sem_alloc : memref<!tpu.dma_semaphore, #tpu.memory_space<semaphore_mem>>
        %dma_start3A_165 = arith.constant 0 : i32
        %dma_start3A_166 = arith.constant 0 : i32
        %dma_start3A_167 = tpu.memref_slice %arg9[%add3A_131, %dma_start3A_165, %dma_start3A_166] : memref<2048x80x128xf32, #tpu.memory_space<hbm>> -> memref<1x80x128xf32, #tpu.memory_space<hbm>>
        %dma_start3A_168 = tpu.memref_squeeze %dma_start3A_167 : memref<1x80x128xf32, #tpu.memory_space<hbm>> -> memref<80x128xf32, #tpu.memory_space<hbm>>
        %dma_start3A_169 = arith.constant 0 : i32
        %dma_start3A_170 = arith.constant 0 : i32
        %dma_start3A_171 = tpu.memref_slice %arg9[%add3A_131, %dma_start3A_169, %dma_start3A_170] : memref<2048x80x128xf32, #tpu.memory_space<hbm>> -> memref<1x80x128xf32, #tpu.memory_space<hbm>>
        %dma_start3A_172 = tpu.memref_squeeze %dma_start3A_171 : memref<1x80x128xf32, #tpu.memory_space<hbm>> -> memref<80x128xf32, #tpu.memory_space<hbm>>
        tpu.enqueue_dma source(%arg15 : memref<80x128xf32, #tpu.memory_space<vmem>>) target(%dma_start3A_172 : memref<80x128xf32, #tpu.memory_space<hbm>>) target_semaphore(%run_scoped3A : memref<!tpu.dma_semaphore, #tpu.memory_space<semaphore_mem>>)
        %dma_wait3A_173 = arith.constant 0 : i32
        %dma_wait3A_174 = arith.constant 0 : i32
        %dma_wait3A_175 = tpu.memref_slice %arg9[%add3A_131, %dma_wait3A_173, %dma_wait3A_174] : memref<2048x80x128xf32, #tpu.memory_space<hbm>> -> memref<1x80x128xf32, #tpu.memory_space<hbm>>
        %dma_wait3A_176 = tpu.memref_squeeze %dma_wait3A_175 : memref<1x80x128xf32, #tpu.memory_space<hbm>> -> memref<80x128xf32, #tpu.memory_space<hbm>>
        %dma_wait3A_177 = arith.constant 0 : i32
        %dma_wait3A_178 = arith.constant 0 : i32
        %dma_wait3A_179 = tpu.memref_slice %arg9[%add3A_131, %dma_wait3A_177, %dma_wait3A_178] : memref<2048x80x128xf32, #tpu.memory_space<hbm>> -> memref<1x80x128xf32, #tpu.memory_space<hbm>>
        %dma_wait3A_180 = tpu.memref_squeeze %dma_wait3A_179 : memref<1x80x128xf32, #tpu.memory_space<hbm>> -> memref<80x128xf32, #tpu.memory_space<hbm>>
        tpu.wait_dma2 semaphore(%run_scoped3A : memref<!tpu.dma_semaphore, #tpu.memory_space<semaphore_mem>>) src(%arg15 : memref<80x128xf32, #tpu.memory_space<vmem>>) dst(%dma_wait3A_180 : memref<80x128xf32, #tpu.memory_space<hbm>>)
        tpu.yield
      }) : () -> ()
      %scan3A_132 = arith.constant 0 : i32
      %scan3A_133 = arith.constant 0 : i32
      %scan3A_134 = arith.constant 625 : i32
      %scan3A_135 = arith.addi %scan3A_133, %scan3A_134 : i32
      %scan3A_136 = arith.constant 1 : i32
      scf.for %scan3A_165 = %scan3A_133 to %scan3A_135 step %scan3A_136  : i32 {
        %mul3A_166 = arith.constant 16 : i32
        %mul3A_167 = arith.muli %scan3A_165, %mul3A_166 : i32
        %get3A = arith.constant 2 : i32
        %get3A_168 = arith.index_cast %get3A : i32 to index
        %get3A_169 = arith.index_cast %mul3A_167 : i32 to index
        %get3A_170 = tpu.vector_load %arg14[%get3A_168, %get3A_169] {strides = array<i32>} : memref<8x10240xf32, #tpu.memory_space<vmem>>, vector<1x16xf32>,
        %get3A_171 = vector.shape_cast %get3A_170 : vector<1x16xf32> to vector<16xf32>
        %get3A_172 = arith.constant 3 : i32
        %get3A_173 = arith.index_cast %get3A_172 : i32 to index
        %get3A_174 = arith.index_cast %mul3A_167 : i32 to index
        %get3A_175 = tpu.vector_load %arg14[%get3A_173, %get3A_174] {strides = array<i32>} : memref<8x10240xf32, #tpu.memory_space<vmem>>, vector<1x16xf32>,
        %get3A_176 = vector.shape_cast %get3A_175 : vector<1x16xf32> to vector<16xf32>
        %mul3A_177 = arith.mulf %get3A_171, %get3A_176 : vector<16xf32>
        %jit3A = arith.constant 8 : i32
        %div3A = arith.divsi %scan3A_165, %jit3A : i32
        %sign3A = arith.constant 0 : i32
        %sign3A_178 = arith.cmpi sgt, %scan3A_165, %sign3A : i32
        %sign3A_179 = arith.extui %sign3A_178 : i1 to i32
        %sign3A_180 = arith.constant 0 : i32
        %sign3A_181 = arith.cmpi slt, %scan3A_165, %sign3A_180 : i32
        %sign3A_182 = arith.extui %sign3A_181 : i1 to i32
        %sign3A_183 = arith.subi %sign3A_179, %sign3A_182 : i32
        %sign3A_184 = arith.constant 0 : i32
        %sign3A_185 = arith.cmpi sgt, %jit3A, %sign3A_184 : i32
        %sign3A_186 = arith.extui %sign3A_185 : i1 to i32
        %sign3A_187 = arith.constant 0 : i32
        %sign3A_188 = arith.cmpi slt, %jit3A, %sign3A_187 : i32
        %sign3A_189 = arith.extui %sign3A_188 : i1 to i32
        %sign3A_190 = arith.subi %sign3A_186, %sign3A_189 : i32
        %ne3A = arith.cmpi ne, %sign3A_183, %sign3A_190 : i32
        %rem3A = arith.remsi %scan3A_165, %jit3A : i32
        %ne3A_191 = arith.constant 0 : i32
        %ne3A_192 = arith.cmpi ne, %rem3A, %ne3A_191 : i32
        %and3A = arith.andi %ne3A, %ne3A_192 : i1
        %sub3A = arith.constant 1 : i32
        %sub3A_193 = arith.subi %div3A, %sub3A : i32
        %select_n3A = arith.select %and3A, %sub3A_193, %div3A : i32
        %jit3A_194 = arith.constant 8 : i32
        %eq3A = arith.constant 0 : i32
        %eq3A_195 = arith.cmpi eq, %jit3A_194, %eq3A : i32
        %jit3A_196 = arith.constant 1 : i32
        %select_n3A_197 = arith.select %eq3A_195, %jit3A_196, %jit3A_194 : i32
        %rem3A_198 = arith.remsi %scan3A_165, %select_n3A_197 : i32
        %ne3A_199 = arith.constant 0 : i32
        %ne3A_200 = arith.cmpi ne, %rem3A_198, %ne3A_199 : i32
        %lt3A = arith.constant 0 : i32
        %lt3A_201 = arith.cmpi slt, %rem3A_198, %lt3A : i32
        %lt3A_202 = arith.constant 0 : i32
        %lt3A_203 = arith.cmpi slt, %select_n3A_197, %lt3A_202 : i32
        %ne3A_204 = arith.xori %lt3A_201, %lt3A_203 : i1
        %and3A_205 = arith.andi %ne3A_204, %ne3A_200 : i1
        %add3A_206 = arith.addi %rem3A_198, %select_n3A_197 : i32
        %select_n3A_207 = arith.select %and3A_205, %add3A_206, %rem3A_198 : i32
        %mul3A_208 = arith.constant 16 : i32
        %mul3A_209 = arith.muli %select_n3A_207, %mul3A_208 : i32
        %swap3A_210 = arith.index_cast %select_n3A : i32 to index
        %swap3A_211 = arith.index_cast %mul3A_209 : i32 to index
        %swap3A_212 = tpu.vector_load %arg15[%swap3A_210, %swap3A_211] {strides = array<i32>} : memref<80x128xf32, #tpu.memory_space<vmem>>, vector<1x16xf32>,
        %swap3A_213 = vector.shape_cast %swap3A_212 : vector<1x16xf32> to vector<16xf32>
        %swap3A_214 = vector.shape_cast %mul3A_177 : vector<16xf32> to vector<1x16xf32>
        tpu.vector_store %arg15[%swap3A_210, %swap3A_211], %swap3A_214 {strides = array<i32>} : memref<80x128xf32, #tpu.memory_space<vmem>>, vector<1x16xf32>,
      }
      %scan3A_137 = arith.constant 625 : i32
      %mul3A_138 = arith.constant 4 : i32
      %mul3A_139 = arith.muli %mul3A_138, %scan3A_110 : i32
      %add3A_140 = arith.addi %mul3A_2, %mul3A_139 : i32
      %add3A_141 = arith.constant 1 : i32
      %add3A_142 = arith.addi %add3A_140, %add3A_141 : i32
      "tpu.region"() ({
        %run_scoped3A = tpu.sem_alloc : memref<!tpu.dma_semaphore, #tpu.memory_space<semaphore_mem>>
        %dma_start3A_165 = arith.constant 0 : i32
        %dma_start3A_166 = arith.constant 0 : i32
        %dma_start3A_167 = tpu.memref_slice %arg9[%add3A_142, %dma_start3A_165, %dma_start3A_166] : memref<2048x80x128xf32, #tpu.memory_space<hbm>> -> memref<1x80x128xf32, #tpu.memory_space<hbm>>
        %dma_start3A_168 = tpu.memref_squeeze %dma_start3A_167 : memref<1x80x128xf32, #tpu.memory_space<hbm>> -> memref<80x128xf32, #tpu.memory_space<hbm>>
        %dma_start3A_169 = arith.constant 0 : i32
        %dma_start3A_170 = arith.constant 0 : i32
        %dma_start3A_171 = tpu.memref_slice %arg9[%add3A_142, %dma_start3A_169, %dma_start3A_170] : memref<2048x80x128xf32, #tpu.memory_space<hbm>> -> memref<1x80x128xf32, #tpu.memory_space<hbm>>
        %dma_start3A_172 = tpu.memref_squeeze %dma_start3A_171 : memref<1x80x128xf32, #tpu.memory_space<hbm>> -> memref<80x128xf32, #tpu.memory_space<hbm>>
        tpu.enqueue_dma source(%arg15 : memref<80x128xf32, #tpu.memory_space<vmem>>) target(%dma_start3A_172 : memref<80x128xf32, #tpu.memory_space<hbm>>) target_semaphore(%run_scoped3A : memref<!tpu.dma_semaphore, #tpu.memory_space<semaphore_mem>>)
        %dma_wait3A_173 = arith.constant 0 : i32
        %dma_wait3A_174 = arith.constant 0 : i32
        %dma_wait3A_175 = tpu.memref_slice %arg9[%add3A_142, %dma_wait3A_173, %dma_wait3A_174] : memref<2048x80x128xf32, #tpu.memory_space<hbm>> -> memref<1x80x128xf32, #tpu.memory_space<hbm>>
        %dma_wait3A_176 = tpu.memref_squeeze %dma_wait3A_175 : memref<1x80x128xf32, #tpu.memory_space<hbm>> -> memref<80x128xf32, #tpu.memory_space<hbm>>
        %dma_wait3A_177 = arith.constant 0 : i32
        %dma_wait3A_178 = arith.constant 0 : i32
        %dma_wait3A_179 = tpu.memref_slice %arg9[%add3A_142, %dma_wait3A_177, %dma_wait3A_178] : memref<2048x80x128xf32, #tpu.memory_space<hbm>> -> memref<1x80x128xf32, #tpu.memory_space<hbm>>
        %dma_wait3A_180 = tpu.memref_squeeze %dma_wait3A_179 : memref<1x80x128xf32, #tpu.memory_space<hbm>> -> memref<80x128xf32, #tpu.memory_space<hbm>>
        tpu.wait_dma2 semaphore(%run_scoped3A : memref<!tpu.dma_semaphore, #tpu.memory_space<semaphore_mem>>) src(%arg15 : memref<80x128xf32, #tpu.memory_space<vmem>>) dst(%dma_wait3A_180 : memref<80x128xf32, #tpu.memory_space<hbm>>)
        tpu.yield
      }) : () -> ()
      %scan3A_143 = arith.constant 0 : i32
      %scan3A_144 = arith.constant 0 : i32
      %scan3A_145 = arith.constant 625 : i32
      %scan3A_146 = arith.addi %scan3A_144, %scan3A_145 : i32
      %scan3A_147 = arith.constant 1 : i32
      scf.for %scan3A_165 = %scan3A_144 to %scan3A_146 step %scan3A_147  : i32 {
        %mul3A_166 = arith.constant 16 : i32
        %mul3A_167 = arith.muli %scan3A_165, %mul3A_166 : i32
        %get3A = arith.constant 4 : i32
        %get3A_168 = arith.index_cast %get3A : i32 to index
        %get3A_169 = arith.index_cast %mul3A_167 : i32 to index
        %get3A_170 = tpu.vector_load %arg14[%get3A_168, %get3A_169] {strides = array<i32>} : memref<8x10240xf32, #tpu.memory_space<vmem>>, vector<1x16xf32>,
        %get3A_171 = vector.shape_cast %get3A_170 : vector<1x16xf32> to vector<16xf32>
        %get3A_172 = arith.constant 5 : i32
        %get3A_173 = arith.index_cast %get3A_172 : i32 to index
        %get3A_174 = arith.index_cast %mul3A_167 : i32 to index
        %get3A_175 = tpu.vector_load %arg14[%get3A_173, %get3A_174] {strides = array<i32>} : memref<8x10240xf32, #tpu.memory_space<vmem>>, vector<1x16xf32>,
        %get3A_176 = vector.shape_cast %get3A_175 : vector<1x16xf32> to vector<16xf32>
        %mul3A_177 = arith.mulf %get3A_171, %get3A_176 : vector<16xf32>
        %jit3A = arith.constant 8 : i32
        %div3A = arith.divsi %scan3A_165, %jit3A : i32
        %sign3A = arith.constant 0 : i32
        %sign3A_178 = arith.cmpi sgt, %scan3A_165, %sign3A : i32
        %sign3A_179 = arith.extui %sign3A_178 : i1 to i32
        %sign3A_180 = arith.constant 0 : i32
        %sign3A_181 = arith.cmpi slt, %scan3A_165, %sign3A_180 : i32
        %sign3A_182 = arith.extui %sign3A_181 : i1 to i32
        %sign3A_183 = arith.subi %sign3A_179, %sign3A_182 : i32
        %sign3A_184 = arith.constant 0 : i32
        %sign3A_185 = arith.cmpi sgt, %jit3A, %sign3A_184 : i32
        %sign3A_186 = arith.extui %sign3A_185 : i1 to i32
        %sign3A_187 = arith.constant 0 : i32
        %sign3A_188 = arith.cmpi slt, %jit3A, %sign3A_187 : i32
        %sign3A_189 = arith.extui %sign3A_188 : i1 to i32
        %sign3A_190 = arith.subi %sign3A_186, %sign3A_189 : i32
        %ne3A = arith.cmpi ne, %sign3A_183, %sign3A_190 : i32
        %rem3A = arith.remsi %scan3A_165, %jit3A : i32
        %ne3A_191 = arith.constant 0 : i32
        %ne3A_192 = arith.cmpi ne, %rem3A, %ne3A_191 : i32
        %and3A = arith.andi %ne3A, %ne3A_192 : i1
        %sub3A = arith.constant 1 : i32
        %sub3A_193 = arith.subi %div3A, %sub3A : i32
        %select_n3A = arith.select %and3A, %sub3A_193, %div3A : i32
        %jit3A_194 = arith.constant 8 : i32
        %eq3A = arith.constant 0 : i32
        %eq3A_195 = arith.cmpi eq, %jit3A_194, %eq3A : i32
        %jit3A_196 = arith.constant 1 : i32
        %select_n3A_197 = arith.select %eq3A_195, %jit3A_196, %jit3A_194 : i32
        %rem3A_198 = arith.remsi %scan3A_165, %select_n3A_197 : i32
        %ne3A_199 = arith.constant 0 : i32
        %ne3A_200 = arith.cmpi ne, %rem3A_198, %ne3A_199 : i32
        %lt3A = arith.constant 0 : i32
        %lt3A_201 = arith.cmpi slt, %rem3A_198, %lt3A : i32
        %lt3A_202 = arith.constant 0 : i32
        %lt3A_203 = arith.cmpi slt, %select_n3A_197, %lt3A_202 : i32
        %ne3A_204 = arith.xori %lt3A_201, %lt3A_203 : i1
        %and3A_205 = arith.andi %ne3A_204, %ne3A_200 : i1
        %add3A_206 = arith.addi %rem3A_198, %select_n3A_197 : i32
        %select_n3A_207 = arith.select %and3A_205, %add3A_206, %rem3A_198 : i32
        %mul3A_208 = arith.constant 16 : i32
        %mul3A_209 = arith.muli %select_n3A_207, %mul3A_208 : i32
        %swap3A_210 = arith.index_cast %select_n3A : i32 to index
        %swap3A_211 = arith.index_cast %mul3A_209 : i32 to index
        %swap3A_212 = tpu.vector_load %arg15[%swap3A_210, %swap3A_211] {strides = array<i32>} : memref<80x128xf32, #tpu.memory_space<vmem>>, vector<1x16xf32>,
        %swap3A_213 = vector.shape_cast %swap3A_212 : vector<1x16xf32> to vector<16xf32>
        %swap3A_214 = vector.shape_cast %mul3A_177 : vector<16xf32> to vector<1x16xf32>
        tpu.vector_store %arg15[%swap3A_210, %swap3A_211], %swap3A_214 {strides = array<i32>} : memref<80x128xf32, #tpu.memory_space<vmem>>, vector<1x16xf32>,
      }
      %scan3A_148 = arith.constant 625 : i32
      %mul3A_149 = arith.constant 4 : i32
      %mul3A_150 = arith.muli %mul3A_149, %scan3A_110 : i32
      %add3A_151 = arith.addi %mul3A_2, %mul3A_150 : i32
      %add3A_152 = arith.constant 2 : i32
      %add3A_153 = arith.addi %add3A_151, %add3A_152 : i32
      "tpu.region"() ({
        %run_scoped3A = tpu.sem_alloc : memref<!tpu.dma_semaphore, #tpu.memory_space<semaphore_mem>>
        %dma_start3A_165 = arith.constant 0 : i32
        %dma_start3A_166 = arith.constant 0 : i32
        %dma_start3A_167 = tpu.memref_slice %arg9[%add3A_153, %dma_start3A_165, %dma_start3A_166] : memref<2048x80x128xf32, #tpu.memory_space<hbm>> -> memref<1x80x128xf32, #tpu.memory_space<hbm>>
        %dma_start3A_168 = tpu.memref_squeeze %dma_start3A_167 : memref<1x80x128xf32, #tpu.memory_space<hbm>> -> memref<80x128xf32, #tpu.memory_space<hbm>>
        %dma_start3A_169 = arith.constant 0 : i32
        %dma_start3A_170 = arith.constant 0 : i32
        %dma_start3A_171 = tpu.memref_slice %arg9[%add3A_153, %dma_start3A_169, %dma_start3A_170] : memref<2048x80x128xf32, #tpu.memory_space<hbm>> -> memref<1x80x128xf32, #tpu.memory_space<hbm>>
        %dma_start3A_172 = tpu.memref_squeeze %dma_start3A_171 : memref<1x80x128xf32, #tpu.memory_space<hbm>> -> memref<80x128xf32, #tpu.memory_space<hbm>>
        tpu.enqueue_dma source(%arg15 : memref<80x128xf32, #tpu.memory_space<vmem>>) target(%dma_start3A_172 : memref<80x128xf32, #tpu.memory_space<hbm>>) target_semaphore(%run_scoped3A : memref<!tpu.dma_semaphore, #tpu.memory_space<semaphore_mem>>)
        %dma_wait3A_173 = arith.constant 0 : i32
        %dma_wait3A_174 = arith.constant 0 : i32
        %dma_wait3A_175 = tpu.memref_slice %arg9[%add3A_153, %dma_wait3A_173, %dma_wait3A_174] : memref<2048x80x128xf32, #tpu.memory_space<hbm>> -> memref<1x80x128xf32, #tpu.memory_space<hbm>>
        %dma_wait3A_176 = tpu.memref_squeeze %dma_wait3A_175 : memref<1x80x128xf32, #tpu.memory_space<hbm>> -> memref<80x128xf32, #tpu.memory_space<hbm>>
        %dma_wait3A_177 = arith.constant 0 : i32
        %dma_wait3A_178 = arith.constant 0 : i32
        %dma_wait3A_179 = tpu.memref_slice %arg9[%add3A_153, %dma_wait3A_177, %dma_wait3A_178] : memref<2048x80x128xf32, #tpu.memory_space<hbm>> -> memref<1x80x128xf32, #tpu.memory_space<hbm>>
        %dma_wait3A_180 = tpu.memref_squeeze %dma_wait3A_179 : memref<1x80x128xf32, #tpu.memory_space<hbm>> -> memref<80x128xf32, #tpu.memory_space<hbm>>
        tpu.wait_dma2 semaphore(%run_scoped3A : memref<!tpu.dma_semaphore, #tpu.memory_space<semaphore_mem>>) src(%arg15 : memref<80x128xf32, #tpu.memory_space<vmem>>) dst(%dma_wait3A_180 : memref<80x128xf32, #tpu.memory_space<hbm>>)
        tpu.yield
      }) : () -> ()
      %scan3A_154 = arith.constant 0 : i32
      %scan3A_155 = arith.constant 0 : i32
      %scan3A_156 = arith.constant 625 : i32
      %scan3A_157 = arith.addi %scan3A_155, %scan3A_156 : i32
      %scan3A_158 = arith.constant 1 : i32
      scf.for %scan3A_165 = %scan3A_155 to %scan3A_157 step %scan3A_158  : i32 {
        %mul3A_166 = arith.constant 16 : i32
        %mul3A_167 = arith.muli %scan3A_165, %mul3A_166 : i32
        %get3A = arith.constant 6 : i32
        %get3A_168 = arith.index_cast %get3A : i32 to index
        %get3A_169 = arith.index_cast %mul3A_167 : i32 to index
        %get3A_170 = tpu.vector_load %arg14[%get3A_168, %get3A_169] {strides = array<i32>} : memref<8x10240xf32, #tpu.memory_space<vmem>>, vector<1x16xf32>,
        %get3A_171 = vector.shape_cast %get3A_170 : vector<1x16xf32> to vector<16xf32>
        %get3A_172 = arith.constant 7 : i32
        %get3A_173 = arith.index_cast %get3A_172 : i32 to index
        %get3A_174 = arith.index_cast %mul3A_167 : i32 to index
        %get3A_175 = tpu.vector_load %arg14[%get3A_173, %get3A_174] {strides = array<i32>} : memref<8x10240xf32, #tpu.memory_space<vmem>>, vector<1x16xf32>,
        %get3A_176 = vector.shape_cast %get3A_175 : vector<1x16xf32> to vector<16xf32>
        %mul3A_177 = arith.mulf %get3A_171, %get3A_176 : vector<16xf32>
        %jit3A = arith.constant 8 : i32
        %div3A = arith.divsi %scan3A_165, %jit3A : i32
        %sign3A = arith.constant 0 : i32
        %sign3A_178 = arith.cmpi sgt, %scan3A_165, %sign3A : i32
        %sign3A_179 = arith.extui %sign3A_178 : i1 to i32
        %sign3A_180 = arith.constant 0 : i32
        %sign3A_181 = arith.cmpi slt, %scan3A_165, %sign3A_180 : i32
        %sign3A_182 = arith.extui %sign3A_181 : i1 to i32
        %sign3A_183 = arith.subi %sign3A_179, %sign3A_182 : i32
        %sign3A_184 = arith.constant 0 : i32
        %sign3A_185 = arith.cmpi sgt, %jit3A, %sign3A_184 : i32
        %sign3A_186 = arith.extui %sign3A_185 : i1 to i32
        %sign3A_187 = arith.constant 0 : i32
        %sign3A_188 = arith.cmpi slt, %jit3A, %sign3A_187 : i32
        %sign3A_189 = arith.extui %sign3A_188 : i1 to i32
        %sign3A_190 = arith.subi %sign3A_186, %sign3A_189 : i32
        %ne3A = arith.cmpi ne, %sign3A_183, %sign3A_190 : i32
        %rem3A = arith.remsi %scan3A_165, %jit3A : i32
        %ne3A_191 = arith.constant 0 : i32
        %ne3A_192 = arith.cmpi ne, %rem3A, %ne3A_191 : i32
        %and3A = arith.andi %ne3A, %ne3A_192 : i1
        %sub3A = arith.constant 1 : i32
        %sub3A_193 = arith.subi %div3A, %sub3A : i32
        %select_n3A = arith.select %and3A, %sub3A_193, %div3A : i32
        %jit3A_194 = arith.constant 8 : i32
        %eq3A = arith.constant 0 : i32
        %eq3A_195 = arith.cmpi eq, %jit3A_194, %eq3A : i32
        %jit3A_196 = arith.constant 1 : i32
        %select_n3A_197 = arith.select %eq3A_195, %jit3A_196, %jit3A_194 : i32
        %rem3A_198 = arith.remsi %scan3A_165, %select_n3A_197 : i32
        %ne3A_199 = arith.constant 0 : i32
        %ne3A_200 = arith.cmpi ne, %rem3A_198, %ne3A_199 : i32
        %lt3A = arith.constant 0 : i32
        %lt3A_201 = arith.cmpi slt, %rem3A_198, %lt3A : i32
        %lt3A_202 = arith.constant 0 : i32
        %lt3A_203 = arith.cmpi slt, %select_n3A_197, %lt3A_202 : i32
        %ne3A_204 = arith.xori %lt3A_201, %lt3A_203 : i1
        %and3A_205 = arith.andi %ne3A_204, %ne3A_200 : i1
        %add3A_206 = arith.addi %rem3A_198, %select_n3A_197 : i32
        %select_n3A_207 = arith.select %and3A_205, %add3A_206, %rem3A_198 : i32
        %mul3A_208 = arith.constant 16 : i32
        %mul3A_209 = arith.muli %select_n3A_207, %mul3A_208 : i32
        %swap3A_210 = arith.index_cast %select_n3A : i32 to index
        %swap3A_211 = arith.index_cast %mul3A_209 : i32 to index
        %swap3A_212 = tpu.vector_load %arg15[%swap3A_210, %swap3A_211] {strides = array<i32>} : memref<80x128xf32, #tpu.memory_space<vmem>>, vector<1x16xf32>,
        %swap3A_213 = vector.shape_cast %swap3A_212 : vector<1x16xf32> to vector<16xf32>
        %swap3A_214 = vector.shape_cast %mul3A_177 : vector<16xf32> to vector<1x16xf32>
        tpu.vector_store %arg15[%swap3A_210, %swap3A_211], %swap3A_214 {strides = array<i32>} : memref<80x128xf32, #tpu.memory_space<vmem>>, vector<1x16xf32>,
      }
      %scan3A_159 = arith.constant 625 : i32
      %mul3A_160 = arith.constant 4 : i32
      %mul3A_161 = arith.muli %mul3A_160, %scan3A_110 : i32
      %add3A_162 = arith.addi %mul3A_2, %mul3A_161 : i32
      %add3A_163 = arith.constant 3 : i32
      %add3A_164 = arith.addi %add3A_162, %add3A_163 : i32
      "tpu.region"() ({
        %run_scoped3A = tpu.sem_alloc : memref<!tpu.dma_semaphore, #tpu.memory_space<semaphore_mem>>
        %dma_start3A_165 = arith.constant 0 : i32
        %dma_start3A_166 = arith.constant 0 : i32
        %dma_start3A_167 = tpu.memref_slice %arg9[%add3A_164, %dma_start3A_165, %dma_start3A_166] : memref<2048x80x128xf32, #tpu.memory_space<hbm>> -> memref<1x80x128xf32, #tpu.memory_space<hbm>>
        %dma_start3A_168 = tpu.memref_squeeze %dma_start3A_167 : memref<1x80x128xf32, #tpu.memory_space<hbm>> -> memref<80x128xf32, #tpu.memory_space<hbm>>
        %dma_start3A_169 = arith.constant 0 : i32
        %dma_start3A_170 = arith.constant 0 : i32
        %dma_start3A_171 = tpu.memref_slice %arg9[%add3A_164, %dma_start3A_169, %dma_start3A_170] : memref<2048x80x128xf32, #tpu.memory_space<hbm>> -> memref<1x80x128xf32, #tpu.memory_space<hbm>>
        %dma_start3A_172 = tpu.memref_squeeze %dma_start3A_171 : memref<1x80x128xf32, #tpu.memory_space<hbm>> -> memref<80x128xf32, #tpu.memory_space<hbm>>
        tpu.enqueue_dma source(%arg15 : memref<80x128xf32, #tpu.memory_space<vmem>>) target(%dma_start3A_172 : memref<80x128xf32, #tpu.memory_space<hbm>>) target_semaphore(%run_scoped3A : memref<!tpu.dma_semaphore, #tpu.memory_space<semaphore_mem>>)
        %dma_wait3A_173 = arith.constant 0 : i32
        %dma_wait3A_174 = arith.constant 0 : i32
        %dma_wait3A_175 = tpu.memref_slice %arg9[%add3A_164, %dma_wait3A_173, %dma_wait3A_174] : memref<2048x80x128xf32, #tpu.memory_space<hbm>> -> memref<1x80x128xf32, #tpu.memory_space<hbm>>
        %dma_wait3A_176 = tpu.memref_squeeze %dma_wait3A_175 : memref<1x80x128xf32, #tpu.memory_space<hbm>> -> memref<80x128xf32, #tpu.memory_space<hbm>>
        %dma_wait3A_177 = arith.constant 0 : i32
        %dma_wait3A_178 = arith.constant 0 : i32
        %dma_wait3A_179 = tpu.memref_slice %arg9[%add3A_164, %dma_wait3A_177, %dma_wait3A_178] : memref<2048x80x128xf32, #tpu.memory_space<hbm>> -> memref<1x80x128xf32, #tpu.memory_space<hbm>>
        %dma_wait3A_180 = tpu.memref_squeeze %dma_wait3A_179 : memref<1x80x128xf32, #tpu.memory_space<hbm>> -> memref<80x128xf32, #tpu.memory_space<hbm>>
        tpu.wait_dma2 semaphore(%run_scoped3A : memref<!tpu.dma_semaphore, #tpu.memory_space<semaphore_mem>>) src(%arg15 : memref<80x128xf32, #tpu.memory_space<vmem>>) dst(%dma_wait3A_180 : memref<80x128xf32, #tpu.memory_space<hbm>>)
        tpu.yield
      }) : () -> ()
    }
    %scan3A_109 = arith.constant 16 : i32
    return
  }
}

#map = affine_map<(d0, d1) -> (0)>
module attributes {stable_mosaic.version = 14 : i64} {
  func.func @_sc_abuild(%arg0: i32, %arg1: i32, %arg2: memref<320000xi32, #tpu.memory_space<hbm>>, %arg3: memref<320000xi32, #tpu.memory_space<hbm>>, %arg4: memref<32000xf32, #tpu.memory_space<hbm>>, %arg5: memref<128xf32, #tpu.memory_space<hbm>>, %arg6: memref<102400000xf32, #tpu.memory_space<hbm>>, %arg7: memref<80xi32, #tpu.memory_space<vmem>>, %arg8: memref<80xi32, #tpu.memory_space<vmem>>, %arg9: memref<160xi32, #tpu.memory_space<vmem>>, %arg10: memref<32000xf32, #tpu.memory_space<vmem>>, %arg11: memref<80xf32, #tpu.memory_space<vmem>>, %arg12: memref<!tpu.dma_semaphore, #tpu.memory_space<semaphore_mem>>, %arg13: memref<!tpu.dma_semaphore, #tpu.memory_space<semaphore_mem>>) attributes {dimension_semantics = [#tpu.dimension_semantics<core_parallel>, #tpu.dimension_semantics<subcore_parallel>], iteration_bounds = array<i64: 2, 16>, scalar_prefetch = 0 : i64, scratch_operands = 7 : i64, tpu.core_type = #tpu.core_type<sc_vector_subcore>, window_params = [{transform_indices = #map}, {transform_indices = #map}, {transform_indices = #map}, {transform_indices = #map}, {transform_indices = #map}]} {
    %mul3A = arith.constant 20000 : i32
    %mul3A_0 = arith.muli %arg1, %mul3A : i32
    "tpu.region"() ({
      %run_scoped3A = tpu.sem_alloc : memref<!tpu.dma_semaphore, #tpu.memory_space<semaphore_mem>>
      tpu.enqueue_dma source(%arg4 : memref<32000xf32, #tpu.memory_space<hbm>>) target(%arg10 : memref<32000xf32, #tpu.memory_space<vmem>>) target_semaphore(%run_scoped3A : memref<!tpu.dma_semaphore, #tpu.memory_space<semaphore_mem>>)
      tpu.wait_dma2 semaphore(%run_scoped3A : memref<!tpu.dma_semaphore, #tpu.memory_space<semaphore_mem>>) src(%arg4 : memref<32000xf32, #tpu.memory_space<hbm>>) dst(%arg10 : memref<32000xf32, #tpu.memory_space<vmem>>)
      tpu.yield
    }) : () -> ()
    "tpu.region"() ({
      %run_scoped3A = tpu.sem_alloc : memref<!tpu.dma_semaphore, #tpu.memory_space<semaphore_mem>>
      %dma_start3A = arith.constant 0 : i32
      %dma_start3A_27 = tpu.memref_slice %arg5[%dma_start3A] : memref<128xf32, #tpu.memory_space<hbm>> -> memref<80xf32, #tpu.memory_space<hbm>>
      %dma_start3A_28 = arith.constant 0 : i32
      %dma_start3A_29 = tpu.memref_slice %arg5[%dma_start3A_28] : memref<128xf32, #tpu.memory_space<hbm>> -> memref<80xf32, #tpu.memory_space<hbm>>
      tpu.enqueue_dma source(%dma_start3A_29 : memref<80xf32, #tpu.memory_space<hbm>>) target(%arg11 : memref<80xf32, #tpu.memory_space<vmem>>) target_semaphore(%run_scoped3A : memref<!tpu.dma_semaphore, #tpu.memory_space<semaphore_mem>>)
      %dma_wait3A_30 = arith.constant 0 : i32
      %dma_wait3A_31 = tpu.memref_slice %arg5[%dma_wait3A_30] : memref<128xf32, #tpu.memory_space<hbm>> -> memref<80xf32, #tpu.memory_space<hbm>>
      %dma_wait3A_32 = arith.constant 0 : i32
      %dma_wait3A_33 = tpu.memref_slice %arg5[%dma_wait3A_32] : memref<128xf32, #tpu.memory_space<hbm>> -> memref<80xf32, #tpu.memory_space<hbm>>
      tpu.wait_dma2 semaphore(%run_scoped3A : memref<!tpu.dma_semaphore, #tpu.memory_space<semaphore_mem>>) src(%dma_wait3A_33 : memref<80xf32, #tpu.memory_space<hbm>>) dst(%arg11 : memref<80xf32, #tpu.memory_space<vmem>>)
      tpu.yield
    }) : () -> ()
    %mul3A_1 = arith.constant 51200000 : i32
    %mul3A_2 = arith.muli %arg0, %mul3A_1 : i32
    %mul3A_3 = arith.constant 3200000 : i32
    %mul3A_4 = arith.muli %arg1, %mul3A_3 : i32
    %add3A = arith.addi %mul3A_2, %mul3A_4 : i32
    %scan3A = arith.constant 0 : i32
    %scan3A_5 = arith.constant 0 : i32
    %scan3A_6 = arith.constant 100 : i32
    %scan3A_7 = arith.addi %scan3A_5, %scan3A_6 : i32
    %scan3A_8 = arith.constant 1 : i32
    scf.for %scan3A_27 = %scan3A_5 to %scan3A_7 step %scan3A_8  : i32 {
      %mul3A_28 = arith.constant 32000 : i32
      %mul3A_29 = arith.muli %scan3A_27, %mul3A_28 : i32
      %add3A_30 = arith.addi %add3A, %mul3A_29 : i32
      %dma_start3A = tpu.memref_slice %arg6[%add3A_30] : memref<102400000xf32, #tpu.memory_space<hbm>> -> memref<32000xf32, #tpu.memory_space<hbm>>
      %dma_start3A_31 = tpu.memref_slice %arg6[%add3A_30] : memref<102400000xf32, #tpu.memory_space<hbm>> -> memref<32000xf32, #tpu.memory_space<hbm>>
      tpu.enqueue_dma source(%arg10 : memref<32000xf32, #tpu.memory_space<vmem>>) target(%dma_start3A_31 : memref<32000xf32, #tpu.memory_space<hbm>>) target_semaphore(%arg12 : memref<!tpu.dma_semaphore, #tpu.memory_space<semaphore_mem>>)
    }
    %scan3A_9 = arith.constant 100 : i32
    %scan3A_10 = arith.constant 0 : i32
    %scan3A_11 = arith.constant 0 : i32
    %scan3A_12 = arith.constant 100 : i32
    %scan3A_13 = arith.addi %scan3A_11, %scan3A_12 : i32
    %scan3A_14 = arith.constant 1 : i32
    scf.for %scan3A_27 = %scan3A_11 to %scan3A_13 step %scan3A_14  : i32 {
      %dma_wait3A_28 = tpu.memref_slice %arg6[%add3A] : memref<102400000xf32, #tpu.memory_space<hbm>> -> memref<32000xf32, #tpu.memory_space<hbm>>
      %dma_wait3A_29 = tpu.memref_slice %arg6[%add3A] : memref<102400000xf32, #tpu.memory_space<hbm>> -> memref<32000xf32, #tpu.memory_space<hbm>>
      tpu.wait_dma2 semaphore(%arg12 : memref<!tpu.dma_semaphore, #tpu.memory_space<semaphore_mem>>) src(%arg10 : memref<32000xf32, #tpu.memory_space<vmem>>) dst(%dma_wait3A_29 : memref<32000xf32, #tpu.memory_space<hbm>>)
    }
    %scan3A_15 = arith.constant 100 : i32
    %barrier3A = arith.constant 0 : index
    tpu.barrier barrier_id(%barrier3A)
    %mul3A_16 = arith.constant 5000 : i32
    %mul3A_17 = arith.muli %arg0, %mul3A_16 : i32
    %add3A_18 = arith.constant 5000 : i32
    %add3A_19 = arith.addi %mul3A_17, %add3A_18 : i32
    %iota3A = tpu.iota {dimensions = array<i32: 0>} : vector<16xi32>
    %scan3A_20 = arith.constant 0 : i32
    %scan3A_21 = arith.constant 0 : i32
    %scan3A_22 = arith.constant 250 : i32
    %scan3A_23 = arith.addi %scan3A_21, %scan3A_22 : i32
    %scan3A_24 = arith.constant 1 : i32
    scf.for %scan3A_27 = %scan3A_21 to %scan3A_23 step %scan3A_24  : i32 {
      %jit3A = arith.constant 2 : i32
      %eq3A = arith.constant 0 : i32
      %eq3A_28 = arith.cmpi eq, %jit3A, %eq3A : i32
      %jit3A_29 = arith.constant 1 : i32
      %select_n3A = arith.select %eq3A_28, %jit3A_29, %jit3A : i32
      %rem3A = arith.remsi %scan3A_27, %select_n3A : i32
      %ne3A = arith.constant 0 : i32
      %ne3A_30 = arith.cmpi ne, %rem3A, %ne3A : i32
      %lt3A = arith.constant 0 : i32
      %lt3A_31 = arith.cmpi slt, %rem3A, %lt3A : i32
      %lt3A_32 = arith.constant 0 : i32
      %lt3A_33 = arith.cmpi slt, %select_n3A, %lt3A_32 : i32
      %ne3A_34 = arith.xori %lt3A_31, %lt3A_33 : i1
      %and3A = arith.andi %ne3A_34, %ne3A_30 : i1
      %add3A_35 = arith.addi %rem3A, %select_n3A : i32
      %select_n3A_36 = arith.select %and3A, %add3A_35, %rem3A : i32
      %mul3A_37 = arith.constant 80 : i32
      %mul3A_38 = arith.muli %select_n3A_36, %mul3A_37 : i32
      %mul3A_39 = arith.constant 80 : i32
      %mul3A_40 = arith.muli %scan3A_27, %mul3A_39 : i32
      %add3A_41 = arith.addi %mul3A_0, %mul3A_40 : i32
      "tpu.region"() ({
        %run_scoped3A = tpu.sem_alloc : memref<!tpu.dma_semaphore, #tpu.memory_space<semaphore_mem>>
        %dma_start3A_314 = tpu.memref_slice %arg2[%add3A_41] : memref<320000xi32, #tpu.memory_space<hbm>> -> memref<80xi32, #tpu.memory_space<hbm>>
        %dma_start3A_315 = tpu.memref_slice %arg2[%add3A_41] : memref<320000xi32, #tpu.memory_space<hbm>> -> memref<80xi32, #tpu.memory_space<hbm>>
        tpu.enqueue_dma source(%dma_start3A_315 : memref<80xi32, #tpu.memory_space<hbm>>) target(%arg7 : memref<80xi32, #tpu.memory_space<vmem>>) target_semaphore(%run_scoped3A : memref<!tpu.dma_semaphore, #tpu.memory_space<semaphore_mem>>)
        %dma_wait3A_316 = tpu.memref_slice %arg2[%add3A_41] : memref<320000xi32, #tpu.memory_space<hbm>> -> memref<80xi32, #tpu.memory_space<hbm>>
        %dma_wait3A_317 = tpu.memref_slice %arg2[%add3A_41] : memref<320000xi32, #tpu.memory_space<hbm>> -> memref<80xi32, #tpu.memory_space<hbm>>
        tpu.wait_dma2 semaphore(%run_scoped3A : memref<!tpu.dma_semaphore, #tpu.memory_space<semaphore_mem>>) src(%dma_wait3A_317 : memref<80xi32, #tpu.memory_space<hbm>>) dst(%arg7 : memref<80xi32, #tpu.memory_space<vmem>>)
        tpu.yield
      }) : () -> ()
      "tpu.region"() ({
        %run_scoped3A = tpu.sem_alloc : memref<!tpu.dma_semaphore, #tpu.memory_space<semaphore_mem>>
        %dma_start3A_314 = tpu.memref_slice %arg3[%add3A_41] : memref<320000xi32, #tpu.memory_space<hbm>> -> memref<80xi32, #tpu.memory_space<hbm>>
        %dma_start3A_315 = tpu.memref_slice %arg3[%add3A_41] : memref<320000xi32, #tpu.memory_space<hbm>> -> memref<80xi32, #tpu.memory_space<hbm>>
        tpu.enqueue_dma source(%dma_start3A_315 : memref<80xi32, #tpu.memory_space<hbm>>) target(%arg8 : memref<80xi32, #tpu.memory_space<vmem>>) target_semaphore(%run_scoped3A : memref<!tpu.dma_semaphore, #tpu.memory_space<semaphore_mem>>)
        %dma_wait3A_316 = tpu.memref_slice %arg3[%add3A_41] : memref<320000xi32, #tpu.memory_space<hbm>> -> memref<80xi32, #tpu.memory_space<hbm>>
        %dma_wait3A_317 = tpu.memref_slice %arg3[%add3A_41] : memref<320000xi32, #tpu.memory_space<hbm>> -> memref<80xi32, #tpu.memory_space<hbm>>
        tpu.wait_dma2 semaphore(%run_scoped3A : memref<!tpu.dma_semaphore, #tpu.memory_space<semaphore_mem>>) src(%dma_wait3A_317 : memref<80xi32, #tpu.memory_space<hbm>>) dst(%arg8 : memref<80xi32, #tpu.memory_space<vmem>>)
        tpu.yield
      }) : () -> ()
      %ge3A = arith.constant 1 : i32
      %ge3A_42 = arith.cmpi sge, %scan3A_27, %ge3A : i32
      %convert_element_type3A = arith.extui %ge3A_42 : i1 to i32
      %cond3A = arith.constant 0 : i32
      %cond3A_43 = arith.cmpi ne, %convert_element_type3A, %cond3A : i32
      scf.if %cond3A_43 {
        %dma_wait3A_314 = tpu.memref_slice %arg6[%add3A] : memref<102400000xf32, #tpu.memory_space<hbm>> -> memref<80xf32, #tpu.memory_space<hbm>>
        %dma_wait3A_315 = tpu.memref_slice %arg6[%add3A] : memref<102400000xf32, #tpu.memory_space<hbm>> -> memref<80xf32, #tpu.memory_space<hbm>>
        tpu.wait_dma2 semaphore(%arg13 : memref<!tpu.dma_semaphore, #tpu.memory_space<semaphore_mem>>) src(%arg11 : memref<80xf32, #tpu.memory_space<vmem>>) dst(%dma_wait3A_315 : memref<80xf32, #tpu.memory_space<hbm>>)
      } else {
      }
      %get3A = arith.constant 0 : index
      %get3A_44 = tpu.vector_load %arg7[%get3A] {strides = array<i32>} : memref<80xi32, #tpu.memory_space<vmem>>, vector<16xi32>,
      %get3A_45 = vector.shape_cast %get3A_44 : vector<16xi32> to vector<16xi32>
      %get3A_46 = arith.constant 0 : index
      %get3A_47 = tpu.vector_load %arg8[%get3A_46] {strides = array<i32>} : memref<80xi32, #tpu.memory_space<vmem>>, vector<16xi32>,
      %get3A_48 = vector.shape_cast %get3A_47 : vector<16xi32> to vector<16xi32>
      %ge3A_49 = vector.broadcast %mul3A_17 : i32 to vector<16xi32>
      %ge3A_50 = arith.cmpi sge, %get3A_45, %ge3A_49 : vector<16xi32>
      %lt3A_51 = vector.broadcast %add3A_19 : i32 to vector<16xi32>
      %lt3A_52 = arith.cmpi slt, %get3A_45, %lt3A_51 : vector<16xi32>
      %and3A_53 = arith.andi %ge3A_50, %lt3A_52 : vector<16xi1>
      %mul3A_54 = arith.constant 312 : i32
      %mul3A_55 = arith.muli %arg1, %mul3A_54 : i32
      %add3A_56 = arith.addi %mul3A_17, %mul3A_55 : i32
      %mul3A_57 = arith.constant 5 : i32
      %mul3A_58 = arith.muli %scan3A_27, %mul3A_57 : i32
      %add3A_59 = arith.constant 0 : i32
      %add3A_60 = arith.addi %mul3A_58, %add3A_59 : i32
      %jit3A_61 = arith.constant 312 : i32
      %eq3A_62 = arith.constant 0 : i32
      %eq3A_63 = arith.cmpi eq, %jit3A_61, %eq3A_62 : i32
      %jit3A_64 = arith.constant 1 : i32
      %select_n3A_65 = arith.select %eq3A_63, %jit3A_64, %jit3A_61 : i32
      %rem3A_66 = arith.remsi %add3A_60, %select_n3A_65 : i32
      %ne3A_67 = arith.constant 0 : i32
      %ne3A_68 = arith.cmpi ne, %rem3A_66, %ne3A_67 : i32
      %lt3A_69 = arith.constant 0 : i32
      %lt3A_70 = arith.cmpi slt, %rem3A_66, %lt3A_69 : i32
      %lt3A_71 = arith.constant 0 : i32
      %lt3A_72 = arith.cmpi slt, %select_n3A_65, %lt3A_71 : i32
      %ne3A_73 = arith.xori %lt3A_70, %lt3A_72 : i1
      %and3A_74 = arith.andi %ne3A_73, %ne3A_68 : i1
      %add3A_75 = arith.addi %rem3A_66, %select_n3A_65 : i32
      %select_n3A_76 = arith.select %and3A_74, %add3A_75, %rem3A_66 : i32
      %add3A_77 = arith.addi %add3A_56, %select_n3A_76 : i32
      %mul3A_78 = arith.constant 10240 : i32
      %mul3A_79 = arith.muli %add3A_77, %mul3A_78 : i32
      %add3A_80 = arith.constant 10000 : i32
      %add3A_81 = arith.addi %mul3A_79, %add3A_80 : i32
      %add3A_82 = arith.constant 0 : i32
      %add3A_83 = arith.addi %add3A_81, %add3A_82 : i32
      %add3A_84 = vector.broadcast %add3A_83 : i32 to vector<16xi32>
      %add3A_85 = arith.addi %add3A_84, %iota3A : vector<16xi32>
      %mul3A_86 = arith.constant 10240 : i32
      %mul3A_87 = vector.broadcast %mul3A_86 : i32 to vector<16xi32>
      %mul3A_88 = arith.muli %get3A_45, %mul3A_87 : vector<16xi32>
      %add3A_89 = arith.addi %mul3A_88, %get3A_48 : vector<16xi32>
      %select_n3A_90 = arith.select %and3A_53, %add3A_89, %add3A_85 : vector<16xi1>, vector<16xi32>
      %add3A_91 = arith.constant 0 : i32
      %add3A_92 = arith.addi %mul3A_38, %add3A_91 : i32
      %swap3A = arith.index_cast %add3A_92 : i32 to index
      %swap3A_93 = tpu.vector_load %arg9[%swap3A] {strides = array<i32>} : memref<160xi32, #tpu.memory_space<vmem>>, vector<16xi32>,
      %swap3A_94 = vector.shape_cast %swap3A_93 : vector<16xi32> to vector<16xi32>
      %swap3A_95 = vector.shape_cast %select_n3A_90 : vector<16xi32> to vector<16xi32>
      tpu.vector_store %arg9[%swap3A], %swap3A_95 {strides = array<i32>} : memref<160xi32, #tpu.memory_space<vmem>>, vector<16xi32>,
      %get3A_96 = arith.constant 16 : index
      %get3A_97 = tpu.vector_load %arg7[%get3A_96] {strides = array<i32>} : memref<80xi32, #tpu.memory_space<vmem>>, vector<16xi32>,
      %get3A_98 = vector.shape_cast %get3A_97 : vector<16xi32> to vector<16xi32>
      %get3A_99 = arith.constant 16 : index
      %get3A_100 = tpu.vector_load %arg8[%get3A_99] {strides = array<i32>} : memref<80xi32, #tpu.memory_space<vmem>>, vector<16xi32>,
      %get3A_101 = vector.shape_cast %get3A_100 : vector<16xi32> to vector<16xi32>
      %ge3A_102 = vector.broadcast %mul3A_17 : i32 to vector<16xi32>
      %ge3A_103 = arith.cmpi sge, %get3A_98, %ge3A_102 : vector<16xi32>
      %lt3A_104 = vector.broadcast %add3A_19 : i32 to vector<16xi32>
      %lt3A_105 = arith.cmpi slt, %get3A_98, %lt3A_104 : vector<16xi32>
      %and3A_106 = arith.andi %ge3A_103, %lt3A_105 : vector<16xi1>
      %mul3A_107 = arith.constant 312 : i32
      %mul3A_108 = arith.muli %arg1, %mul3A_107 : i32
      %add3A_109 = arith.addi %mul3A_17, %mul3A_108 : i32
      %mul3A_110 = arith.constant 5 : i32
      %mul3A_111 = arith.muli %scan3A_27, %mul3A_110 : i32
      %add3A_112 = arith.constant 1 : i32
      %add3A_113 = arith.addi %mul3A_111, %add3A_112 : i32
      %jit3A_114 = arith.constant 312 : i32
      %eq3A_115 = arith.constant 0 : i32
      %eq3A_116 = arith.cmpi eq, %jit3A_114, %eq3A_115 : i32
      %jit3A_117 = arith.constant 1 : i32
      %select_n3A_118 = arith.select %eq3A_116, %jit3A_117, %jit3A_114 : i32
      %rem3A_119 = arith.remsi %add3A_113, %select_n3A_118 : i32
      %ne3A_120 = arith.constant 0 : i32
      %ne3A_121 = arith.cmpi ne, %rem3A_119, %ne3A_120 : i32
      %lt3A_122 = arith.constant 0 : i32
      %lt3A_123 = arith.cmpi slt, %rem3A_119, %lt3A_122 : i32
      %lt3A_124 = arith.constant 0 : i32
      %lt3A_125 = arith.cmpi slt, %select_n3A_118, %lt3A_124 : i32
      %ne3A_126 = arith.xori %lt3A_123, %lt3A_125 : i1
      %and3A_127 = arith.andi %ne3A_126, %ne3A_121 : i1
      %add3A_128 = arith.addi %rem3A_119, %select_n3A_118 : i32
      %select_n3A_129 = arith.select %and3A_127, %add3A_128, %rem3A_119 : i32
      %add3A_130 = arith.addi %add3A_109, %select_n3A_129 : i32
      %mul3A_131 = arith.constant 10240 : i32
      %mul3A_132 = arith.muli %add3A_130, %mul3A_131 : i32
      %add3A_133 = arith.constant 10000 : i32
      %add3A_134 = arith.addi %mul3A_132, %add3A_133 : i32
      %add3A_135 = arith.constant 16 : i32
      %add3A_136 = arith.addi %add3A_134, %add3A_135 : i32
      %add3A_137 = vector.broadcast %add3A_136 : i32 to vector<16xi32>
      %add3A_138 = arith.addi %add3A_137, %iota3A : vector<16xi32>
      %mul3A_139 = arith.constant 10240 : i32
      %mul3A_140 = vector.broadcast %mul3A_139 : i32 to vector<16xi32>
      %mul3A_141 = arith.muli %get3A_98, %mul3A_140 : vector<16xi32>
      %add3A_142 = arith.addi %mul3A_141, %get3A_101 : vector<16xi32>
      %select_n3A_143 = arith.select %and3A_106, %add3A_142, %add3A_138 : vector<16xi1>, vector<16xi32>
      %add3A_144 = arith.constant 16 : i32
      %add3A_145 = arith.addi %mul3A_38, %add3A_144 : i32
      %swap3A_146 = arith.index_cast %add3A_145 : i32 to index
      %swap3A_147 = tpu.vector_load %arg9[%swap3A_146] {strides = array<i32>} : memref<160xi32, #tpu.memory_space<vmem>>, vector<16xi32>,
      %swap3A_148 = vector.shape_cast %swap3A_147 : vector<16xi32> to vector<16xi32>
      %swap3A_149 = vector.shape_cast %select_n3A_143 : vector<16xi32> to vector<16xi32>
      tpu.vector_store %arg9[%swap3A_146], %swap3A_149 {strides = array<i32>} : memref<160xi32, #tpu.memory_space<vmem>>, vector<16xi32>,
      %get3A_150 = arith.constant 32 : index
      %get3A_151 = tpu.vector_load %arg7[%get3A_150] {strides = array<i32>} : memref<80xi32, #tpu.memory_space<vmem>>, vector<16xi32>,
      %get3A_152 = vector.shape_cast %get3A_151 : vector<16xi32> to vector<16xi32>
      %get3A_153 = arith.constant 32 : index
      %get3A_154 = tpu.vector_load %arg8[%get3A_153] {strides = array<i32>} : memref<80xi32, #tpu.memory_space<vmem>>, vector<16xi32>,
      %get3A_155 = vector.shape_cast %get3A_154 : vector<16xi32> to vector<16xi32>
      %ge3A_156 = vector.broadcast %mul3A_17 : i32 to vector<16xi32>
      %ge3A_157 = arith.cmpi sge, %get3A_152, %ge3A_156 : vector<16xi32>
      %lt3A_158 = vector.broadcast %add3A_19 : i32 to vector<16xi32>
      %lt3A_159 = arith.cmpi slt, %get3A_152, %lt3A_158 : vector<16xi32>
      %and3A_160 = arith.andi %ge3A_157, %lt3A_159 : vector<16xi1>
      %mul3A_161 = arith.constant 312 : i32
      %mul3A_162 = arith.muli %arg1, %mul3A_161 : i32
      %add3A_163 = arith.addi %mul3A_17, %mul3A_162 : i32
      %mul3A_164 = arith.constant 5 : i32
      %mul3A_165 = arith.muli %scan3A_27, %mul3A_164 : i32
      %add3A_166 = arith.constant 2 : i32
      %add3A_167 = arith.addi %mul3A_165, %add3A_166 : i32
      %jit3A_168 = arith.constant 312 : i32
      %eq3A_169 = arith.constant 0 : i32
      %eq3A_170 = arith.cmpi eq, %jit3A_168, %eq3A_169 : i32
      %jit3A_171 = arith.constant 1 : i32
      %select_n3A_172 = arith.select %eq3A_170, %jit3A_171, %jit3A_168 : i32
      %rem3A_173 = arith.remsi %add3A_167, %select_n3A_172 : i32
      %ne3A_174 = arith.constant 0 : i32
      %ne3A_175 = arith.cmpi ne, %rem3A_173, %ne3A_174 : i32
      %lt3A_176 = arith.constant 0 : i32
      %lt3A_177 = arith.cmpi slt, %rem3A_173, %lt3A_176 : i32
      %lt3A_178 = arith.constant 0 : i32
      %lt3A_179 = arith.cmpi slt, %select_n3A_172, %lt3A_178 : i32
      %ne3A_180 = arith.xori %lt3A_177, %lt3A_179 : i1
      %and3A_181 = arith.andi %ne3A_180, %ne3A_175 : i1
      %add3A_182 = arith.addi %rem3A_173, %select_n3A_172 : i32
      %select_n3A_183 = arith.select %and3A_181, %add3A_182, %rem3A_173 : i32
      %add3A_184 = arith.addi %add3A_163, %select_n3A_183 : i32
      %mul3A_185 = arith.constant 10240 : i32
      %mul3A_186 = arith.muli %add3A_184, %mul3A_185 : i32
      %add3A_187 = arith.constant 10000 : i32
      %add3A_188 = arith.addi %mul3A_186, %add3A_187 : i32
      %add3A_189 = arith.constant 32 : i32
      %add3A_190 = arith.addi %add3A_188, %add3A_189 : i32
      %add3A_191 = vector.broadcast %add3A_190 : i32 to vector<16xi32>
      %add3A_192 = arith.addi %add3A_191, %iota3A : vector<16xi32>
      %mul3A_193 = arith.constant 10240 : i32
      %mul3A_194 = vector.broadcast %mul3A_193 : i32 to vector<16xi32>
      %mul3A_195 = arith.muli %get3A_152, %mul3A_194 : vector<16xi32>
      %add3A_196 = arith.addi %mul3A_195, %get3A_155 : vector<16xi32>
      %select_n3A_197 = arith.select %and3A_160, %add3A_196, %add3A_192 : vector<16xi1>, vector<16xi32>
      %add3A_198 = arith.constant 32 : i32
      %add3A_199 = arith.addi %mul3A_38, %add3A_198 : i32
      %swap3A_200 = arith.index_cast %add3A_199 : i32 to index
      %swap3A_201 = tpu.vector_load %arg9[%swap3A_200] {strides = array<i32>} : memref<160xi32, #tpu.memory_space<vmem>>, vector<16xi32>,
      %swap3A_202 = vector.shape_cast %swap3A_201 : vector<16xi32> to vector<16xi32>
      %swap3A_203 = vector.shape_cast %select_n3A_197 : vector<16xi32> to vector<16xi32>
      tpu.vector_store %arg9[%swap3A_200], %swap3A_203 {strides = array<i32>} : memref<160xi32, #tpu.memory_space<vmem>>, vector<16xi32>,
      %get3A_204 = arith.constant 48 : index
      %get3A_205 = tpu.vector_load %arg7[%get3A_204] {strides = array<i32>} : memref<80xi32, #tpu.memory_space<vmem>>, vector<16xi32>,
      %get3A_206 = vector.shape_cast %get3A_205 : vector<16xi32> to vector<16xi32>
      %get3A_207 = arith.constant 48 : index
      %get3A_208 = tpu.vector_load %arg8[%get3A_207] {strides = array<i32>} : memref<80xi32, #tpu.memory_space<vmem>>, vector<16xi32>,
      %get3A_209 = vector.shape_cast %get3A_208 : vector<16xi32> to vector<16xi32>
      %ge3A_210 = vector.broadcast %mul3A_17 : i32 to vector<16xi32>
      %ge3A_211 = arith.cmpi sge, %get3A_206, %ge3A_210 : vector<16xi32>
      %lt3A_212 = vector.broadcast %add3A_19 : i32 to vector<16xi32>
      %lt3A_213 = arith.cmpi slt, %get3A_206, %lt3A_212 : vector<16xi32>
      %and3A_214 = arith.andi %ge3A_211, %lt3A_213 : vector<16xi1>
      %mul3A_215 = arith.constant 312 : i32
      %mul3A_216 = arith.muli %arg1, %mul3A_215 : i32
      %add3A_217 = arith.addi %mul3A_17, %mul3A_216 : i32
      %mul3A_218 = arith.constant 5 : i32
      %mul3A_219 = arith.muli %scan3A_27, %mul3A_218 : i32
      %add3A_220 = arith.constant 3 : i32
      %add3A_221 = arith.addi %mul3A_219, %add3A_220 : i32
      %jit3A_222 = arith.constant 312 : i32
      %eq3A_223 = arith.constant 0 : i32
      %eq3A_224 = arith.cmpi eq, %jit3A_222, %eq3A_223 : i32
      %jit3A_225 = arith.constant 1 : i32
      %select_n3A_226 = arith.select %eq3A_224, %jit3A_225, %jit3A_222 : i32
      %rem3A_227 = arith.remsi %add3A_221, %select_n3A_226 : i32
      %ne3A_228 = arith.constant 0 : i32
      %ne3A_229 = arith.cmpi ne, %rem3A_227, %ne3A_228 : i32
      %lt3A_230 = arith.constant 0 : i32
      %lt3A_231 = arith.cmpi slt, %rem3A_227, %lt3A_230 : i32
      %lt3A_232 = arith.constant 0 : i32
      %lt3A_233 = arith.cmpi slt, %select_n3A_226, %lt3A_232 : i32
      %ne3A_234 = arith.xori %lt3A_231, %lt3A_233 : i1
      %and3A_235 = arith.andi %ne3A_234, %ne3A_229 : i1
      %add3A_236 = arith.addi %rem3A_227, %select_n3A_226 : i32
      %select_n3A_237 = arith.select %and3A_235, %add3A_236, %rem3A_227 : i32
      %add3A_238 = arith.addi %add3A_217, %select_n3A_237 : i32
      %mul3A_239 = arith.constant 10240 : i32
      %mul3A_240 = arith.muli %add3A_238, %mul3A_239 : i32
      %add3A_241 = arith.constant 10000 : i32
      %add3A_242 = arith.addi %mul3A_240, %add3A_241 : i32
      %add3A_243 = arith.constant 48 : i32
      %add3A_244 = arith.addi %add3A_242, %add3A_243 : i32
      %add3A_245 = vector.broadcast %add3A_244 : i32 to vector<16xi32>
      %add3A_246 = arith.addi %add3A_245, %iota3A : vector<16xi32>
      %mul3A_247 = arith.constant 10240 : i32
      %mul3A_248 = vector.broadcast %mul3A_247 : i32 to vector<16xi32>
      %mul3A_249 = arith.muli %get3A_206, %mul3A_248 : vector<16xi32>
      %add3A_250 = arith.addi %mul3A_249, %get3A_209 : vector<16xi32>
      %select_n3A_251 = arith.select %and3A_214, %add3A_250, %add3A_246 : vector<16xi1>, vector<16xi32>
      %add3A_252 = arith.constant 48 : i32
      %add3A_253 = arith.addi %mul3A_38, %add3A_252 : i32
      %swap3A_254 = arith.index_cast %add3A_253 : i32 to index
      %swap3A_255 = tpu.vector_load %arg9[%swap3A_254] {strides = array<i32>} : memref<160xi32, #tpu.memory_space<vmem>>, vector<16xi32>,
      %swap3A_256 = vector.shape_cast %swap3A_255 : vector<16xi32> to vector<16xi32>
      %swap3A_257 = vector.shape_cast %select_n3A_251 : vector<16xi32> to vector<16xi32>
      tpu.vector_store %arg9[%swap3A_254], %swap3A_257 {strides = array<i32>} : memref<160xi32, #tpu.memory_space<vmem>>, vector<16xi32>,
      %get3A_258 = arith.constant 64 : index
      %get3A_259 = tpu.vector_load %arg7[%get3A_258] {strides = array<i32>} : memref<80xi32, #tpu.memory_space<vmem>>, vector<16xi32>,
      %get3A_260 = vector.shape_cast %get3A_259 : vector<16xi32> to vector<16xi32>
      %get3A_261 = arith.constant 64 : index
      %get3A_262 = tpu.vector_load %arg8[%get3A_261] {strides = array<i32>} : memref<80xi32, #tpu.memory_space<vmem>>, vector<16xi32>,
      %get3A_263 = vector.shape_cast %get3A_262 : vector<16xi32> to vector<16xi32>
      %ge3A_264 = vector.broadcast %mul3A_17 : i32 to vector<16xi32>
      %ge3A_265 = arith.cmpi sge, %get3A_260, %ge3A_264 : vector<16xi32>
      %lt3A_266 = vector.broadcast %add3A_19 : i32 to vector<16xi32>
      %lt3A_267 = arith.cmpi slt, %get3A_260, %lt3A_266 : vector<16xi32>
      %and3A_268 = arith.andi %ge3A_265, %lt3A_267 : vector<16xi1>
      %mul3A_269 = arith.constant 312 : i32
      %mul3A_270 = arith.muli %arg1, %mul3A_269 : i32
      %add3A_271 = arith.addi %mul3A_17, %mul3A_270 : i32
      %mul3A_272 = arith.constant 5 : i32
      %mul3A_273 = arith.muli %scan3A_27, %mul3A_272 : i32
      %add3A_274 = arith.constant 4 : i32
      %add3A_275 = arith.addi %mul3A_273, %add3A_274 : i32
      %jit3A_276 = arith.constant 312 : i32
      %eq3A_277 = arith.constant 0 : i32
      %eq3A_278 = arith.cmpi eq, %jit3A_276, %eq3A_277 : i32
      %jit3A_279 = arith.constant 1 : i32
      %select_n3A_280 = arith.select %eq3A_278, %jit3A_279, %jit3A_276 : i32
      %rem3A_281 = arith.remsi %add3A_275, %select_n3A_280 : i32
      %ne3A_282 = arith.constant 0 : i32
      %ne3A_283 = arith.cmpi ne, %rem3A_281, %ne3A_282 : i32
      %lt3A_284 = arith.constant 0 : i32
      %lt3A_285 = arith.cmpi slt, %rem3A_281, %lt3A_284 : i32
      %lt3A_286 = arith.constant 0 : i32
      %lt3A_287 = arith.cmpi slt, %select_n3A_280, %lt3A_286 : i32
      %ne3A_288 = arith.xori %lt3A_285, %lt3A_287 : i1
      %and3A_289 = arith.andi %ne3A_288, %ne3A_283 : i1
      %add3A_290 = arith.addi %rem3A_281, %select_n3A_280 : i32
      %select_n3A_291 = arith.select %and3A_289, %add3A_290, %rem3A_281 : i32
      %add3A_292 = arith.addi %add3A_271, %select_n3A_291 : i32
      %mul3A_293 = arith.constant 10240 : i32
      %mul3A_294 = arith.muli %add3A_292, %mul3A_293 : i32
      %add3A_295 = arith.constant 10000 : i32
      %add3A_296 = arith.addi %mul3A_294, %add3A_295 : i32
      %add3A_297 = arith.constant 64 : i32
      %add3A_298 = arith.addi %add3A_296, %add3A_297 : i32
      %add3A_299 = vector.broadcast %add3A_298 : i32 to vector<16xi32>
      %add3A_300 = arith.addi %add3A_299, %iota3A : vector<16xi32>
      %mul3A_301 = arith.constant 10240 : i32
      %mul3A_302 = vector.broadcast %mul3A_301 : i32 to vector<16xi32>
      %mul3A_303 = arith.muli %get3A_260, %mul3A_302 : vector<16xi32>
      %add3A_304 = arith.addi %mul3A_303, %get3A_263 : vector<16xi32>
      %select_n3A_305 = arith.select %and3A_268, %add3A_304, %add3A_300 : vector<16xi1>, vector<16xi32>
      %add3A_306 = arith.constant 64 : i32
      %add3A_307 = arith.addi %mul3A_38, %add3A_306 : i32
      %swap3A_308 = arith.index_cast %add3A_307 : i32 to index
      %swap3A_309 = tpu.vector_load %arg9[%swap3A_308] {strides = array<i32>} : memref<160xi32, #tpu.memory_space<vmem>>, vector<16xi32>,
      %swap3A_310 = vector.shape_cast %swap3A_309 : vector<16xi32> to vector<16xi32>
      %swap3A_311 = vector.shape_cast %select_n3A_305 : vector<16xi32> to vector<16xi32>
      tpu.vector_store %arg9[%swap3A_308], %swap3A_311 {strides = array<i32>} : memref<160xi32, #tpu.memory_space<vmem>>, vector<16xi32>,
      %dma_start3A = tpu.memref_slice %arg9[%mul3A_38] : memref<160xi32, #tpu.memory_space<vmem>> -> memref<80xi32, #tpu.memory_space<vmem>>
      %dma_start3A_312 = arith.constant 0 : i32
      %dma_start3A_313 = tpu.memref_slice %arg6[%dma_start3A_312] : memref<102400000xf32, #tpu.memory_space<hbm>> -> memref<102400000xf32, #tpu.memory_space<hbm>>
      tpu.enqueue_indirect_dma source(%arg11 : memref<80xf32, #tpu.memory_space<vmem>>) target(%dma_start3A_313 : memref<102400000xf32, #tpu.memory_space<hbm>>) offsets(%dma_start3A : memref<80xi32, #tpu.memory_space<vmem>>) semaphore(%arg13 : memref<!tpu.dma_semaphore, #tpu.memory_space<semaphore_mem>>)
    }
    %scan3A_25 = arith.constant 250 : i32
    %dma_wait3A = tpu.memref_slice %arg6[%add3A] : memref<102400000xf32, #tpu.memory_space<hbm>> -> memref<80xf32, #tpu.memory_space<hbm>>
    %dma_wait3A_26 = tpu.memref_slice %arg6[%add3A] : memref<102400000xf32, #tpu.memory_space<hbm>> -> memref<80xf32, #tpu.memory_space<hbm>>
    tpu.wait_dma2 semaphore(%arg13 : memref<!tpu.dma_semaphore, #tpu.memory_space<semaphore_mem>>) src(%arg11 : memref<80xf32, #tpu.memory_space<vmem>>) dst(%dma_wait3A_26 : memref<80xf32, #tpu.memory_space<hbm>>)
    return
  }
}

module attributes {stable_mosaic.version = 14 : i64} {
  func.func @_tc_mlp_body(%arg0: i32, %arg1: memref<1024x128xf32, #tpu.memory_space<vmem>>, %arg2: memref<2x1024x128xf32, #tpu.memory_space<vmem>>, %arg3: memref<2x1024x1xf32, #tpu.memory_space<vmem>>, %arg4: memref<128x256xf32, #tpu.memory_space<vmem>>, %arg5: memref<1x256xf32, #tpu.memory_space<vmem>>, %arg6: memref<256x256xf32, #tpu.memory_space<vmem>>, %arg7: memref<1x256xf32, #tpu.memory_space<vmem>>, %arg8: memref<256x128xf32, #tpu.memory_space<vmem>>, %arg9: memref<1x128xf32, #tpu.memory_space<vmem>>, %arg10: memref<1024x128xf32, #tpu.memory_space<vmem>>) attributes {dimension_semantics = [#tpu.dimension_semantics<arbitrary>], iteration_bounds = array<i64: 10>, scalar_prefetch = 0 : i64, scratch_operands = 0 : i64, tpu.core_type = #tpu.core_type<tc>, window_params = [{transform_indices = @transform_0, window_bounds = array<i64: 1024, 128>}, {transform_indices = @transform_1, window_bounds = array<i64: 2, 1024, 128>}, {transform_indices = @transform_2, window_bounds = array<i64: 2, 1024, 1>}, {pipeline_mode = #tpu.pipeline_mode<synchronous>, transform_indices = @transform_3, window_bounds = array<i64: 128, 256>}, {pipeline_mode = #tpu.pipeline_mode<synchronous>, transform_indices = @transform_4, window_bounds = array<i64: 1, 256>}, {pipeline_mode = #tpu.pipeline_mode<synchronous>, transform_indices = @transform_5, window_bounds = array<i64: 256, 256>}, {pipeline_mode = #tpu.pipeline_mode<synchronous>, transform_indices = @transform_6, window_bounds = array<i64: 1, 256>}, {pipeline_mode = #tpu.pipeline_mode<synchronous>, transform_indices = @transform_7, window_bounds = array<i64: 256, 128>}, {pipeline_mode = #tpu.pipeline_mode<synchronous>, transform_indices = @transform_8, window_bounds = array<i64: 1, 128>}, {transform_indices = @transform_9, window_bounds = array<i64: 1024, 128>}]} {
    %get3A = arith.constant 0 : index
    %get3A_0 = arith.constant 0 : index
    %get3A_1 = arith.constant 0 : index
    %get3A_2 = vector.load %arg3[%get3A, %get3A_0, %get3A_1] : memref<2x1024x1xf32, #tpu.memory_space<vmem>>, vector<1x1024x1xf32>
    %get3A_3 = vector.shape_cast %get3A_2 : vector<1x1024x1xf32> to vector<1024x1xf32>
    %get3A_4 = arith.constant 1 : index
    %get3A_5 = arith.constant 0 : index
    %get3A_6 = arith.constant 0 : index
    %get3A_7 = vector.load %arg3[%get3A_4, %get3A_5, %get3A_6] : memref<2x1024x1xf32, #tpu.memory_space<vmem>>, vector<1x1024x1xf32>
    %get3A_8 = vector.shape_cast %get3A_7 : vector<1x1024x1xf32> to vector<1024x1xf32>
    %add3A = arith.addf %get3A_3, %get3A_8 : vector<1024x1xf32>
    %add3A_9 = arith.constant 9.99999997E-7 : f32
    %add3A_10 = vector.broadcast %add3A_9 : f32 to vector<1024x1xf32>
    %add3A_11 = arith.addf %add3A, %add3A_10 : vector<1024x1xf32>
    %get3A_12 = arith.constant 0 : index
    %get3A_13 = arith.constant 0 : index
    %get3A_14 = arith.constant 0 : index
    %get3A_15 = vector.load %arg2[%get3A_12, %get3A_13, %get3A_14] : memref<2x1024x128xf32, #tpu.memory_space<vmem>>, vector<1x1024x128xf32>
    %get3A_16 = vector.shape_cast %get3A_15 : vector<1x1024x128xf32> to vector<1024x128xf32>
    %get3A_17 = arith.constant 1 : index
    %get3A_18 = arith.constant 0 : index
    %get3A_19 = arith.constant 0 : index
    %get3A_20 = vector.load %arg2[%get3A_17, %get3A_18, %get3A_19] : memref<2x1024x128xf32, #tpu.memory_space<vmem>>, vector<1x1024x128xf32>
    %get3A_21 = vector.shape_cast %get3A_20 : vector<1x1024x128xf32> to vector<1024x128xf32>
    %add3A_22 = arith.addf %get3A_16, %get3A_21 : vector<1024x128xf32>
    %get3A_23 = arith.constant 0 : index
    %get3A_24 = arith.constant 0 : index
    %get3A_25 = vector.load %arg1[%get3A_23, %get3A_24] : memref<1024x128xf32, #tpu.memory_space<vmem>>, vector<1024x128xf32>
    %div3A = vector.broadcast %add3A_11 : vector<1024x1xf32> to vector<1024x128xf32>
    %div3A_26 = arith.divf %add3A_22, %div3A : vector<1024x128xf32>
    %add3A_27 = arith.addf %get3A_25, %div3A_26 : vector<1024x128xf32>
    %get3A_28 = arith.constant 0 : index
    %get3A_29 = arith.constant 0 : index
    %get3A_30 = vector.load %arg4[%get3A_28, %get3A_29] : memref<128x256xf32, #tpu.memory_space<vmem>>, vector<128x256xf32>
    %dot_general3A = arith.constant dense<0.000000e+00> : vector<1024x256xf32>
    %dot_general3A_31 = tpu.matmul %add3A_27, %get3A_30, %dot_general3A {dimension_numbers = #tpu.dot_dimension_numbers<[1], [0], [0], [1], [0, 0, 1, 1], [], []>, transpose_lhs_hint = false} : vector<1024x128xf32>, vector<128x256xf32>, vector<1024x256xf32> -> vector<1024x256xf32>
    %get3A_32 = arith.constant 0 : index
    %get3A_33 = arith.constant 0 : index
    %get3A_34 = vector.load %arg5[%get3A_32, %get3A_33] : memref<1x256xf32, #tpu.memory_space<vmem>>, vector<1x256xf32>
    %add3A_35 = vector.broadcast %get3A_34 : vector<1x256xf32> to vector<1024x256xf32>
    %add3A_36 = arith.addf %dot_general3A_31, %add3A_35 : vector<1024x256xf32>
    %max3A = arith.constant 0.000000e+00 : f32
    %max3A_37 = vector.broadcast %max3A : f32 to vector<1024x256xf32>
    %max3A_38 = arith.maximumf %add3A_36, %max3A_37 : vector<1024x256xf32>
    %get3A_39 = arith.constant 0 : index
    %get3A_40 = arith.constant 0 : index
    %get3A_41 = vector.load %arg6[%get3A_39, %get3A_40] : memref<256x256xf32, #tpu.memory_space<vmem>>, vector<256x256xf32>
    %dot_general3A_42 = arith.constant dense<0.000000e+00> : vector<1024x256xf32>
    %dot_general3A_43 = tpu.matmul %max3A_38, %get3A_41, %dot_general3A_42 {dimension_numbers = #tpu.dot_dimension_numbers<[1], [0], [0], [1], [0, 0, 1, 1], [], []>, transpose_lhs_hint = false} : vector<1024x256xf32>, vector<256x256xf32>, vector<1024x256xf32> -> vector<1024x256xf32>
    %get3A_44 = arith.constant 0 : index
    %get3A_45 = arith.constant 0 : index
    %get3A_46 = vector.load %arg7[%get3A_44, %get3A_45] : memref<1x256xf32, #tpu.memory_space<vmem>>, vector<1x256xf32>
    %add3A_47 = vector.broadcast %get3A_46 : vector<1x256xf32> to vector<1024x256xf32>
    %add3A_48 = arith.addf %dot_general3A_43, %add3A_47 : vector<1024x256xf32>
    %max3A_49 = arith.constant 0.000000e+00 : f32
    %max3A_50 = vector.broadcast %max3A_49 : f32 to vector<1024x256xf32>
    %max3A_51 = arith.maximumf %add3A_48, %max3A_50 : vector<1024x256xf32>
    %get3A_52 = arith.constant 0 : index
    %get3A_53 = arith.constant 0 : index
    %get3A_54 = vector.load %arg8[%get3A_52, %get3A_53] : memref<256x128xf32, #tpu.memory_space<vmem>>, vector<256x128xf32>
    %dot_general3A_55 = arith.constant dense<0.000000e+00> : vector<1024x128xf32>
    %dot_general3A_56 = tpu.matmul %max3A_51, %get3A_54, %dot_general3A_55 {dimension_numbers = #tpu.dot_dimension_numbers<[1], [0], [0], [1], [0, 0, 1, 1], [], []>, transpose_lhs_hint = false} : vector<1024x256xf32>, vector<256x128xf32>, vector<1024x128xf32> -> vector<1024x128xf32>
    %get3A_57 = arith.constant 0 : index
    %get3A_58 = arith.constant 0 : index
    %get3A_59 = vector.load %arg9[%get3A_57, %get3A_58] : memref<1x128xf32, #tpu.memory_space<vmem>>, vector<1x128xf32>
    %add3A_60 = vector.broadcast %get3A_59 : vector<1x128xf32> to vector<1024x128xf32>
    %add3A_61 = arith.addf %dot_general3A_56, %add3A_60 : vector<1024x128xf32>
    %mul3A = arith.mulf %add3A_61, %add3A_61 : vector<1024x128xf32>
    %reduce_sum3A = arith.constant dense<0.000000e+00> : vector<1024xf32>
    %reduce_sum3A_62 = vector.multi_reduction <add>, %mul3A, %reduce_sum3A [1] : vector<1024x128xf32> to vector<1024xf32>
    %broadcast_in_dim3A = vector.shape_cast %reduce_sum3A_62 : vector<1024xf32> to vector<1024x1xf32>
    %sqrt3A = math.sqrt %broadcast_in_dim3A : vector<1024x1xf32>
    %max3A_63 = arith.constant 9.99999993E-9 : f32
    %max3A_64 = vector.broadcast %max3A_63 : f32 to vector<1024x1xf32>
    %max3A_65 = arith.maximumf %sqrt3A, %max3A_64 : vector<1024x1xf32>
    %div3A_66 = vector.broadcast %max3A_65 : vector<1024x1xf32> to vector<1024x128xf32>
    %div3A_67 = arith.divf %add3A_61, %div3A_66 : vector<1024x128xf32>
    %swap3A = arith.constant 0 : index
    %swap3A_68 = arith.constant 0 : index
    %swap3A_69 = vector.load %arg10[%swap3A, %swap3A_68] : memref<1024x128xf32, #tpu.memory_space<vmem>>, vector<1024x128xf32>
    tpu.vector_store %arg10[%swap3A, %swap3A_68], %div3A_67 {strides = array<i32>} : memref<1024x128xf32, #tpu.memory_space<vmem>>, vector<1024x128xf32>,
    return
  }
  func.func @transform_0(%arg0: i32) -> (i32, i32) {
    %c0_i32 = arith.constant 0 : i32
    %c0_i32_0 = arith.constant 0 : i32
    return %arg0, %c0_i32 : i32, i32
  }
  func.func @transform_1(%arg0: i32) -> (i32, i32, i32) {
    %c0_i32 = arith.constant 0 : i32
    %c0_i32_0 = arith.constant 0 : i32
    %c0_i32_1 = arith.constant 0 : i32
    return %c0_i32, %arg0, %c0_i32_0 : i32, i32, i32
  }
  func.func @transform_2(%arg0: i32) -> (i32, i32, i32) {
    %c0_i32 = arith.constant 0 : i32
    %c0_i32_0 = arith.constant 0 : i32
    %c0_i32_1 = arith.constant 0 : i32
    return %c0_i32, %arg0, %c0_i32_0 : i32, i32, i32
  }
  func.func @transform_3(%arg0: i32) -> (i32, i32) {
    %c0_i32 = arith.constant 0 : i32
    %c0_i32_0 = arith.constant 0 : i32
    %c0_i32_1 = arith.constant 0 : i32
    return %c0_i32, %c0_i32_0 : i32, i32
  }
  func.func @transform_4(%arg0: i32) -> (i32, i32) {
    %c0_i32 = arith.constant 0 : i32
    %c0_i32_0 = arith.constant 0 : i32
    %c0_i32_1 = arith.constant 0 : i32
    return %c0_i32, %c0_i32_0 : i32, i32
  }
  func.func @transform_5(%arg0: i32) -> (i32, i32) {
    %c0_i32 = arith.constant 0 : i32
    %c0_i32_0 = arith.constant 0 : i32
    %c0_i32_1 = arith.constant 0 : i32
    return %c0_i32, %c0_i32_0 : i32, i32
  }
  func.func @transform_6(%arg0: i32) -> (i32, i32) {
    %c0_i32 = arith.constant 0 : i32
    %c0_i32_0 = arith.constant 0 : i32
    %c0_i32_1 = arith.constant 0 : i32
    return %c0_i32, %c0_i32_0 : i32, i32
  }
  func.func @transform_7(%arg0: i32) -> (i32, i32) {
    %c0_i32 = arith.constant 0 : i32
    %c0_i32_0 = arith.constant 0 : i32
    %c0_i32_1 = arith.constant 0 : i32
    return %c0_i32, %c0_i32_0 : i32, i32
  }
  func.func @transform_8(%arg0: i32) -> (i32, i32) {
    %c0_i32 = arith.constant 0 : i32
    %c0_i32_0 = arith.constant 0 : i32
    %c0_i32_1 = arith.constant 0 : i32
    return %c0_i32, %c0_i32_0 : i32, i32
  }
  func.func @transform_9(%arg0: i32) -> (i32, i32) {
    %c0_i32 = arith.constant 0 : i32
    %c0_i32_0 = arith.constant 0 : i32
    return %arg0, %c0_i32 : i32, i32
  }
}

module attributes {stable_mosaic.version = 14 : i64} {
  func.func @_tc_query_body(%arg0: i32, %arg1: memref<2048x128xf32, #tpu.memory_space<vmem>>, %arg2: memref<2048x128xf32, #tpu.memory_space<vmem>>, %arg3: memref<1024x128xf32, #tpu.memory_space<vmem>>, %arg4: memref<2048x1024xf32, #tpu.memory_space<vmem>>, %arg5: memref<2048x1xf32, #tpu.memory_space<vmem>>, %arg6: memref<2048x1xf32, #tpu.memory_space<vmem>>) attributes {dimension_semantics = [#tpu.dimension_semantics<arbitrary>], iteration_bounds = array<i64: 10>, scalar_prefetch = 0 : i64, scratch_operands = 1 : i64, tpu.core_type = #tpu.core_type<tc>, window_params = [{pipeline_mode = #tpu.pipeline_mode<synchronous>, transform_indices = @transform_0, window_bounds = array<i64: 2048, 128>}, {pipeline_mode = #tpu.pipeline_mode<synchronous>, transform_indices = @transform_1, window_bounds = array<i64: 2048, 128>}, {transform_indices = @transform_2, window_bounds = array<i64: 1024, 128>}, {transform_indices = @transform_3, window_bounds = array<i64: 2048, 1024>}, {pipeline_mode = #tpu.pipeline_mode<synchronous>, transform_indices = @transform_4, window_bounds = array<i64: 2048, 1>}]} {
    %eq3A = arith.constant 0 : i32
    %eq3A_0 = arith.cmpi eq, %arg0, %eq3A : i32
    %convert_element_type3A = arith.extui %eq3A_0 : i1 to i32
    %cond3A = arith.constant 0 : i32
    %cond3A_1 = arith.cmpi ne, %convert_element_type3A, %cond3A : i32
    scf.if %cond3A_1 {
      %broadcast_in_dim3A_28 = arith.constant 0.000000e+00 : f32
      %broadcast_in_dim3A_29 = vector.broadcast %broadcast_in_dim3A_28 : f32 to vector<2048x1xf32>
      %swap3A_30 = arith.constant 0 : index
      %swap3A_31 = arith.constant 0 : index
      %swap3A_32 = vector.load %arg6[%swap3A_30, %swap3A_31] : memref<2048x1xf32, #tpu.memory_space<vmem>>, vector<2048x1xf32>
      tpu.vector_store %arg6[%swap3A_30, %swap3A_31], %broadcast_in_dim3A_29 {strides = array<i32>} : memref<2048x1xf32, #tpu.memory_space<vmem>>, vector<2048x1xf32>,
    } else {
    }
    %get3A = arith.constant 0 : index
    %get3A_2 = arith.constant 0 : index
    %get3A_3 = vector.load %arg3[%get3A, %get3A_2] : memref<1024x128xf32, #tpu.memory_space<vmem>>, vector<1024x128xf32>
    %get3A_4 = arith.constant 0 : index
    %get3A_5 = arith.constant 0 : index
    %get3A_6 = vector.load %arg1[%get3A_4, %get3A_5] : memref<2048x128xf32, #tpu.memory_space<vmem>>, vector<2048x128xf32>
    %dot_general3A = arith.constant dense<0.000000e+00> : vector<2048x1024xf32>
    %dot_general3A_7 = tpu.matmul %get3A_6, %get3A_3, %dot_general3A {dimension_numbers = #tpu.dot_dimension_numbers<[1], [1], [0], [0], [0, 0, 1, 0], [], []>, transpose_lhs_hint = false} : vector<2048x128xf32>, vector<1024x128xf32>, vector<2048x1024xf32> -> vector<2048x1024xf32>
    %get3A_8 = arith.constant 0 : index
    %get3A_9 = arith.constant 0 : index
    %get3A_10 = vector.load %arg2[%get3A_8, %get3A_9] : memref<2048x128xf32, #tpu.memory_space<vmem>>, vector<2048x128xf32>
    %dot_general3A_11 = arith.constant dense<0.000000e+00> : vector<2048x1024xf32>
    %dot_general3A_12 = tpu.matmul %get3A_10, %get3A_3, %dot_general3A_11 {dimension_numbers = #tpu.dot_dimension_numbers<[1], [1], [0], [0], [0, 0, 1, 0], [], []>, transpose_lhs_hint = false} : vector<2048x128xf32>, vector<1024x128xf32>, vector<2048x1024xf32> -> vector<2048x1024xf32>
    %get3A_13 = arith.constant 0 : index
    %get3A_14 = arith.constant 0 : index
    %get3A_15 = vector.load %arg6[%get3A_13, %get3A_14] : memref<2048x1xf32, #tpu.memory_space<vmem>>, vector<2048x1xf32>
    %get3A_16 = arith.constant 0 : index
    %get3A_17 = arith.constant 0 : index
    %get3A_18 = vector.load %arg4[%get3A_16, %get3A_17] : memref<2048x1024xf32, #tpu.memory_space<vmem>>, vector<2048x1024xf32>
    %mul3A = arith.mulf %get3A_18, %dot_general3A_7 : vector<2048x1024xf32>
    %mul3A_19 = arith.mulf %mul3A, %dot_general3A_12 : vector<2048x1024xf32>
    %reduce_sum3A = arith.constant dense<0.000000e+00> : vector<2048xf32>
    %reduce_sum3A_20 = vector.multi_reduction <add>, %mul3A_19, %reduce_sum3A [1] : vector<2048x1024xf32> to vector<2048xf32>
    %broadcast_in_dim3A = vector.shape_cast %reduce_sum3A_20 : vector<2048xf32> to vector<2048x1xf32>
    %add3A = arith.addf %get3A_15, %broadcast_in_dim3A : vector<2048x1xf32>
    %swap3A = arith.constant 0 : index
    %swap3A_21 = arith.constant 0 : index
    %swap3A_22 = vector.load %arg6[%swap3A, %swap3A_21] : memref<2048x1xf32, #tpu.memory_space<vmem>>, vector<2048x1xf32>
    tpu.vector_store %arg6[%swap3A, %swap3A_21], %add3A {strides = array<i32>} : memref<2048x1xf32, #tpu.memory_space<vmem>>, vector<2048x1xf32>,
    %eq3A_23 = arith.constant 9 : i32
    %eq3A_24 = arith.cmpi eq, %arg0, %eq3A_23 : i32
    %convert_element_type3A_25 = arith.extui %eq3A_24 : i1 to i32
    %cond3A_26 = arith.constant 0 : i32
    %cond3A_27 = arith.cmpi ne, %convert_element_type3A_25, %cond3A_26 : i32
    scf.if %cond3A_27 {
      %get3A_28 = arith.constant 0 : index
      %get3A_29 = arith.constant 0 : index
      %get3A_30 = vector.load %arg6[%get3A_28, %get3A_29] : memref<2048x1xf32, #tpu.memory_space<vmem>>, vector<2048x1xf32>
      %logistic3A = arith.negf %get3A_30 : vector<2048x1xf32>
      %logistic3A_31 = math.exp %logistic3A : vector<2048x1xf32>
      %logistic3A_32 = arith.constant 1.000000e+00 : f32
      %logistic3A_33 = vector.broadcast %logistic3A_32 : f32 to vector<2048x1xf32>
      %logistic3A_34 = arith.addf %logistic3A_33, %logistic3A_31 : vector<2048x1xf32>
      %logistic3A_35 = arith.divf %logistic3A_33, %logistic3A_34 : vector<2048x1xf32>
      %swap3A_36 = arith.constant 0 : index
      %swap3A_37 = arith.constant 0 : index
      %swap3A_38 = vector.load %arg5[%swap3A_36, %swap3A_37] : memref<2048x1xf32, #tpu.memory_space<vmem>>, vector<2048x1xf32>
      tpu.vector_store %arg5[%swap3A_36, %swap3A_37], %logistic3A_35 {strides = array<i32>} : memref<2048x1xf32, #tpu.memory_space<vmem>>, vector<2048x1xf32>,
    } else {
    }
    return
  }
  func.func @transform_0(%arg0: i32) -> (i32, i32) {
    %c0_i32 = arith.constant 0 : i32
    %c0_i32_0 = arith.constant 0 : i32
    %c0_i32_1 = arith.constant 0 : i32
    return %c0_i32, %c0_i32_0 : i32, i32
  }
  func.func @transform_1(%arg0: i32) -> (i32, i32) {
    %c0_i32 = arith.constant 0 : i32
    %c0_i32_0 = arith.constant 0 : i32
    %c0_i32_1 = arith.constant 0 : i32
    return %c0_i32, %c0_i32_0 : i32, i32
  }
  func.func @transform_2(%arg0: i32) -> (i32, i32) {
    %c0_i32 = arith.constant 0 : i32
    %c0_i32_0 = arith.constant 0 : i32
    return %arg0, %c0_i32 : i32, i32
  }
  func.func @transform_3(%arg0: i32) -> (i32, i32) {
    %c0_i32 = arith.constant 0 : i32
    %c0_i32_0 = arith.constant 0 : i32
    return %c0_i32, %arg0 : i32, i32
  }
  func.func @transform_4(%arg0: i32) -> (i32, i32) {
    %c0_i32 = arith.constant 0 : i32
    %c0_i32_0 = arith.constant 0 : i32
    %c0_i32_1 = arith.constant 0 : i32
    return %c0_i32, %c0_i32_0 : i32, i32
  }
}

</mosaic_0001>

<sc_bundles>
// kernel: kernel.10.cloned.1.call-start
scs
__scs_entry_jumppad:
0x0: {  	(pc) =	sbr.rel $0x88, $3  }
0x1: {  	(tag) =	ssettag $0x0;
	lr =	simm.s32 $0x1  }
0x2: {  	[smem:$0x3F98] =	sst lr;
	_ =	strace $0xD0000000  }
0x3: {  	_ = 	snop  }
0x4: {  	_ = 	snop  }
0x5: {  	_ = 	snop  }
0x6: {  	_ = 	snop  }
0x7: {  	_ = 	snop  }
__scs_overlays_trampoline_lowered:
0x8: {  	[smem:$0x3FA7] =	sst s0  }
0x9: {  	[smem:$0x3FA8] =	sst s1  }
0xa: {  	[smem:$0x3FA9] =	sst s2  }
0xb: {  	[smem:$0x3FAA] =	sst s3  }
0xc: {  	[smem:$0x3FAB] =	sst s4  }
0xd: {  	[smem:$0x3FAC] =	sst s5  }
0xe: {  	[smem:$0x3FAD] =	sst s6  }
0xf: {  	[smem:$0x3FAE] =	sst s7  }
0x10: {  	[smem:$0x3FAF] =	sst s8  }
0x11: {  	[smem:$0x3FB0] =	sst s9;
	s0 =	simm.s32 @!p0 $0x0  }
0x12: {  	s1 =	sld [smem:$0x3F96];
	s0 =	simm.s32 @p0 $0x1  }
0x13: {  	[smem:$0x3FB1] =	sst s0;
	s0 =	simm.s32 @!p1 $0x0  }
0x14: {  	s2 =	sld [smem:$0x3F95];
	s0 =	simm.s32 @p1 $0x1  }
0x15: {  	[smem:$0x3FB2] =	sst s0;
	s0 =	simm.s32 @!p2 $0x0  }
0x16: {  	s3 =	sld [smem:$0x3FDB];
	s0 =	simm.s32 @p2 $0x1  }
0x17: {  	s4 =	simm.s32 $0x1BF5;
	[smem:$0x3FB4] =	sst s0  }
0x18: {  	s0 =	sld [smem:$0x3F97];
	_ =	swait.ge [sflag:s4], $0x0  }
0x19: {  	s7 =	sld [smem:$0x3F98]  }
0x1a: {  	s8 =	sadd.s32 $0xFFFFE003, lr  }
0x1b: {  	s9 =	sadd.s32 $0xFFFFFEF7, lr;
	s5 =	simm.s32 $0xFFFFFFFF;
	p2 =	slt.u32 s8, $0xFFFFF086  }
0x1c: {  	p1 =	slt.u32 s9, $0xF7A;
	s5 =	simm.s32 @!p2 $0x0  }
0x1d: {  	s5 =	simm.s32 @p1 $0x1;
	p0 =	seq.s32 s7, s2  }
0x1e: {  	s7 =	smul.u32 @!p0 $0xF7A, s2;
	p2 =	seq.s32 @!p0 s5, $0x0  }
0x1f: {  	s9 =	smul.u32 $0xF7A, s1;
	s8 =	simm.s32 @!p0 $0x1BF5;
	p2 =	por !p2, p0  }
0x20: {  	[sflag:s8] =	ssyncset.s32 @!p0 $0xFFFFF086;
	s6 =	sadd.s32 @!p0 s3, s7;
	s7 =	simm.s32 @!p0 $0x108  }
0x21: {  	s3 =	sadd.s32 s3, s9;
	s6 =	sadd.s32 @!p0 $0x88, s6;
	s7 =	simm.s32 @p2 $0x1082  }
0x22: {  	[simem:s7], [sflag:s8] =	dma.local @!p0 [hbm:s6], $0xF7A  }
0x23: {  	s9 =	sor.u32 $0xD0000000, s2;
	s6 =	simm.s32 $0x108;
	_ =	swait.ge @!p0 [sflag:s8], $0x0  }
0x24: {  	s3 =	sadd.s32 $0x88, s3;
	s6 =	simm.s32 @!p1 $0x1082;
	[sflag:s4] =	ssyncset.s32 $0xFFFFF086  }
0x25: {  	[simem:s6], [sflag:s4] =	dma.local [hbm:s3], $0xF7A  }
0x26: {  	[smem:$0x3F98] =	sst s1;
	(tag) =	ssettag s2;
	_ =	strace s9  }
0x27: {  	s1 =	sld [smem:$0x3FA8]  }
0x28: {  	s2 =	sld [smem:$0x3FA9]  }
0x29: {  	s4 =	sld [smem:$0x3FAB]  }
0x2a: {  	p0 =	seq.s32 s5, $0x0;
	s5 =	sld [smem:$0x3FAC]  }
0x2b: {  	s6 =	sld [smem:$0x3FAD]  }
0x2c: {  	s7 =	sld [smem:$0x3FAE]  }
0x2d: {  	s3 =	simm.s32 $0x108;
	s8 =	sld [smem:$0x3FAF]  }
0x2e: {  	s3 =	simm.s32 @!p0 $0x1082;
	s9 =	sld [smem:$0x3FB0]  }
0x2f: {  	lr =	sadd.s32 s0, s3;
	s0 =	sld [smem:$0x3FA7]  }
0x30: {  	s3 =	sld [smem:$0x3FAA]  }
0x31: {  	[smem:$0x3FB3] =	sst s10  }
0x32: {  	s10 =	sld [smem:$0x3FB1];
	_ =	sdelay $0x3  }
0x33: {  	p0 =	seq.s32 s10, $0x1;
	s10 =	sld [smem:$0x3FB3];
	_ =	sdelay $0x3  }
0x34: {  	[smem:$0x3FB3] =	sst s10  }
0x35: {  	s10 =	sld [smem:$0x3FB2];
	_ =	sdelay $0x3  }
0x36: {  	p1 =	seq.s32 s10, $0x1;
	s10 =	sld [smem:$0x3FB3];
	_ =	sdelay $0x3  }
0x37: {  	[smem:$0x3FB3] =	sst s10  }
0x38: {  	s10 =	sld [smem:$0x3FB4]  }
0x39: {  	_ = 	snop;
	(pc) =	sbr.ind lr, $3  }
0x3a: {  	_ = 	snop  }
0x3b: {  	_ = 	snop  }
0x3c: {  	p2 =	seq.s32 s10, $0x1;
	s10 =	sld [smem:$0x3FB3]  }
0x3d: {  	_ =	shalt  }
0x3e: {  	_ =	shalt  }
0x3f: {  	_ =	shalt  }
0x40: {  	_ =	shalt  }
0x41: {  	_ =	shalt  }
0x42: {  	_ =	shalt  }
0x43: {  	_ =	shalt  }
0x44: {  	_ =	shalt  }
0x45: {  	_ =	shalt  }
0x46: {  	_ =	shalt  }
0x47: {  	_ =	shalt  }
0x48: {  	_ =	shalt  }
0x49: {  	_ =	shalt  }
0x4a: {  	_ =	shalt  }
0x4b: {  	_ =	shalt  }
0x4c: {  	_ =	shalt  }
0x4d: {  	_ =	shalt  }
0x4e: {  	_ =	shalt  }
0x4f: {  	_ =	shalt  }
0x50: {  	_ =	shalt  }
0x51: {  	_ =	shalt  }
0x52: {  	_ =	shalt  }
0x53: {  	_ =	shalt  }
0x54: {  	_ =	shalt  }
0x55: {  	_ =	shalt  }
0x56: {  	_ =	shalt  }
0x57: {  	_ =	shalt  }
0x58: {  	_ =	shalt  }
0x59: {  	_ =	shalt  }
0x5a: {  	_ =	shalt  }
0x5b: {  	_ =	shalt  }
0x5c: {  	_ =	shalt  }
0x5d: {  	_ =	shalt  }
0x5e: {  	_ =	shalt  }
0x5f: {  	_ =	shalt  }
0x60: {  	_ =	shalt  }
0x61: {  	_ =	shalt  }
0x62: {  	_ =	shalt  }
0x63: {  	_ =	shalt  }
0x64: {  	_ =	shalt  }
0x65: {  	_ =	shalt  }
0x66: {  	_ =	shalt  }
0x67: {  	_ =	shalt  }
0x68: {  	_ =	shalt  }
0x69: {  	_ =	shalt  }
0x6a: {  	_ =	shalt  }
0x6b: {  	_ =	shalt  }
0x6c: {  	_ =	shalt  }
0x6d: {  	_ =	shalt  }
0x6e: {  	_ =	shalt  }
0x6f: {  	_ =	shalt  }
0x70: {  	_ =	shalt  }
0x71: {  	_ =	shalt  }
0x72: {  	_ =	shalt  }
0x73: {  	_ =	shalt  }
0x74: {  	_ =	shalt  }
0x75: {  	_ =	shalt  }
0x76: {  	_ =	shalt  }
0x77: {  	_ =	shalt  }
0x78: {  	_ =	shalt  }
0x79: {  	_ =	shalt  }
0x7a: {  	_ =	shalt  }
0x7b: {  	_ =	shalt  }
0x7c: {  	_ =	shalt  }
0x7d: {  	_ =	shalt  }
0x7e: {  	_ =	shalt  }
0x7f: {  	_ =	shalt  }
0x80: {  	_ =	shalt  }
0x81: {  	_ =	shalt  }
0x82: {  	_ =	shalt  }
0x83: {  	_ =	shalt  }
0x84: {  	_ =	shalt  }
0x85: {  	_ =	shalt  }
0x86: {  	_ =	shalt  }
0x87: {  	_ =	shalt  }
.Lfunc_end0:
.L_simem_size_0:
called_computation.2_lowered:
.L_overlay_start_0:
0x88: {  	s2 =	sld [smem:$0x3FD9]  }
0x89: {  	s3 =	sld [smem:$0x3FFE];
	_ =	sdelay $0x1  }
0x8a: {  	s1 =	srdreg.scid  }
0x8b: {  	s0 =	sand.u32 $0x1, s1  }
0x8c: {  	s17 =	sshll.u32 s0, $0xA;
	s2 =	sadd.s32 s3, s2  }
0x8d: {  	s2 =	sadd.s32 s2, s17  }
0x8e: {  	[smem:$0x3FBF] =	sst s2  }
0x8f: {  	_ = 	snop  }
0x90: {  	(tm) =	ssettm $0x1  }
0x91: {  	s18 =	sld [smem:$0x3FFB];
	_ =	sdelay $0x3  }
0x92: {  	_ =	strace s18  }
0x93: {  	s2 =	sld [smem:$0x3FFC];
	_ =	sdelay $0x3  }
0x94: {  	_ =	strace s2  }
0x95: {  	s2 =	sld [smem:$0x3FFD];
	_ =	sdelay $0x3  }
0x96: {  	_ =	strace s2  }
0x97: {  	_ =	strace $0x8FFFFFFF  }
0x98: {  	s19 =	sld [smem:$0x3FDB];
	_ =	sdelay $0x1  }
0x99: {  	s20 =	simm.s32 $_scs_section_size  }
0x9a: {  	s4 =	simm.s32 $_size__tile_overlayer_lowered;
	s5 =	simm.s32 $_tile_overlayer_lowered  }
0x9b: {  	s6 =	simm.s32 $0x1BFF;
	s21 =	sshll.u32 s5, $0x1;
	s3 =	sadd.s32 s20, s19  }
0x9c: {  	s22 =	simm.s32 $0x0;
	s4 =	sshll.u32 s4, $0x1;
	s5 =	sadd.s32 s21, s3  }
0x9d: {  	[timem:s22], [sflag:s6] =	dma.local [hbm:s5], s4  }
0x9e: {  	_ =	swait.ge [sflag:s6], s4  }
0x9f: {  	s4 =	ssub.s32 $0x0, s4;
	[sflag:s6] =	ssyncset.done $0x0  }
0xa0: {  	[sflag:s6] =	ssyncadd.s32 s4;
	_ =	sdelay $0x1  }
0xa1: {  	s23 =	simm.s32 $0x1B8B  }
0xa2: {  	_ =	swait.ge [sflag:s23], $0x1  }
0xa3: {  	[sflag:s23] =	ssyncset.done $0x0  }
0xa4: {  	[sflag:s23] =	ssyncadd.s32 $0xFFFFFFFF  }
0xa5: {  	s4 =	sld [smem:$0x0]  }
0xa6: {  	s5 =	sand.u32 $0xFFFFFFFE, s1  }
0xa7: {  	p0 =	sne.s32 s1, s5  }
0xa8: {  	s5 =	sshll.u32 @p0 s5, $0xE  }
0xa9: {  	s5 =	sadd.s32 @p0 $0x11B8D, s5;
	s6 =	sshll.u32 @p0 s4, $0x11  }
0xaa: {  	s5 =	sor.u32 @p0 s6, s5  }
0xab: {  	[sflag:s5] =	ssyncadd.remote.s32 @p0 $0x1;
	_ =	sdelay $0x1  }
0xac: {  	s5 =	simm.s32 @p0 $0x1B8D  }
0xad: {  	_ =	swait.eq @p0 [sflag:s5], $0x1  }
0xae: {  	[sflag:s5] =	ssyncadd.s32 @p0 $0xFFFFFFFF  }
0xaf: {  	s6 =	sshll.u32 @!p0 s1, $0xE  }
0xb0: {  	s6 =	sor.u32 @!p0 $0x4000, s6;
	s5 =	simm.s32 @!p0 $0x1B8D  }
0xb1: {  	s4 =	sshll.u32 @!p0 s4, $0x11;
	s6 =	sadd.s32 @!p0 $0x11B8D, s6;
	_ =	swait.eq @!p0 [sflag:s5], $0x1  }
0xb2: {  	s4 =	sor.u32 @!p0 s4, s6;
	[sflag:s5] =	ssyncadd.s32 @!p0 $0xFFFFFFFF  }
0xb3: {  	s25 =	simm.s32 $0x1B8E;
	s24 =	sld [smem:$0x3FFE];
	[sflag:s4] =	ssyncadd.remote.s32 @!p0 $0x1  }
0xb4: {  	s26 =	simm.s32 $execute0_lowered;
	[smem:$0x3FD2] =	sst s25  }
0xb5: {  	s5 =	sshll.u32 s26, $0x1;
	_ =	strace $0x80000049;
	[dreg:$0x1] =	wrdreg $0xFFFFFFFF  }
0xb6: {  	s28 =	simm.s32 $_size_execute0_lowered;
	s3 =	sadd.s32 s3, s5;
	[dreg:$0x0] =	wrdreg $0x0  }
0xb7: {  	s5 =	sshll.u32 s28, $0x1;
	[dreg:$0x2] =	wrdreg s3  }
0xb8: {  	[dreg:$0x3] =	wrdreg s5  }
0xb9: {  	[dreg:$0x4] =	wrdreg $0xC0  }
0xba: {  	_ =	task [dreg:s22], $0x5FFFF  }
0xbb: {  	[dreg:$0x1] =	wrdreg $0xFFFFFFFF  }
0xbc: {  	[dreg:$0x0] =	wrdreg $0x60  }
0xbd: {  	[dreg:$0x2] =	wrdreg s24  }
0xbe: {  	[dreg:$0x3] =	wrdreg $0xA  }
0xbf: {  	_ =	task.clear_ibuf [dreg:s22], $0x4FFFF;
	_ =	strace $0x90000049  }
0xc0: {  	s29 =	simm.s32 $0xA;
	_ =	strace $0x8000004B  }
0xc1: {  	_ =	swait.ge [sflag:s29], $0x1  }
0xc2: {  	[sflag:s29] =	ssyncadd.s32 $0xFFFFFFFF  }
0xc3: {  	_ =	strace $0x9000004B  }
0xc4: {  	_ =	sfence  }
0xc5: {  	s30 =	sld [smem:$0x0];
	_ =	sdelay $0x2  }
0xc6: {  	s31 =	sshll.u32 s1, $0xD;
	s1 =	sshrl.u32 s1, $0x2  }
0xc7: {  	s4 =	sand.u32 $0x4000, s31;
	s1 =	sadd.s32 s1, s30  }
0xc8: {  	s0 =	sor.u32 s4, s0;
	s1 =	sshll.u32 s1, $0x11  }
0xc9: {  	s0 =	sor.u32 s1, s0  }
0xca: {  	s0 =	sadd.s32 $0x8F2B, s0  }
0xcb: {  	[sflag:s0] =	ssyncadd.remote.s32 $0x1  }
0xcc: {  	_ =	sfence.sel $0xFFFF  }
0xcd: {  	[dreg:$0x0] =	wrdreg $0xFFFFFFFF;
	(pc) =	sbr.abs _section_cstart, $3  }
0xce: {  	[dreg:$0x1] =	wrdreg $0xFFFFFFFF  }
0xcf: {  	_ =	task.clear_ibuf [dreg:s22], $0x2FFFF;
	_ =	strace $0x9FFFFFFF  }
0xd0: {  	(tm) =	ssettm $0x7FFFFFFF  }
0xd1: {  	_ =	shalt  }
tec
execute0_lowered:
.L_overlay_start_1:
0x0: {  	(tag) =	ssettag $0x1  }
0x1: {  	s5 =	rddreg [dreg:$0x0]  }
0x2: {  	s0 =	rddreg [dreg:$0x1];
	s2 =	simm.s32 $0x0;
	s1 =	stileid.u32  }
0x3: {  	s3 =	srdreg.scid;
	s12 =	simm.s32 $0x3;
	s13 =	simm.s32 $0x7F00  }
0x4: {  	s14 =	simm.s32 $0x1;
	s15 =	simm.s32 $0x50;
	s4 =	smul.u32 $0x9C4, s1  }
0x5: {  	s18 =	simm.s32 $0x80;
	[smem:$0x7FF] =	sst s2;
	s8 =	smul.u32 $0x30D400, s1  }
0x6: {  	s6 =	sand.u32 $0x1, s3;
	s3 =	sadd.s32 $0x67800, s5;
	s11 =	smul.u32 $0x138, s1  }
0x7: {  	_ =	strace $0x8000004A;
	s7 =	smul.u32 $0x30D4000, s6;
	s9 =	ssub.s32 $0x2, s6  }
0x8: {  	s16 =	smul.u32 $0x1388, s6;
	[dreg:$0x2] =	wrdreg s18;
	s10 =	sadd.s32 s4, s5  }
0x9: {  	s4 =	sadd.s32 $0x16C00, s5;
	s5 =	sadd.s32 $0x68800, s5;
	s31 =	sshrl.u32 s9, $0x1  }
0xa: {  	s9 =	ssub.s32 s9, s31;
	s17 =	sadd.s32 $0x1388, s16;
	s8 =	sadd.s32 s8, s7  }
0xb: {  	s6 =	sadd.s32 s11, s16;
	s11 =	simm.s32 $0x200;
	v0 =	vmov s16;
	s16 =	simm.s32 $0x2  }
0xc: {  	s7 =	smax.u32 s9, $0x1;
	s8 =	sshrl.u32 s8, $0x3;
	s9 =	sadd.s32 $0x2600, s10  }
0xd: {  	v2 =	vlaneseq.u32;
	s10 =	sadd.s32 $0xC400, s10;
	v1 =	vmov s17;
	s17 =	simm.s32 $0x0;
	s8 =	sadd.s32 s8, s5  }
.LBB2_1:
0xe: {  	[tilespmem:s11], [sflag:$0x3] =	stream.linear.gather [hbm4b:s3+s2], $0x7D00, $0x38;
	[tilespmem:$0x7F80] =	vst v63  }
0xf: {  	_ =	swait.ge [sflag:s12], $0x7D00  }
0x10: {  	[sflag:s12] =	ssyncset.done $0x0  }
0x11: {  	[sflag:s12] =	ssyncadd.s32 $0xFFFF8300  }
0x12: {  	[tilespmem:s13], [sflag:$0x3] =	stream.linear.gather [hbm4b:s4+s2], $0x50, $0x38;
	[tilespmem:$0x7F80] =	vst v63  }
0x13: {  	_ =	swait.ge [sflag:s12], $0x50  }
0x14: {  	[sflag:s12] =	ssyncset.done $0x0  }
0x15: {  	s18 =	simm.s32 $0x0;
	[sflag:s12] =	ssyncadd.s32 $0xFFFFFFB0  }
.LBB2_2:
0x16: {  	p0 =	sne.s32 s18, $0x60AE0  }
.Ltmp0:
0x17: {  	_ = 	snop;
	(pc) =	sbr.rel @p0 .LBB2_2-.Ltmp0, $3  }
0x18: {  	_ =	sdelay $0x1  }
0x19: {  	s19 =	sadd.s32 s18, s8;
	s18 =	sadd.s32 $0xFA0, s18  }
0x1a: {  	[hbm4b:s19+s2] =	stream.linear.scatter [tilespmem:s11], [sflag:$0x1], $0x7D00, $0x38;
	[tilespmem:$0x7F80] =	vst v63  }
0x1b: {  	_ =	swait.ge [sflag:s14], $0x7D00  }
0x1c: {  	s18 =	simm.s32 $0x63;
	[sflag:s14] =	ssyncset.done $0x0  }
.LBB2_4:
0x1d: {  	p0 =	sne.s32 s18, $0x1;
	s18 =	sadd.s32 $0xFFFFFFFF, s18;
	[sflag:s14] =	ssyncadd.s32 $0xFFFF8300  }
.Ltmp1:
0x1e: {  	(pc) =	sbr.rel @p0 .LBB2_4-.Ltmp1, $3  }
0x1f: {  	_ =	sdelay $0x1  }
0x20: {  	_ =	swait.ge [sflag:s14], $0x7D00  }
0x21: {  	[sflag:s14] =	ssyncset.done $0x0  }
0x22: {  	[sflag:s14] =	ssyncadd.s32 $0xFFFF8300  }
0x23: {  	[bflag:$0x0] =	sbarrier.arrive $0xFFFF  }
0x24: {  	[tilespmem:s2], [sflag:$0x3] =	stream.linear.gather [hbm4b:s10+s2], $0x50, $0x38;
	[tilespmem:$0x7F80] =	vst v63  }
0x25: {  	_ =	swait.ge [sflag:s12], $0x50  }
0x26: {  	s20 =	simm.s32 $0x0;
	[sflag:s12] =	ssyncset.done $0x0  }
0x27: {  	s18 =	smul.u32 $0x5, s20;
	s19 =	rddreg [dreg:$0x2];
	[sflag:s12] =	ssyncadd.s32 $0xFFFFFFB0  }
0x28: {  	[tilespmem:s19], [sflag:$0x3] =	stream.linear.gather [hbm4b:s9+s2], $0x50, $0x38;
	[tilespmem:$0x7F80] =	vst v63  }
0x29: {  	s30 =	sand.u32 $0xFFF8, s18;
	_ =	swait.ge [sflag:s12], $0x50  }
0x2a: {  	p0 =	por $0x1, $0x1;
	s19 =	sshrl.u32 s30, $0x3;
	[sflag:s12] =	ssyncset.done $0x0  }
0x2b: {  	s21 =	simm.s32 @!p0 $0x2;
	s19 =	smul.u32 $0xD21, s19;
	[sflag:s12] =	ssyncadd.s32 $0xFFFFFFB0  }
0x2c: {  	_ =	swait.ge @!p0 [sflag:s21], $0x50  }
0x2d: {  	s19 =	sshrl.u32 s19, $0x11;
	[sflag:s21] =	ssyncset.done @!p0 $0x0  }
0x2e: {  	s19 =	smul.u32 $0x138, s19;
	[sflag:s21] =	ssyncadd.s32 @!p0 $0xFFFFFFB0  }
0x2f: {  	v3 =	vld [tilespmem:$0x0]  }
0x30: {  	s19 =	ssub.s32 s18, s19  }
0x31: {  	v4 =	vld [tilespmem:$0x80];
	s19 =	sand.u32 $0xFFFF, s19  }
0x32: {  	s31 =	sadd.s32 $0x1, s18;
	s19 =	sadd.s32 s19, s6  }
0x33: {  	s22 =	sand.u32 $0xFFF8, s31;
	s19 =	smul.u32 $0x2800, s19  }
0x34: {  	s22 =	sshrl.u32 s22, $0x3;
	v5 =	vmul.u32 $0x2800, v3  }
0x35: {  	s20 =	sand.u32 $0x1, s20;
	s22 =	smul.u32 $0xD21, s22;
	s19 =	sadd.s32 $0x2710, s19;
	vm0 =	vge.s32 v3, v0;
	vm1 =	vlt.s32 v3, v1  }
0x36: {  	p0 =	seq.s32 s20, $0x1;
	v3 =	vor.u32 s19, v2;
	s19 =	simm.s32 $0x50;
	vm0 =	vmand vm0, vm1;
	v4 =	vadd.s32 v4, v5  }
0x37: {  	s22 =	sshrl.u32 s22, $0x11;
	s19 =	simm.s32 @!p0 $0x0;
	v3 =	vsel vm0, v4, v3  }
0x38: {  	s20 =	smul.u32 $0x138, s22;
	[tilespmem:s19+$0x100] =	vst v3  }
0x39: {  	v3 =	vld [tilespmem:$0x10]  }
0x3a: {  	s20 =	ssub.s32 s31, s20  }
0x3b: {  	s20 =	sand.u32 $0xFFFF, s20;
	v56 =	vld [tilespmem:$0x90]  }
0x3c: {  	s23 =	sadd.s32 $0x2, s18;
	s20 =	sadd.s32 s20, s6  }
0x3d: {  	s24 =	sand.u32 $0xFFF8, s23;
	s20 =	smul.u32 $0x2800, s20  }
0x3e: {  	s22 =	sshrl.u32 s24, $0x3;
	v57 =	vmul.u32 $0x2800, v3  }
0x3f: {  	s22 =	smul.u32 $0xD21, s22;
	s20 =	sadd.s32 $0x2720, s20;
	vm8 =	vge.s32 v3, v0;
	vm9 =	vlt.s32 v3, v1  }
0x40: {  	v3 =	vor.u32 s20, v2;
	vm0 =	vmand vm8, vm9;
	v4 =	vadd.s32 v56, v57  }
0x41: {  	s25 =	sshrl.u32 s22, $0x11;
	v3 =	vsel vm0, v4, v3  }
0x42: {  	s20 =	smul.u32 $0x138, s25;
	[tilespmem:s19+$0x110] =	vst v3  }
0x43: {  	v3 =	vld [tilespmem:$0x20]  }
0x44: {  	s20 =	ssub.s32 s23, s20  }
0x45: {  	s20 =	sand.u32 $0xFFFF, s20;
	v58 =	vld [tilespmem:$0xA0]  }
0x46: {  	s26 =	sadd.s32 $0x3, s18;
	s20 =	sadd.s32 s20, s6  }
0x47: {  	s28 =	sand.u32 $0xFFF8, s26;
	s20 =	smul.u32 $0x2800, s20  }
0x48: {  	s22 =	sshrl.u32 s28, $0x3;
	v59 =	vmul.u32 $0x2800, v3  }
0x49: {  	s22 =	smul.u32 $0xD21, s22;
	s20 =	sadd.s32 $0x2730, s20;
	vm10 =	vge.s32 v3, v0;
	vm11 =	vlt.s32 v3, v1  }
0x4a: {  	v3 =	vor.u32 s20, v2;
	vm0 =	vmand vm10, vm11;
	v4 =	vadd.s32 v58, v59  }
0x4b: {  	s29 =	sshrl.u32 s22, $0x11;
	v3 =	vsel vm0, v4, v3  }
0x4c: {  	s20 =	smul.u32 $0x138, s29;
	[tilespmem:s19+$0x120] =	vst v3  }
0x4d: {  	v3 =	vld [tilespmem:$0x30]  }
0x4e: {  	s20 =	ssub.s32 s26, s20  }
0x4f: {  	s20 =	sand.u32 $0xFFFF, s20;
	v60 =	vld [tilespmem:$0xB0]  }
0x50: {  	s18 =	sadd.s32 $0x4, s18;
	s20 =	sadd.s32 s20, s6  }
0x51: {  	s30 =	sand.u32 $0xFFF8, s18;
	s20 =	smul.u32 $0x2800, s20  }
0x52: {  	s21 =	sshrl.u32 s30, $0x3;
	v61 =	vmul.u32 $0x2800, v3  }
0x53: {  	s21 =	smul.u32 $0xD21, s21;
	s20 =	sadd.s32 $0x2740, s20;
	vm12 =	vge.s32 v3, v0;
	vm13 =	vlt.s32 v3, v1  }
0x54: {  	v3 =	vor.u32 s20, v2;
	vm0 =	vmand vm12, vm13;
	v4 =	vadd.s32 v60, v61  }
0x55: {  	s31 =	sshrl.u32 s21, $0x11;
	v3 =	vsel vm0, v4, v3  }
0x56: {  	s20 =	smul.u32 $0x138, s31;
	[tilespmem:s19+$0x130] =	vst v3  }
0x57: {  	v3 =	vld [tilespmem:$0x40]  }
0x58: {  	s18 =	ssub.s32 s18, s20  }
0x59: {  	s18 =	sand.u32 $0xFFFF, s18;
	v62 =	vld [tilespmem:$0xC0]  }
0x5a: {  	s18 =	sadd.s32 s18, s6  }
0x5b: {  	s18 =	smul.u32 $0x2800, s18  }
0x5c: {  	v63 =	vmul.u32 $0x2800, v3  }
0x5d: {  	s18 =	sadd.s32 $0x2750, s18;
	vm14 =	vge.s32 v3, v0;
	vm15 =	vlt.s32 v3, v1  }
0x5e: {  	v3 =	vor.u32 s18, v2;
	vm0 =	vmand vm14, vm15;
	v4 =	vadd.s32 v62, v63  }
0x5f: {  	s22 =	sor.u32 $0x100, s19;
	v3 =	vsel vm0, v4, v3  }
0x60: {  	s20 =	sadd.s32 $0xA, s10;
	s18 =	simm.s32 $0x1;
	[tilespmem:s19+$0x140] =	vst v3;
	s19 =	sadd.s32 $0xA, s9  }
.LBB2_6:
0x61: {  	[hbm4b:s5+s15] =	stream.indirect.scatter [tilespmem:s13], [sflag:$0x2], $0x1, s22, s15, $0xb8;
	[tilespmem:$0x7F80] =	vst v63  }
0x62: {  	_ = 	snop  }
0x63: {  	[tilespmem:s2], [sflag:$0x3] =	stream.linear.gather [hbm4b:s20+s2], $0x50, $0x38;
	[tilespmem:$0x7F80] =	vst v63  }
0x64: {  	_ =	swait.ge [sflag:s12], $0x50  }
0x65: {  	s21 =	smov.u32 s18;
	[sflag:s12] =	ssyncset.done $0x0  }
0x66: {  	s23 =	smul.u32 $0x5, s21;
	s28 =	rddreg [dreg:$0x2];
	[sflag:s12] =	ssyncadd.s32 $0xFFFFFFB0  }
0x67: {  	[tilespmem:s28], [sflag:$0x3] =	stream.linear.gather [hbm4b:s19+s2], $0x50, $0x38;
	[tilespmem:$0x7F80] =	vst v63  }
0x68: {  	s29 =	sand.u32 $0xFFF8, s23;
	_ =	swait.ge [sflag:s12], $0x50  }
0x69: {  	p1 =	seq.s32 s21, $0x0;
	s22 =	sshrl.u32 s29, $0x3;
	[sflag:s12] =	ssyncset.done $0x0  }
0x6a: {  	s25 =	simm.s32 @!p1 $0x2;
	s22 =	smul.u32 $0xD21, s22;
	[sflag:s12] =	ssyncadd.s32 $0xFFFFFFB0  }
0x6b: {  	_ =	swait.ge @!p1 [sflag:s25], $0x50  }
0x6c: {  	s22 =	sshrl.u32 s22, $0x11;
	[sflag:s25] =	ssyncset.done @!p1 $0x0  }
0x6d: {  	s22 =	smul.u32 $0x138, s22;
	[sflag:s25] =	ssyncadd.s32 @!p1 $0xFFFFFFB0  }
0x6e: {  	v3 =	vld [tilespmem:$0x0]  }
0x6f: {  	s22 =	ssub.s32 s23, s22  }
0x70: {  	s22 =	sand.u32 $0xFFFF, s22;
	v4 =	vld [tilespmem:$0x80]  }
0x71: {  	s24 =	sadd.s32 $0x1, s23;
	s22 =	sadd.s32 s22, s6  }
0x72: {  	s26 =	sand.u32 $0xFFF8, s24;
	s22 =	smul.u32 $0x2800, s22  }
0x73: {  	s26 =	sshrl.u32 s26, $0x3;
	vm0 =	vge.s32 v3, v0;
	vm1 =	vlt.s32 v3, v1;
	v3 =	vmul.u32 $0x2800, v3  }
0x74: {  	s21 =	sand.u32 $0x1, s21;
	s26 =	smul.u32 $0xD21, s26;
	s22 =	sadd.s32 $0x2710, s22  }
0x75: {  	p1 =	seq.s32 s21, $0x1;
	s21 =	simm.s32 $0x50;
	v5 =	vor.u32 s22, v2;
	vm0 =	vmand vm0, vm1;
	v3 =	vadd.s32 v4, v3  }
0x76: {  	s26 =	sshrl.u32 s26, $0x11;
	s21 =	simm.s32 @!p1 $0x0;
	v3 =	vsel vm0, v3, v5  }
0x77: {  	s26 =	smul.u32 $0x138, s26;
	[tilespmem:s21+$0x100] =	vst v3  }
0x78: {  	v3 =	vld [tilespmem:$0x10]  }
0x79: {  	s24 =	ssub.s32 s24, s26  }
0x7a: {  	s24 =	sand.u32 $0xFFFF, s24;
	v56 =	vld [tilespmem:$0x90]  }
0x7b: {  	s28 =	sadd.s32 $0x2, s23;
	s24 =	sadd.s32 s24, s6  }
0x7c: {  	s30 =	sand.u32 $0xFFF8, s28;
	s22 =	smul.u32 $0x2800, s24  }
0x7d: {  	s25 =	sshrl.u32 s30, $0x3;
	vm8 =	vge.s32 v3, v0;
	vm9 =	vlt.s32 v3, v1;
	v3 =	vmul.u32 $0x2800, v3  }
0x7e: {  	s25 =	smul.u32 $0xD21, s25;
	s22 =	sadd.s32 $0x2720, s22  }
0x7f: {  	v57 =	vor.u32 s22, v2;
	vm0 =	vmand vm8, vm9;
	v3 =	vadd.s32 v56, v3  }
0x80: {  	s25 =	sshrl.u32 s25, $0x11;
	v3 =	vsel vm0, v3, v57  }
0x81: {  	s25 =	smul.u32 $0x138, s25;
	[tilespmem:s21+$0x110] =	vst v3  }
0x82: {  	v3 =	vld [tilespmem:$0x20]  }
0x83: {  	s28 =	ssub.s32 s28, s25  }
0x84: {  	s24 =	sand.u32 $0xFFFF, s28;
	v58 =	vld [tilespmem:$0xA0]  }
0x85: {  	s29 =	sadd.s32 $0x3, s23;
	s24 =	sadd.s32 s24, s6  }
0x86: {  	s30 =	sand.u32 $0xFFF8, s29;
	s24 =	smul.u32 $0x2800, s24  }
0x87: {  	s30 =	sshrl.u32 s30, $0x3;
	vm10 =	vge.s32 v3, v0;
	vm11 =	vlt.s32 v3, v1;
	v3 =	vmul.u32 $0x2800, v3  }
0x88: {  	s30 =	smul.u32 $0xD21, s30;
	s24 =	sadd.s32 $0x2730, s24  }
0x89: {  	v59 =	vor.u32 s24, v2;
	vm0 =	vmand vm10, vm11;
	v3 =	vadd.s32 v58, v3  }
0x8a: {  	s25 =	sshrl.u32 s30, $0x11;
	v3 =	vsel vm0, v3, v59  }
0x8b: {  	s25 =	smul.u32 $0x138, s25;
	[tilespmem:s21+$0x120] =	vst v3  }
0x8c: {  	v3 =	vld [tilespmem:$0x30]  }
0x8d: {  	s25 =	ssub.s32 s29, s25  }
0x8e: {  	s23 =	sadd.s32 $0x4, s23;
	s25 =	sand.u32 $0xFFFF, s25;
	v60 =	vld [tilespmem:$0xB0]  }
0x8f: {  	s31 =	sand.u32 $0xFFF8, s23;
	s25 =	sadd.s32 s25, s6  }
0x90: {  	s26 =	sshrl.u32 s31, $0x3;
	s31 =	smul.u32 $0x2800, s25  }
0x91: {  	vm12 =	vge.s32 v3, v0;
	vm13 =	vlt.s32 v3, v1;
	v3 =	vmul.u32 $0x2800, v3  }
0x92: {  	s26 =	smul.u32 $0xD21, s26;
	s22 =	sadd.s32 $0x2740, s31  }
0x93: {  	v61 =	vor.u32 s22, v2;
	vm0 =	vmand vm12, vm13;
	v3 =	vadd.s32 v60, v3  }
0x94: {  	s26 =	sshrl.u32 s26, $0x11;
	v3 =	vsel vm0, v3, v61  }
0x95: {  	s26 =	smul.u32 $0x138, s26;
	[tilespmem:s21+$0x130] =	vst v3  }
0x96: {  	v3 =	vld [tilespmem:$0x40]  }
0x97: {  	s23 =	ssub.s32 s23, s26  }
0x98: {  	s23 =	sand.u32 $0xFFFF, s23;
	v62 =	vld [tilespmem:$0xC0]  }
0x99: {  	s18 =	sadd.s32 $0x1, s18;
	s23 =	sadd.s32 s23, s6  }
0x9a: {  	p0 =	sne.s32 s18, $0xFA;
	s23 =	smul.u32 $0x2800, s23  }
.Ltmp2:
0x9b: {  	vm14 =	vge.s32 v3, v0;
	vm15 =	vlt.s32 v3, v1;
	v3 =	vmul.u32 $0x2800, v3;
	(pc) =	sbr.rel @p0 .LBB2_6-.Ltmp2, $4  }
0x9c: {  	s23 =	sadd.s32 $0x2750, s23  }
0x9d: {  	v63 =	vor.u32 s23, v2;
	vm0 =	vmand vm14, vm15;
	v3 =	vadd.s32 v62, v3  }
0x9e: {  	v3 =	vsel vm0, v3, v63  }
0x9f: {  	s20 =	sadd.s32 $0xA, s20;
	s19 =	sadd.s32 $0xA, s19;
	s22 =	sor.u32 $0x100, s21;
	[tilespmem:s21+$0x140] =	vst v3  }
0xa0: {  	s17 =	sadd.s32 $0x1, s17  }
0xa1: {  	p0 =	sne.s32 s17, s7  }
.Ltmp3:
0xa2: {  	_ = 	snop;
	(pc) =	sbr.rel @p0 .LBB2_1-.Ltmp3, $4  }
0xa3: {  	[hbm4b:s5+s15] =	stream.indirect.scatter [tilespmem:s13], [sflag:$0x2], $0x1, s22, s15, $0xb8;
	[tilespmem:$0x7F80] =	vst v63  }
0xa4: {  	_ =	swait.ge [sflag:s16], $0x50  }
0xa5: {  	[sflag:s16] =	ssyncset.done $0x0  }
0xa6: {  	[sflag:s16] =	ssyncadd.s32 $0xFFFFFFB0  }
0xa7: {  	_ =	sfence.sel $0x180000  }
0xa8: {  	[bflag:$0x0] =	sbarrier.arrive $0xFFFF  }
0xa9: {  	p0 =	sne.s32 s1, $0x0;
	_ =	strace $0x9000004A  }
0xaa: {  	s0 =	sadd.s32 @!p0 $0x100000, s0;
	[bflag:$0x2] =	sbarrier.arrive $0xFFFF  }
0xab: {  	[sflag:s0] =	ssyncadd.tile.s32 @!p0 $0x1;
	_ =	shalt  }
.Lfunc_end2:
_tile_overlayer_lowered:
.L_overlay_start_2:
0xac: {  	(tag) =	ssettag $0x2  }
0xad: {  	s0 =	rddreg [dreg:$0x0];
	s2 =	stileid.u32  }
0xae: {  	s1 =	rddreg [dreg:$0x1];
	p0 =	sne.s32 s2, $0x0  }
0xaf: {  	s3 =	rddreg [dreg:$0x2];
	[bflag:$0x3] =	sbarrier.arrive $0xFFFF;
	s2 =	simm.s32 @!p0 $0x1C03  }
0xb0: {  	[timem:s3], [sflag:s2] =	dma.local @!p0 [hbm:s0], s1  }
0xb1: {  	s0 =	simm.s32 @!p0 $0x3  }
0xb2: {  	_ =	swait.ge @!p0 [sflag:s0], s1  }
0xb3: {  	s1 =	ssub.s32 @!p0 $0x0, s1;
	[sflag:s0] =	ssyncset.done @!p0 $0x0  }
0xb4: {  	[sflag:s0] =	ssyncadd.s32 @!p0 s1  }
0xb5: {  	[bflag:$0x3] =	sbarrier.arrive $0xFFFF  }
0xb6: {  	_ =	shalt  }

// kernel: kernel.13.cloned.1.call-start
scs
__scs_entry_jumppad:
0x0: {  	(pc) =	sbr.rel $0x88, $3  }
0x1: {  	(tag) =	ssettag $0x0;
	lr =	simm.s32 $0x1  }
0x2: {  	[smem:$0x3F98] =	sst lr;
	_ =	strace $0xD0000000  }
0x3: {  	_ = 	snop  }
0x4: {  	_ = 	snop  }
0x5: {  	_ = 	snop  }
0x6: {  	_ = 	snop  }
0x7: {  	_ = 	snop  }
__scs_overlays_trampoline_lowered:
0x8: {  	[smem:$0x3FA7] =	sst s0  }
0x9: {  	[smem:$0x3FA8] =	sst s1  }
0xa: {  	[smem:$0x3FA9] =	sst s2  }
0xb: {  	[smem:$0x3FAA] =	sst s3  }
0xc: {  	[smem:$0x3FAB] =	sst s4  }
0xd: {  	[smem:$0x3FAC] =	sst s5  }
0xe: {  	[smem:$0x3FAD] =	sst s6  }
0xf: {  	[smem:$0x3FAE] =	sst s7  }
0x10: {  	[smem:$0x3FAF] =	sst s8  }
0x11: {  	[smem:$0x3FB0] =	sst s9;
	s0 =	simm.s32 @!p0 $0x0  }
0x12: {  	s1 =	sld [smem:$0x3F96];
	s0 =	simm.s32 @p0 $0x1  }
0x13: {  	[smem:$0x3FB1] =	sst s0;
	s0 =	simm.s32 @!p1 $0x0  }
0x14: {  	s2 =	sld [smem:$0x3F95];
	s0 =	simm.s32 @p1 $0x1  }
0x15: {  	[smem:$0x3FB2] =	sst s0;
	s0 =	simm.s32 @!p2 $0x0  }
0x16: {  	s3 =	sld [smem:$0x3FDB];
	s0 =	simm.s32 @p2 $0x1  }
0x17: {  	s4 =	simm.s32 $0x1BF5;
	[smem:$0x3FB4] =	sst s0  }
0x18: {  	s0 =	sld [smem:$0x3F97];
	_ =	swait.ge [sflag:s4], $0x0  }
0x19: {  	s7 =	sld [smem:$0x3F98]  }
0x1a: {  	s8 =	sadd.s32 $0xFFFFE003, lr  }
0x1b: {  	s9 =	sadd.s32 $0xFFFFFEF7, lr;
	s5 =	simm.s32 $0xFFFFFFFF;
	p2 =	slt.u32 s8, $0xFFFFF086  }
0x1c: {  	p1 =	slt.u32 s9, $0xF7A;
	s5 =	simm.s32 @!p2 $0x0  }
0x1d: {  	s5 =	simm.s32 @p1 $0x1;
	p0 =	seq.s32 s7, s2  }
0x1e: {  	s7 =	smul.u32 @!p0 $0xF7A, s2;
	p2 =	seq.s32 @!p0 s5, $0x0  }
0x1f: {  	s9 =	smul.u32 $0xF7A, s1;
	s8 =	simm.s32 @!p0 $0x1BF5;
	p2 =	por !p2, p0  }
0x20: {  	[sflag:s8] =	ssyncset.s32 @!p0 $0xFFFFF086;
	s6 =	sadd.s32 @!p0 s3, s7;
	s7 =	simm.s32 @!p0 $0x108  }
0x21: {  	s3 =	sadd.s32 s3, s9;
	s6 =	sadd.s32 @!p0 $0x88, s6;
	s7 =	simm.s32 @p2 $0x1082  }
0x22: {  	[simem:s7], [sflag:s8] =	dma.local @!p0 [hbm:s6], $0xF7A  }
0x23: {  	s9 =	sor.u32 $0xD0000000, s2;
	s6 =	simm.s32 $0x108;
	_ =	swait.ge @!p0 [sflag:s8], $0x0  }
0x24: {  	s3 =	sadd.s32 $0x88, s3;
	s6 =	simm.s32 @!p1 $0x1082;
	[sflag:s4] =	ssyncset.s32 $0xFFFFF086  }
0x25: {  	[simem:s6], [sflag:s4] =	dma.local [hbm:s3], $0xF7A  }
0x26: {  	[smem:$0x3F98] =	sst s1;
	(tag) =	ssettag s2;
	_ =	strace s9  }
0x27: {  	s1 =	sld [smem:$0x3FA8]  }
0x28: {  	s2 =	sld [smem:$0x3FA9]  }
0x29: {  	s4 =	sld [smem:$0x3FAB]  }
0x2a: {  	p0 =	seq.s32 s5, $0x0;
	s5 =	sld [smem:$0x3FAC]  }
0x2b: {  	s6 =	sld [smem:$0x3FAD]  }
0x2c: {  	s7 =	sld [smem:$0x3FAE]  }
0x2d: {  	s3 =	simm.s32 $0x108;
	s8 =	sld [smem:$0x3FAF]  }
0x2e: {  	s3 =	simm.s32 @!p0 $0x1082;
	s9 =	sld [smem:$0x3FB0]  }
0x2f: {  	lr =	sadd.s32 s0, s3;
	s0 =	sld [smem:$0x3FA7]  }
0x30: {  	s3 =	sld [smem:$0x3FAA]  }
0x31: {  	[smem:$0x3FB3] =	sst s10  }
0x32: {  	s10 =	sld [smem:$0x3FB1];
	_ =	sdelay $0x3  }
0x33: {  	p0 =	seq.s32 s10, $0x1;
	s10 =	sld [smem:$0x3FB3];
	_ =	sdelay $0x3  }
0x34: {  	[smem:$0x3FB3] =	sst s10  }
0x35: {  	s10 =	sld [smem:$0x3FB2];
	_ =	sdelay $0x3  }
0x36: {  	p1 =	seq.s32 s10, $0x1;
	s10 =	sld [smem:$0x3FB3];
	_ =	sdelay $0x3  }
0x37: {  	[smem:$0x3FB3] =	sst s10  }
0x38: {  	s10 =	sld [smem:$0x3FB4]  }
0x39: {  	_ = 	snop;
	(pc) =	sbr.ind lr, $3  }
0x3a: {  	_ = 	snop  }
0x3b: {  	_ = 	snop  }
0x3c: {  	p2 =	seq.s32 s10, $0x1;
	s10 =	sld [smem:$0x3FB3]  }
0x3d: {  	_ =	shalt  }
0x3e: {  	_ =	shalt  }
0x3f: {  	_ =	shalt  }
0x40: {  	_ =	shalt  }
0x41: {  	_ =	shalt  }
0x42: {  	_ =	shalt  }
0x43: {  	_ =	shalt  }
0x44: {  	_ =	shalt  }
0x45: {  	_ =	shalt  }
0x46: {  	_ =	shalt  }
0x47: {  	_ =	shalt  }
0x48: {  	_ =	shalt  }
0x49: {  	_ =	shalt  }
0x4a: {  	_ =	shalt  }
0x4b: {  	_ =	shalt  }
0x4c: {  	_ =	shalt  }
0x4d: {  	_ =	shalt  }
0x4e: {  	_ =	shalt  }
0x4f: {  	_ =	shalt  }
0x50: {  	_ =	shalt  }
0x51: {  	_ =	shalt  }
0x52: {  	_ =	shalt  }
0x53: {  	_ =	shalt  }
0x54: {  	_ =	shalt  }
0x55: {  	_ =	shalt  }
0x56: {  	_ =	shalt  }
0x57: {  	_ =	shalt  }
0x58: {  	_ =	shalt  }
0x59: {  	_ =	shalt  }
0x5a: {  	_ =	shalt  }
0x5b: {  	_ =	shalt  }
0x5c: {  	_ =	shalt  }
0x5d: {  	_ =	shalt  }
0x5e: {  	_ =	shalt  }
0x5f: {  	_ =	shalt  }
0x60: {  	_ =	shalt  }
0x61: {  	_ =	shalt  }
0x62: {  	_ =	shalt  }
0x63: {  	_ =	shalt  }
0x64: {  	_ =	shalt  }
0x65: {  	_ =	shalt  }
0x66: {  	_ =	shalt  }
0x67: {  	_ =	shalt  }
0x68: {  	_ =	shalt  }
0x69: {  	_ =	shalt  }
0x6a: {  	_ =	shalt  }
0x6b: {  	_ =	shalt  }
0x6c: {  	_ =	shalt  }
0x6d: {  	_ =	shalt  }
0x6e: {  	_ =	shalt  }
0x6f: {  	_ =	shalt  }
0x70: {  	_ =	shalt  }
0x71: {  	_ =	shalt  }
0x72: {  	_ =	shalt  }
0x73: {  	_ =	shalt  }
0x74: {  	_ =	shalt  }
0x75: {  	_ =	shalt  }
0x76: {  	_ =	shalt  }
0x77: {  	_ =	shalt  }
0x78: {  	_ =	shalt  }
0x79: {  	_ =	shalt  }
0x7a: {  	_ =	shalt  }
0x7b: {  	_ =	shalt  }
0x7c: {  	_ =	shalt  }
0x7d: {  	_ =	shalt  }
0x7e: {  	_ =	shalt  }
0x7f: {  	_ =	shalt  }
0x80: {  	_ =	shalt  }
0x81: {  	_ =	shalt  }
0x82: {  	_ =	shalt  }
0x83: {  	_ =	shalt  }
0x84: {  	_ =	shalt  }
0x85: {  	_ =	shalt  }
0x86: {  	_ =	shalt  }
0x87: {  	_ =	shalt  }
.Lfunc_end0:
.L_simem_size_0:
called_computation.3_lowered:
.L_overlay_start_0:
0x88: {  	s2 =	sld [smem:$0x3FD9]  }
0x89: {  	s3 =	sld [smem:$0x3FFE];
	_ =	sdelay $0x1  }
0x8a: {  	s1 =	srdreg.scid  }
0x8b: {  	s0 =	sand.u32 $0x1, s1  }
0x8c: {  	s17 =	sshll.u32 s0, $0xA;
	s2 =	sadd.s32 s3, s2  }
0x8d: {  	s2 =	sadd.s32 s2, s17  }
0x8e: {  	[smem:$0x3FBF] =	sst s2  }
0x8f: {  	_ = 	snop  }
0x90: {  	s2 =	sld [smem:$0x3FD0];
	(tm) =	ssettm $0x1  }
0x91: {  	s18 =	sld [smem:$0x3FFB];
	_ =	sdelay $0x3  }
0x92: {  	_ =	strace s18  }
0x93: {  	s3 =	sld [smem:$0x3FFC];
	_ =	sdelay $0x3  }
0x94: {  	_ =	strace s3  }
0x95: {  	s3 =	sld [smem:$0x3FFD];
	_ =	sdelay $0x3  }
0x96: {  	_ =	strace s3  }
0x97: {  	_ =	strace $0x8FFFFFFF  }
0x98: {  	s19 =	sld [smem:$0x3FDB];
	_ =	sdelay $0x1  }
0x99: {  	s4 =	simm.s32 $_scs_section_size  }
0x9a: {  	s5 =	simm.s32 $_size__tile_overlayer_lowered;
	s6 =	simm.s32 $_tile_overlayer_lowered  }
0x9b: {  	s22 =	simm.s32 $0x1BFF;
	s21 =	sshll.u32 s6, $0x1;
	s3 =	sadd.s32 s4, s19  }
0x9c: {  	s7 =	simm.s32 $0x0;
	s20 =	sshll.u32 s5, $0x1;
	s5 =	sadd.s32 s21, s3  }
0x9d: {  	[timem:s7], [sflag:s22] =	dma.local [hbm:s5], s20  }
0x9e: {  	_ =	swait.ge [sflag:s22], s20  }
0x9f: {  	s4 =	ssub.s32 $0x0, s20;
	[sflag:s22] =	ssyncset.done $0x0  }
0xa0: {  	[sflag:s22] =	ssyncadd.s32 s4;
	_ =	sdelay $0x1  }
0xa1: {  	s23 =	simm.s32 $0x1B8B  }
0xa2: {  	_ =	swait.ge [sflag:s23], $0x1  }
0xa3: {  	[sflag:s23] =	ssyncset.done $0x0  }
0xa4: {  	s25 =	simm.s32 $0x1B8E;
	s24 =	sld [smem:$0x3FFE];
	[sflag:s23] =	ssyncadd.s32 $0xFFFFFFFF  }
0xa5: {  	s26 =	simm.s32 $execute0_lowered;
	[smem:$0x3FD2] =	sst s25  }
0xa6: {  	s5 =	sshll.u32 s26, $0x1;
	_ =	strace $0x8000004C;
	[dreg:$0x1] =	wrdreg $0xFFFFFFFF  }
0xa7: {  	s28 =	simm.s32 $_size_execute0_lowered;
	s3 =	sadd.s32 s3, s5;
	[dreg:$0x0] =	wrdreg $0x0  }
0xa8: {  	s5 =	sshll.u32 s28, $0x1;
	[dreg:$0x2] =	wrdreg s3  }
0xa9: {  	[dreg:$0x3] =	wrdreg s5  }
0xaa: {  	[dreg:$0x4] =	wrdreg $0xC0  }
0xab: {  	_ =	task [dreg:s7], $0x5FFFF  }
0xac: {  	[dreg:$0x1] =	wrdreg $0xFFFFFFFF  }
0xad: {  	[dreg:$0x0] =	wrdreg $0x60  }
0xae: {  	[dreg:$0x2] =	wrdreg s24  }
0xaf: {  	[dreg:$0x3] =	wrdreg s2  }
0xb0: {  	[dreg:$0x4] =	wrdreg $0x9  }
0xb1: {  	_ =	task.clear_ibuf [dreg:s7], $0x5FFFF;
	_ =	strace $0x9000004C  }
0xb2: {  	s29 =	simm.s32 $0x9;
	_ =	strace $0x8000004E  }
0xb3: {  	_ =	swait.ge [sflag:s29], $0x1  }
0xb4: {  	[sflag:s29] =	ssyncadd.s32 $0xFFFFFFFF  }
0xb5: {  	_ =	strace $0x9000004E  }
0xb6: {  	_ =	sfence  }
0xb7: {  	s30 =	sld [smem:$0x0];
	_ =	sdelay $0x2  }
0xb8: {  	s31 =	sshll.u32 s1, $0xD;
	s1 =	sshrl.u32 s1, $0x2  }
0xb9: {  	s3 =	sand.u32 $0x4000, s31;
	s1 =	sadd.s32 s1, s30  }
0xba: {  	s0 =	sor.u32 s3, s0;
	s1 =	sshll.u32 s1, $0x11  }
0xbb: {  	s0 =	sor.u32 s1, s0  }
0xbc: {  	s0 =	sadd.s32 $0x8F2B, s0  }
0xbd: {  	[sflag:s0] =	ssyncadd.remote.s32 $0x1  }
0xbe: {  	_ =	sfence.sel $0xFFFF  }
0xbf: {  	[dreg:$0x0] =	wrdreg $0xFFFFFFFF;
	(pc) =	sbr.abs _section_cstart, $3  }
0xc0: {  	[dreg:$0x1] =	wrdreg $0xFFFFFFFF  }
0xc1: {  	_ =	task.clear_ibuf [dreg:s7], $0x2FFFF;
	_ =	strace $0x9FFFFFFF  }
0xc2: {  	(tm) =	ssettm $0x7FFFFFFF  }
0xc3: {  	_ =	shalt  }
tec
execute0_lowered:
.L_overlay_start_1:
0x0: {  	(tag) =	ssettag $0x1  }
0x1: {  	s19 =	rddreg [dreg:$0x0]  }
0x2: {  	s0 =	rddreg [dreg:$0x1];
	s3 =	simm.s32 $0x0  }
0x3: {  	[smem:$0x7FF] =	sst s3;
	s22 =	sadd.s32 $0x16E00, s19  }
0x4: {  	s23 =	sadd.s32 $0xC9DC00, s19;
	_ =	strace $0x8000004D;
	[dreg:$0x3] =	wrdreg s22  }
0x5: {  	s29 =	sadd.s32 $0xC9DD00, s19;
	[dreg:$0x4] =	wrdreg s23  }
0x6: {  	s30 =	sadd.s32 $0xC9DE00, s19;
	[dreg:$0x8] =	wrdreg s29  }
0x7: {  	s5 =	sadd.s32 $0xC9E100, s19;
	[dreg:$0x9] =	wrdreg s30  }
0x8: {  	s1 =	srdreg.scid;
	s7 =	sadd.s32 $0xC9E200, s19;
	[dreg:$0xd] =	wrdreg s5  }
0x9: {  	s2 =	stileid.u32;
	s8 =	sadd.s32 $0xC9E300, s19;
	[dreg:$0xe] =	wrdreg s7  }
0xa: {  	s1 =	sand.u32 $0x1, s1;
	s10 =	sadd.s32 $0xC9E400, s19;
	[dreg:$0xf] =	wrdreg s8  }
0xb: {  	s2 =	sshll.u32 s2, $0x1;
	s11 =	sadd.s32 $0xC9E500, s19;
	[dreg:$0x10] =	wrdreg s10  }
0xc: {  	s6 =	sadd.s32 $0x3EE00, s19;
	s13 =	sadd.s32 $0xC9E600, s19;
	[dreg:$0x11] =	wrdreg s11  }
0xd: {  	s14 =	sadd.s32 $0xC9E700, s19;
	s15 =	sadd.s32 $0xC9E800, s19;
	[dreg:$0x12] =	wrdreg s13  }
0xe: {  	s16 =	sadd.s32 $0xC9E900, s19;
	s17 =	sadd.s32 $0xC9EA00, s19;
	[dreg:$0x13] =	wrdreg s14  }
0xf: {  	s18 =	sadd.s32 $0xC9EB00, s19;
	s20 =	sadd.s32 $0xC9EC00, s19;
	[dreg:$0x14] =	wrdreg s15  }
0x10: {  	s21 =	sadd.s32 $0xC9ED00, s19;
	s12 =	sor.u32 s1, s2;
	[dreg:$0x15] =	wrdreg s16  }
0x11: {  	[dreg:$0x16] =	wrdreg s17;
	s22 =	sadd.s32 $0xC9EE00, s19;
	s23 =	sadd.s32 $0xC9EF00, s19  }
0x12: {  	[dreg:$0x17] =	wrdreg s18;
	s29 =	sadd.s32 $0xC9F500, s19;
	s7 =	sadd.s32 $0xC9F600, s19  }
0x13: {  	[dreg:$0x18] =	wrdreg s20;
	s8 =	sadd.s32 $0xC9F700, s19;
	s11 =	sadd.s32 $0xC9F800, s19  }
0x14: {  	[dreg:$0x19] =	wrdreg s21;
	s10 =	sadd.s32 $0xC9FD00, s19;
	s13 =	sadd.s32 $0xC9FE00, s19  }
0x15: {  	s14 =	sadd.s32 $0xC9FF00, s19;
	s15 =	sadd.s32 $0xC9F000, s19;
	s16 =	sadd.s32 $0xCA0000, s19  }
0x16: {  	s1 =	ssub.s32 $0x2, s1;
	s17 =	sadd.s32 $0xCA0100, s19;
	s18 =	sadd.s32 $0xCA0200, s19  }
0x17: {  	s20 =	simm.s32 $0x2;
	s9 =	sshll.u32 s12, $0x3;
	[dreg:$0x1a] =	wrdreg s22  }
0x18: {  	s25 =	sshll.u32 s12, $0x4;
	s4 =	sshll.u32 s12, $0xA;
	[dreg:$0x1b] =	wrdreg s23  }
0x19: {  	[smem:$0x7FB] =	sst s29;
	s3 =	sadd.s32 s25, s19;
	s25 =	sadd.s32 $0xC9F200, s19  }
0x1a: {  	s24 =	sadd.s32 s9, s19;
	s0 =	sadd.s32 s0, s9;
	[dreg:$0x1d] =	wrdreg s25  }
0x1b: {  	s4 =	sadd.s32 s4, s19;
	s2 =	sadd.s32 $0xC9D800, s24;
	[smem:$0x7FC] =	sst s0  }
0x1c: {  	s21 =	simm.s32 $0x1;
	s26 =	sadd.s32 $0x2600, s4;
	[dreg:$0x5] =	wrdreg s2  }
0x1d: {  	s30 =	sshrl.u32 s1, $0x1;
	s28 =	sadd.s32 $0xC9DA00, s3;
	[dreg:$0x6] =	wrdreg s26  }
0x1e: {  	s12 =	sshll.u32 s12, $0x6;
	s31 =	sadd.s32 $0xA600, s4;
	[dreg:$0x7] =	wrdreg s28  }
0x1f: {  	s22 =	simm.s32 $0x16180;
	s3 =	sadd.s32 $0xC9DF00, s19;
	[dreg:$0xa] =	wrdreg s31  }
0x20: {  	s1 =	ssub.s32 s1, s30;
	s4 =	sadd.s32 $0xC9E000, s19;
	[dreg:$0xb] =	wrdreg s3  }
0x21: {  	s9 =	sadd.s32 $0xC9FC00, s19;
	s24 =	sadd.s32 $0xC9F100, s19;
	[dreg:$0xc] =	wrdreg s4  }
0x22: {  	[dreg:$0x1c] =	wrdreg s24;
	s26 =	sadd.s32 $0xC9F300, s19;
	s28 =	sadd.s32 $0xC9F400, s19  }
0x23: {  	v1 =	vlaneseq.u32;
	s3 =	sadd.s32 $0xC9F900, s19;
	s2 =	sadd.s32 $0xC9FA00, s19;
	[dreg:$0x1e] =	wrdreg s26  }
0x24: {  	v0 =	vimm.f32 $0.0e+00;
	v2 =	vshrl.u32 v1, $0x3;
	s4 =	sadd.s32 $0xC9FB00, s19;
	s31 =	smax.u32 s1, $0x1;
	[dreg:$0x1f] =	wrdreg s28  }
0x25: {  	vm0 =	vmmov $0xffff;
	v1 =	vand.u32 $0x7, v1;
	v2 =	vmul.u32 $0x8, v2;
	s19 =	sadd.s32 $0xCA0300, s19;
	s1 =	simm.s32 $0x0;
	[smem:$0x7FD] =	sst s31  }
.LBB2_1:
0x26: {  	[smem:$0x7FA] =	sst s1  }
0x27: {  	s0 =	simm.s32 $0x0;
	s25 =	rddreg [dreg:$0x5]  }
0x28: {  	[tilespmem:s0], [sflag:$0x2] =	stream.linear.gather [hbm4b:s25+s0], $0x40, $0x38;
	[tilespmem:$0x18980] =	vst v63  }
0x29: {  	_ =	swait.ge [sflag:s20], $0x40  }
0x2a: {  	s23 =	simm.s32 $0x40;
	[sflag:s20] =	ssyncset.done $0x0  }
0x2b: {  	s24 =	simm.s32 $0x180;
	s26 =	rddreg [dreg:$0x3];
	[sflag:s20] =	ssyncadd.s32 $0xFFFFFFC0  }
0x2c: {  	[tilespmem:s24], [sflag:$0x1] =	stream.indirect.gather [hbm4b:s26+s23], $0x80, s0, s23, $0xb8;
	[tilespmem:$0x18980] =	vst v63  }
0x2d: {  	_ =	swait.ge [sflag:s21], $0x2000  }
0x2e: {  	[sflag:s21] =	ssyncset.done $0x0  }
0x2f: {  	s5 =	rddreg [dreg:$0x6];
	[sflag:s21] =	ssyncadd.s32 $0xFFFFE000  }
0x30: {  	[hbm4b:s5+s0] =	stream.linear.scatter [tilespmem:s24], [sflag:$0x2], $0x2000, $0x38;
	[tilespmem:$0x18980] =	vst v63  }
0x31: {  	_ =	swait.ge [sflag:s20], $0x2000  }
0x32: {  	s28 =	sld [smem:$0x7FC]  }
0x33: {  	[sflag:s20] =	ssyncset.done $0x0  }
0x34: {  	s25 =	simm.s32 $0x80;
	[sflag:s20] =	ssyncadd.s32 $0xFFFFE000  }
0x35: {  	[tilespmem:s25], [sflag:$0x2] =	stream.linear.gather [hbm4b:s28+s0], $0x40, $0x38;
	[tilespmem:$0x18980] =	vst v63  }
0x36: {  	_ =	swait.ge [sflag:s20], $0x40  }
0x37: {  	[sflag:s20] =	ssyncset.done $0x0  }
0x38: {  	[sflag:s20] =	ssyncadd.s32 $0xFFFFFFC0  }
0x39: {  	[tilespmem:s24], [sflag:$0x1] =	stream.indirect.gather [hbm4b:s26+s23], $0x80, s25, s23, $0xb8;
	[tilespmem:$0x18980] =	vst v63  }
0x3a: {  	_ =	swait.ge [sflag:s21], $0x2000  }
0x3b: {  	[sflag:s21] =	ssyncset.done $0x0  }
0x3c: {  	s29 =	rddreg [dreg:$0xa];
	[sflag:s21] =	ssyncadd.s32 $0xFFFFE000  }
0x3d: {  	[hbm4b:s29+s0] =	stream.linear.scatter [tilespmem:s24], [sflag:$0x2], $0x2000, $0x38;
	[tilespmem:$0x18980] =	vst v63  }
0x3e: {  	_ =	swait.ge [sflag:s20], $0x2000  }
0x3f: {  	[sflag:s20] =	ssyncset.done $0x0  }
0x40: {  	s31 =	simm.s32 $0x100;
	s30 =	rddreg [dreg:$0x7];
	[sflag:s20] =	ssyncadd.s32 $0xFFFFE000  }
0x41: {  	[tilespmem:s31], [sflag:$0x2] =	stream.linear.gather [hbm4b:s30+s0], $0x80, $0x38;
	[tilespmem:$0x18980] =	vst v63  }
0x42: {  	_ =	swait.ge [sflag:s20], $0x80  }
0x43: {  	[sflag:s20] =	ssyncset.done $0x0  }
0x44: {  	[sflag:s20] =	ssyncadd.s32 $0xFFFFFF80  }
0x45: {  	[tilespmem:$0x18890] =	vst v0  }
0x46: {  	[tilespmem:$0x188A0] =	vst v0  }
0x47: {  	[tilespmem:$0x188B0] =	vst v0  }
0x48: {  	[tilespmem:$0x188C0] =	vst v0  }
0x49: {  	[tilespmem:$0x188D0] =	vst v0  }
0x4a: {  	[tilespmem:$0x188E0] =	vst v0  }
0x4b: {  	[tilespmem:$0x188F0] =	vst v0  }
0x4c: {  	[tilespmem:$0x18900] =	vst v0  }
0x4d: {  	[tilespmem:$0x18910] =	vst v0  }
0x4e: {  	[tilespmem:$0x18920] =	vst v0  }
0x4f: {  	[tilespmem:$0x18930] =	vst v0  }
0x50: {  	[tilespmem:$0x18940] =	vst v0  }
0x51: {  	[tilespmem:$0x18950] =	vst v0  }
0x52: {  	[tilespmem:$0x18960] =	vst v0  }
0x53: {  	s23 =	simm.s32 $0x0;
	[tilespmem:$0x18970] =	vst v0  }
.LBB2_2:
0x54: {  	s0 =	sshll.u32 s23, $0x3  }
0x55: {  	s0 =	sand.u32 $0x3FFFFFF8, s0  }
0x56: {  	v3 =	vld.msk [tilespmem:s0+$0x100], $0xff;
	_ =	sdelay $0x4  }
0x57: {  	v4 =	vshrl.u32 v3, $0x3  }
0x58: {  	v4 =	vmul.u32 $0x280, v4  }
0x59: {  	v3 =	vand.u32 $0x7, v3  }
0x5a: {  	v3 =	vor.u32 v3, v4  }
0x5b: {  	v3 =	vperm.xlane v3, v1;
	_ =	sdelay $0x1  }
0x5c: {  	v3 =	vadd.s32 v2, v3;
	_ =	sdelay $0x3  }
0x5d: {  	s24 =	simm.s32 $0x0;
	s31 =	rddreg [dreg:$0x4];
	s1 =	simm.s32 $0x2180  }
0x5e: {  	[tilespmem:s1], [sflag:$0x1] =	stream.indirect_vreg.gather [hbm4b:s31+s24], $0x80, v3, vm0, $0xb8;
	[tilespmem:$0x18980] =	vst v63  }
0x5f: {  	s5 =	rddreg [dreg:$0x8];
	s25 =	simm.s32 $0x2980  }
0x60: {  	[tilespmem:s25], [sflag:$0x1] =	stream.indirect_vreg.gather [hbm4b:s5+s24], $0x80, v3, vm0, $0xb8;
	[tilespmem:$0x18980] =	vst v63  }
0x61: {  	s26 =	rddreg [dreg:$0x9];
	s31 =	simm.s32 $0x3180  }
0x62: {  	[tilespmem:s31], [sflag:$0x1] =	stream.indirect_vreg.gather [hbm4b:s26+s24], $0x80, v3, vm0, $0xb8;
	[tilespmem:$0x18980] =	vst v63  }
0x63: {  	s5 =	rddreg [dreg:$0xb];
	s25 =	simm.s32 $0x3980  }
0x64: {  	[tilespmem:s25], [sflag:$0x1] =	stream.indirect_vreg.gather [hbm4b:s5+s24], $0x80, v3, vm0, $0xb8;
	[tilespmem:$0x18980] =	vst v63  }
0x65: {  	s26 =	rddreg [dreg:$0xc];
	s31 =	simm.s32 $0x4180  }
0x66: {  	[tilespmem:s31], [sflag:$0x1] =	stream.indirect_vreg.gather [hbm4b:s26+s24], $0x80, v3, vm0, $0xb8;
	[tilespmem:$0x18980] =	vst v63  }
0x67: {  	s5 =	rddreg [dreg:$0xd];
	s25 =	simm.s32 $0x4980  }
0x68: {  	[tilespmem:s25], [sflag:$0x1] =	stream.indirect_vreg.gather [hbm4b:s5+s24], $0x80, v3, vm0, $0xb8;
	[tilespmem:$0x18980] =	vst v63  }
0x69: {  	s26 =	rddreg [dreg:$0xe];
	s31 =	simm.s32 $0x5180  }
0x6a: {  	[tilespmem:s31], [sflag:$0x1] =	stream.indirect_vreg.gather [hbm4b:s26+s24], $0x80, v3, vm0, $0xb8;
	[tilespmem:$0x18980] =	vst v63  }
0x6b: {  	s5 =	rddreg [dreg:$0xf];
	s25 =	simm.s32 $0x5980  }
0x6c: {  	[tilespmem:s25], [sflag:$0x1] =	stream.indirect_vreg.gather [hbm4b:s5+s24], $0x80, v3, vm0, $0xb8;
	[tilespmem:$0x18980] =	vst v63  }
0x6d: {  	s26 =	rddreg [dreg:$0x10];
	s31 =	simm.s32 $0x6180  }
0x6e: {  	[tilespmem:s31], [sflag:$0x1] =	stream.indirect_vreg.gather [hbm4b:s26+s24], $0x80, v3, vm0, $0xb8;
	[tilespmem:$0x18980] =	vst v63  }
0x6f: {  	s5 =	rddreg [dreg:$0x11];
	s25 =	simm.s32 $0x6980  }
0x70: {  	[tilespmem:s25], [sflag:$0x1] =	stream.indirect_vreg.gather [hbm4b:s5+s24], $0x80, v3, vm0, $0xb8;
	[tilespmem:$0x18980] =	vst v63  }
0x71: {  	s26 =	rddreg [dreg:$0x12];
	s31 =	simm.s32 $0x7180  }
0x72: {  	[tilespmem:s31], [sflag:$0x1] =	stream.indirect_vreg.gather [hbm4b:s26+s24], $0x80, v3, vm0, $0xb8;
	[tilespmem:$0x18980] =	vst v63  }
0x73: {  	s5 =	rddreg [dreg:$0x13];
	s25 =	simm.s32 $0x7980  }
0x74: {  	[tilespmem:s25], [sflag:$0x1] =	stream.indirect_vreg.gather [hbm4b:s5+s24], $0x80, v3, vm0, $0xb8;
	[tilespmem:$0x18980] =	vst v63  }
0x75: {  	s26 =	rddreg [dreg:$0x14];
	s31 =	simm.s32 $0x8180  }
0x76: {  	[tilespmem:s31], [sflag:$0x1] =	stream.indirect_vreg.gather [hbm4b:s26+s24], $0x80, v3, vm0, $0xb8;
	[tilespmem:$0x18980] =	vst v63  }
0x77: {  	s5 =	rddreg [dreg:$0x15];
	s25 =	simm.s32 $0x8980  }
0x78: {  	[tilespmem:s25], [sflag:$0x1] =	stream.indirect_vreg.gather [hbm4b:s5+s24], $0x80, v3, vm0, $0xb8;
	[tilespmem:$0x18980] =	vst v63  }
0x79: {  	s26 =	rddreg [dreg:$0x16];
	s31 =	simm.s32 $0x9180  }
0x7a: {  	[tilespmem:s31], [sflag:$0x1] =	stream.indirect_vreg.gather [hbm4b:s26+s24], $0x80, v3, vm0, $0xb8;
	[tilespmem:$0x18980] =	vst v63  }
0x7b: {  	s5 =	rddreg [dreg:$0x17];
	s25 =	simm.s32 $0x9980  }
0x7c: {  	[tilespmem:s25], [sflag:$0x1] =	stream.indirect_vreg.gather [hbm4b:s5+s24], $0x80, v3, vm0, $0xb8;
	[tilespmem:$0x18980] =	vst v63  }
0x7d: {  	s26 =	rddreg [dreg:$0x18];
	s31 =	simm.s32 $0xA180  }
0x7e: {  	[tilespmem:s31], [sflag:$0x1] =	stream.indirect_vreg.gather [hbm4b:s26+s24], $0x80, v3, vm0, $0xb8;
	[tilespmem:$0x18980] =	vst v63  }
0x7f: {  	s5 =	rddreg [dreg:$0x19];
	s25 =	simm.s32 $0xA980  }
0x80: {  	[tilespmem:s25], [sflag:$0x1] =	stream.indirect_vreg.gather [hbm4b:s5+s24], $0x80, v3, vm0, $0xb8;
	[tilespmem:$0x18980] =	vst v63  }
0x81: {  	s26 =	rddreg [dreg:$0x1a];
	s31 =	simm.s32 $0xB180  }
0x82: {  	[tilespmem:s31], [sflag:$0x1] =	stream.indirect_vreg.gather [hbm4b:s26+s24], $0x80, v3, vm0, $0xb8;
	[tilespmem:$0x18980] =	vst v63  }
0x83: {  	s1 =	rddreg [dreg:$0x1b];
	s5 =	simm.s32 $0xB980  }
0x84: {  	[tilespmem:s5], [sflag:$0x1] =	stream.indirect_vreg.gather [hbm4b:s1+s24], $0x80, v3, vm0, $0xb8;
	[tilespmem:$0x18980] =	vst v63  }
0x85: {  	s25 =	simm.s32 $0xC180;
	s26 =	rddreg [dreg:$0x1c]  }
0x86: {  	[tilespmem:s25], [sflag:$0x1] =	stream.indirect_vreg.gather [hbm4b:s15+s24], $0x80, v3, vm0, $0xb8;
	[tilespmem:$0x18980] =	vst v63  }
0x87: {  	s31 =	simm.s32 $0xC980;
	s5 =	rddreg [dreg:$0x1d]  }
0x88: {  	[tilespmem:s31], [sflag:$0x1] =	stream.indirect_vreg.gather [hbm4b:s26+s24], $0x80, v3, vm0, $0xb8;
	[tilespmem:$0x18980] =	vst v63  }
0x89: {  	s25 =	simm.s32 $0xD180;
	s26 =	rddreg [dreg:$0x1e]  }
0x8a: {  	[tilespmem:s25], [sflag:$0x1] =	stream.indirect_vreg.gather [hbm4b:s5+s24], $0x80, v3, vm0, $0xb8;
	[tilespmem:$0x18980] =	vst v63  }
0x8b: {  	s31 =	simm.s32 $0xD980;
	s5 =	rddreg [dreg:$0x1f]  }
0x8c: {  	[tilespmem:s31], [sflag:$0x1] =	stream.indirect_vreg.gather [hbm4b:s26+s24], $0x80, v3, vm0, $0xb8;
	[tilespmem:$0x18980] =	vst v63  }
0x8d: {  	s25 =	simm.s32 $0xE180;
	s26 =	sld [smem:$0x7FB]  }
0x8e: {  	[tilespmem:s25], [sflag:$0x1] =	stream.indirect_vreg.gather [hbm4b:s5+s24], $0x80, v3, vm0, $0xb8;
	[tilespmem:$0x18980] =	vst v63  }
0x8f: {  	s31 =	simm.s32 $0xE980  }
0x90: {  	[tilespmem:s31], [sflag:$0x1] =	stream.indirect_vreg.gather [hbm4b:s26+s24], $0x80, v3, vm0, $0xb8;
	[tilespmem:$0x18980] =	vst v63  }
0x91: {  	s1 =	simm.s32 $0xF180  }
0x92: {  	[tilespmem:s1], [sflag:$0x1] =	stream.indirect_vreg.gather [hbm4b:s7+s24], $0x80, v3, vm0, $0xb8;
	[tilespmem:$0x18980] =	vst v63  }
0x93: {  	s5 =	simm.s32 $0xF980  }
0x94: {  	[tilespmem:s5], [sflag:$0x1] =	stream.indirect_vreg.gather [hbm4b:s8+s24], $0x80, v3, vm0, $0xb8;
	[tilespmem:$0x18980] =	vst v63  }
0x95: {  	s25 =	simm.s32 $0x10180  }
0x96: {  	[tilespmem:s25], [sflag:$0x1] =	stream.indirect_vreg.gather [hbm4b:s11+s24], $0x80, v3, vm0, $0xb8;
	[tilespmem:$0x18980] =	vst v63  }
0x97: {  	s26 =	simm.s32 $0x10980  }
0x98: {  	[tilespmem:s26], [sflag:$0x1] =	stream.indirect_vreg.gather [hbm4b:s3+s24], $0x80, v3, vm0, $0xb8;
	[tilespmem:$0x18980] =	vst v63  }
0x99: {  	s31 =	simm.s32 $0x11180  }
0x9a: {  	[tilespmem:s31], [sflag:$0x1] =	stream.indirect_vreg.gather [hbm4b:s2+s24], $0x80, v3, vm0, $0xb8;
	[tilespmem:$0x18980] =	vst v63  }
0x9b: {  	s1 =	simm.s32 $0x11980  }
0x9c: {  	[tilespmem:s1], [sflag:$0x1] =	stream.indirect_vreg.gather [hbm4b:s4+s24], $0x80, v3, vm0, $0xb8;
	[tilespmem:$0x18980] =	vst v63  }
0x9d: {  	s5 =	simm.s32 $0x12180  }
0x9e: {  	[tilespmem:s5], [sflag:$0x1] =	stream.indirect_vreg.gather [hbm4b:s9+s24], $0x80, v3, vm0, $0xb8;
	[tilespmem:$0x18980] =	vst v63  }
0x9f: {  	s25 =	simm.s32 $0x12980  }
0xa0: {  	[tilespmem:s25], [sflag:$0x1] =	stream.indirect_vreg.gather [hbm4b:s10+s24], $0x80, v3, vm0, $0xb8;
	[tilespmem:$0x18980] =	vst v63  }
0xa1: {  	s26 =	simm.s32 $0x13180  }
0xa2: {  	[tilespmem:s26], [sflag:$0x1] =	stream.indirect_vreg.gather [hbm4b:s13+s24], $0x80, v3, vm0, $0xb8;
	[tilespmem:$0x18980] =	vst v63  }
0xa3: {  	s31 =	simm.s32 $0x13980  }
0xa4: {  	[tilespmem:s31], [sflag:$0x1] =	stream.indirect_vreg.gather [hbm4b:s14+s24], $0x80, v3, vm0, $0xb8;
	[tilespmem:$0x18980] =	vst v63  }
0xa5: {  	s1 =	simm.s32 $0x14180  }
0xa6: {  	[tilespmem:s1], [sflag:$0x1] =	stream.indirect_vreg.gather [hbm4b:s16+s24], $0x80, v3, vm0, $0xb8;
	[tilespmem:$0x18980] =	vst v63  }
0xa7: {  	s5 =	simm.s32 $0x14980  }
0xa8: {  	[tilespmem:s5], [sflag:$0x1] =	stream.indirect_vreg.gather [hbm4b:s17+s24], $0x80, v3, vm0, $0xb8;
	[tilespmem:$0x18980] =	vst v63  }
0xa9: {  	s25 =	simm.s32 $0x15180  }
0xaa: {  	[tilespmem:s25], [sflag:$0x1] =	stream.indirect_vreg.gather [hbm4b:s18+s24], $0x80, v3, vm0, $0xb8;
	[tilespmem:$0x18980] =	vst v63  }
0xab: {  	s26 =	simm.s32 $0x15980  }
0xac: {  	[tilespmem:s26], [sflag:$0x1] =	stream.indirect_vreg.gather [hbm4b:s19+s24], $0x80, v3, vm0, $0xb8;
	[tilespmem:$0x18980] =	vst v63  }
0xad: {  	s28 =	simm.s32 $0x0;
	s29 =	simm.s32 $0x0;
	_ =	swait.ge [sflag:s21], $0x14000  }
0xae: {  	s31 =	sand.u32 $0x1FC00, s24;
	s25 =	sand.u32 $0x70, s24;
	[sflag:s21] =	ssyncset.done $0x0  }
0xaf: {  	s30 =	sor.u32 s25, s31;
	s26 =	simm.s32 $0x40;
	[sflag:s21] =	ssyncadd.s32 $0xFFFEC000  }
.LBB2_3:
0xb0: {  	p0 =	sne.s32 s26, $0x9C00;
	v3 =	vld [tilespmem:s30+$0x2200]  }
0xb1: {  	v4 =	vld [tilespmem:s30+$0x2180];
	_ =	sdelay $0x2  }
.Ltmp0:
0xb2: {  	(pc) =	sbr.rel @p0 .LBB2_3-.Ltmp0, $4  }
0xb3: {  	s0 =	sand.u32 $0xFE00, s24;
	s24 =	smov.u32 s26  }
0xb4: {  	s28 =	sadd.s32 $0x80, s28;
	s29 =	sadd.s32 $0x10, s29;
	s0 =	sshrl.u32 s0, $0x2;
	v3 =	vmul.f32 v3, v4  }
0xb5: {  	s1 =	sand.u32 $0x1FC00, s28;
	s0 =	sor.u32 s25, s0;
	s25 =	sand.u32 $0x70, s29  }
0xb6: {  	s26 =	sadd.s32 $0x40, s26;
	s30 =	sor.u32 s25, s1;
	[tilespmem:s0+$0x16180] =	vst v3  }
0xb7: {  	v3 =	vld [tilespmem:s30+$0x2200]  }
0xb8: {  	v4 =	vld [tilespmem:s30+$0x2180];
	_ =	sdelay $0x2  }
0xb9: {  	s0 =	sshll.u32 s23, $0x2  }
0xba: {  	s1 =	sand.u32 $0xFE00, s24;
	s24 =	sadd.s32 s12, s0  }
0xbb: {  	s5 =	sshrl.u32 s1, $0x2;
	s26 =	smul.u32 $0x500, s24;
	v3 =	vmul.f32 v3, v4  }
0xbc: {  	s0 =	sor.u32 s25, s5  }
0xbd: {  	s25 =	simm.s32 $0x0;
	s1 =	sadd.s32 s6, s26;
	[tilespmem:s0+$0x16180] =	vst v3  }
0xbe: {  	[hbm4b:s1+s25] =	stream.linear.scatter [tilespmem:s22], [sflag:$0x2], $0x2800, $0x38;
	[tilespmem:$0x18980] =	vst v63  }
0xbf: {  	s28 =	simm.s32 $0x40;
	s29 =	simm.s32 $0x0;
	_ =	swait.ge [sflag:s20], $0x2800  }
0xc0: {  	s5 =	sand.u32 $0x1FC00, s25;
	s26 =	sand.u32 $0x70, s25;
	[sflag:s20] =	ssyncset.done $0x0  }
0xc1: {  	s30 =	simm.s32 $0x0;
	s31 =	sor.u32 s26, s5;
	[sflag:s20] =	ssyncadd.s32 $0xFFFFD800  }
.LBB2_5:
0xc2: {  	p0 =	sne.s32 s28, $0x9C00;
	v3 =	vld [tilespmem:s31+$0x2300]  }
0xc3: {  	v4 =	vld [tilespmem:s31+$0x2280];
	_ =	sdelay $0x2  }
.Ltmp1:
0xc4: {  	(pc) =	sbr.rel @p0 .LBB2_5-.Ltmp1, $4  }
0xc5: {  	s0 =	sand.u32 $0xFE00, s25;
	s25 =	smov.u32 s28  }
0xc6: {  	s29 =	sadd.s32 $0x80, s29;
	s30 =	sadd.s32 $0x10, s30;
	s0 =	sshrl.u32 s0, $0x2;
	v3 =	vmul.f32 v3, v4  }
0xc7: {  	s1 =	sand.u32 $0x1FC00, s29;
	s0 =	sor.u32 s26, s0;
	s26 =	sand.u32 $0x70, s30  }
0xc8: {  	s28 =	sadd.s32 $0x40, s28;
	s31 =	sor.u32 s26, s1;
	[tilespmem:s0+$0x16180] =	vst v3  }
0xc9: {  	v3 =	vld [tilespmem:s31+$0x2300]  }
0xca: {  	v4 =	vld [tilespmem:s31+$0x2280];
	_ =	sdelay $0x2  }
0xcb: {  	s0 =	smul.u32 $0x2800, s24  }
0xcc: {  	s1 =	sand.u32 $0xFE00, s25  }
0xcd: {  	s1 =	sshrl.u32 s1, $0x2;
	s0 =	sshrl.u32 s0, $0x3;
	v3 =	vmul.f32 v3, v4  }
0xce: {  	s1 =	sor.u32 s26, s1;
	s24 =	sadd.s32 s6, s0  }
0xcf: {  	s25 =	simm.s32 $0x0;
	s0 =	sadd.s32 $0x500, s24;
	[tilespmem:s1+$0x16180] =	vst v3  }
0xd0: {  	[hbm4b:s0+s25] =	stream.linear.scatter [tilespmem:s22], [sflag:$0x2], $0x2800, $0x38;
	[tilespmem:$0x18980] =	vst v63  }
0xd1: {  	s28 =	simm.s32 $0x40;
	s29 =	simm.s32 $0x0;
	_ =	swait.ge [sflag:s20], $0x2800  }
0xd2: {  	s5 =	sand.u32 $0x1FC00, s25;
	s26 =	sand.u32 $0x70, s25;
	[sflag:s20] =	ssyncset.done $0x0  }
0xd3: {  	s30 =	simm.s32 $0x0;
	s31 =	sor.u32 s26, s5;
	[sflag:s20] =	ssyncadd.s32 $0xFFFFD800  }
.LBB2_7:
0xd4: {  	p0 =	sne.s32 s28, $0x9C00;
	v3 =	vld [tilespmem:s31+$0x2400]  }
0xd5: {  	v4 =	vld [tilespmem:s31+$0x2380];
	_ =	sdelay $0x2  }
.Ltmp2:
0xd6: {  	(pc) =	sbr.rel @p0 .LBB2_7-.Ltmp2, $4  }
0xd7: {  	s0 =	sand.u32 $0xFE00, s25;
	s25 =	smov.u32 s28  }
0xd8: {  	s29 =	sadd.s32 $0x80, s29;
	s30 =	sadd.s32 $0x10, s30;
	s0 =	sshrl.u32 s0, $0x2;
	v3 =	vmul.f32 v3, v4  }
0xd9: {  	s1 =	sand.u32 $0x1FC00, s29;
	s0 =	sor.u32 s26, s0;
	s26 =	sand.u32 $0x70, s30  }
0xda: {  	s28 =	sadd.s32 $0x40, s28;
	s31 =	sor.u32 s26, s1;
	[tilespmem:s0+$0x16180] =	vst v3  }
0xdb: {  	v3 =	vld [tilespmem:s31+$0x2400]  }
0xdc: {  	v4 =	vld [tilespmem:s31+$0x2380];
	_ =	sdelay $0x3  }
0xdd: {  	s0 =	sand.u32 $0xFE00, s25  }
0xde: {  	s0 =	sshrl.u32 s0, $0x2;
	v3 =	vmul.f32 v3, v4  }
0xdf: {  	s1 =	simm.s32 $0x0;
	s0 =	sor.u32 s26, s0  }
0xe0: {  	s25 =	sadd.s32 $0xA00, s24;
	s26 =	sand.u32 $0x7, s1;
	[tilespmem:s0+$0x16180] =	vst v3  }
0xe1: {  	[hbm4b:s25+s1] =	stream.linear.scatter [tilespmem:s22], [sflag:$0x2], $0x2800, $0x38;
	[tilespmem:$0x18980] =	vst v63  }
0xe2: {  	s0 =	sshll.u32 s26, $0x4;
	_ =	swait.ge [sflag:s20], $0x2800  }
0xe3: {  	s5 =	sand.u32 $0x1FC00, s1;
	s0 =	sadd.s32 $0x0, s0;
	[sflag:s20] =	ssyncset.done $0x0  }
0xe4: {  	s26 =	sand.u32 $0x70, s1;
	s0 =	sor.u32 $0x380, s0;
	[sflag:s20] =	ssyncadd.s32 $0xFFFFD800  }
0xe5: {  	s25 =	sor.u32 s26, s5;
	v3 =	vld [tilespmem:s0+$0x2180]  }
0xe6: {  	v4 =	vld [tilespmem:s25+$0x2480];
	_ =	sdelay $0x2  }
0xe7: {  	s28 =	simm.s32 $0x80;
	s30 =	simm.s32 $0x1;
	s29 =	simm.s32 $0x10  }
0xe8: {  	s31 =	simm.s32 $0x80;
	s5 =	sand.u32 $0x7, s30;
	s1 =	sand.u32 $0xFE00, s1  }
0xe9: {  	s1 =	sshrl.u32 s1, $0x2;
	s25 =	simm.s32 $0x40;
	s0 =	sshll.u32 s5, $0x4;
	v3 =	vmul.f32 v3, v4  }
.LBB2_9:
0xea: {  	p0 =	sne.s32 s31, $0x9C00;
	s0 =	sadd.s32 s0, s28;
	s1 =	sor.u32 s26, s1  }
0xeb: {  	s26 =	sand.u32 $0x70, s29;
	s5 =	sand.u32 $0x1FC00, s28;
	s0 =	sor.u32 $0x380, s0;
	[tilespmem:s1+$0x16180] =	vst v3  }
0xec: {  	s1 =	sor.u32 s26, s5;
	v3 =	vld [tilespmem:s0+$0x2180];
	s0 =	smov.u32 s25;
	s25 =	smov.u32 s31  }
0xed: {  	v4 =	vld [tilespmem:s1+$0x2480]  }
.Ltmp3:
0xee: {  	(pc) =	sbr.rel @p0 .LBB2_9-.Ltmp3, $4  }
0xef: {  	_ = 	snop  }
0xf0: {  	s28 =	sadd.s32 $0x80, s28;
	s30 =	sadd.s32 $0x1, s30  }
0xf1: {  	s29 =	sadd.s32 $0x10, s29;
	s1 =	sand.u32 $0x7, s30;
	s5 =	sand.u32 $0xFE00, s0  }
0xf2: {  	s31 =	sadd.s32 $0x40, s31;
	s0 =	sshll.u32 s1, $0x4;
	s1 =	sshrl.u32 s5, $0x2;
	v3 =	vmul.f32 v3, v4  }
0xf3: {  	s0 =	sadd.s32 s0, s28;
	s1 =	sor.u32 s26, s1  }
0xf4: {  	s5 =	sand.u32 $0x70, s29;
	s31 =	sand.u32 $0x1FC00, s28;
	s0 =	sor.u32 $0x380, s0;
	[tilespmem:s1+$0x16180] =	vst v3  }
0xf5: {  	s28 =	sor.u32 s5, s31;
	v3 =	vld [tilespmem:s0+$0x2180]  }
0xf6: {  	v4 =	vld [tilespmem:s28+$0x2480];
	_ =	sdelay $0x3  }
0xf7: {  	s29 =	sand.u32 $0xFE00, s25  }
0xf8: {  	s23 =	sadd.s32 $0x1, s23;
	s0 =	sshrl.u32 s29, $0x2;
	v3 =	vmul.f32 v3, v4  }
0xf9: {  	p0 =	sne.s32 s23, $0x10;
	s0 =	sor.u32 s5, s0  }
.Ltmp4:
0xfa: {  	s30 =	sadd.s32 $0xF00, s24;
	s31 =	simm.s32 $0x0;
	[tilespmem:s0+$0x16180] =	vst v3;
	(pc) =	sbr.rel @p0 .LBB2_2-.Ltmp4, $4  }
0xfb: {  	[hbm4b:s30+s31] =	stream.linear.scatter [tilespmem:s22], [sflag:$0x2], $0x2800, $0x38;
	[tilespmem:$0x18980] =	vst v63  }
0xfc: {  	_ =	swait.ge [sflag:s20], $0x2800  }
0xfd: {  	[sflag:s20] =	ssyncset.done $0x0  }
0xfe: {  	[sflag:s20] =	ssyncadd.s32 $0xFFFFD800  }
0xff: {  	s1 =	sld [smem:$0x7FA]  }
0x100: {  	s0 =	sld [smem:$0x7FD];
	_ =	sdelay $0x1  }
0x101: {  	s1 =	sadd.s32 $0x1, s1  }
0x102: {  	p0 =	sne.s32 s1, s0  }
.Ltmp5:
0x103: {  	_ = 	snop;
	(pc) =	sbr.rel @p0 .LBB2_1-.Ltmp5, $1  }
0x104: {  	_ =	sdelay $0x3  }
0x105: {  	_ =	sfence.sel $0x180000  }
0x106: {  	[bflag:$0x0] =	sbarrier.arrive $0xFFFF  }
0x107: {  	_ =	strace $0x9000004D  }
0x108: {  	s0 =	stileid.u32;
	[bflag:$0x2] =	sbarrier.arrive $0xFFFF  }
0x109: {  	p0 =	sne.s32 s0, $0x0;
	s0 =	rddreg [dreg:$0x2]  }
0x10a: {  	s0 =	sadd.s32 @!p0 $0x100000, s0  }
0x10b: {  	[sflag:s0] =	ssyncadd.tile.s32 @!p0 $0x1;
	_ =	shalt  }
.Lfunc_end2:
_tile_overlayer_lowered:
.L_overlay_start_2:
0x10c: {  	(tag) =	ssettag $0x2  }
0x10d: {  	s0 =	rddreg [dreg:$0x0];
	s2 =	stileid.u32  }
0x10e: {  	s1 =	rddreg [dreg:$0x1];
	p0 =	sne.s32 s2, $0x0  }
0x10f: {  	s3 =	rddreg [dreg:$0x2];
	[bflag:$0x3] =	sbarrier.arrive $0xFFFF;
	s2 =	simm.s32 @!p0 $0x1C02  }
0x110: {  	[timem:s3], [sflag:s2] =	dma.local @!p0 [hbm:s0], s1  }
0x111: {  	s0 =	simm.s32 @!p0 $0x2  }
0x112: {  	_ =	swait.ge @!p0 [sflag:s0], s1  }
0x113: {  	s1 =	ssub.s32 @!p0 $0x0, s1;
	[sflag:s0] =	ssyncset.done @!p0 $0x0  }
0x114: {  	[sflag:s0] =	ssyncadd.s32 @!p0 s1  }
0x115: {  	[bflag:$0x3] =	sbarrier.arrive $0xFFFF  }
0x116: {  	_ =	shalt  }

// kernel: kernel.7.cloned.1.call-start
scs
__scs_entry_jumppad:
0x0: {  	(pc) =	sbr.rel $0x88, $3  }
0x1: {  	(tag) =	ssettag $0x0;
	lr =	simm.s32 $0x1  }
0x2: {  	[smem:$0x3F98] =	sst lr;
	_ =	strace $0xD0000000  }
0x3: {  	_ = 	snop  }
0x4: {  	_ = 	snop  }
0x5: {  	_ = 	snop  }
0x6: {  	_ = 	snop  }
0x7: {  	_ = 	snop  }
__scs_overlays_trampoline_lowered:
0x8: {  	[smem:$0x3FA7] =	sst s0  }
0x9: {  	[smem:$0x3FA8] =	sst s1  }
0xa: {  	[smem:$0x3FA9] =	sst s2  }
0xb: {  	[smem:$0x3FAA] =	sst s3  }
0xc: {  	[smem:$0x3FAB] =	sst s4  }
0xd: {  	[smem:$0x3FAC] =	sst s5  }
0xe: {  	[smem:$0x3FAD] =	sst s6  }
0xf: {  	[smem:$0x3FAE] =	sst s7  }
0x10: {  	[smem:$0x3FAF] =	sst s8  }
0x11: {  	[smem:$0x3FB0] =	sst s9;
	s0 =	simm.s32 @!p0 $0x0  }
0x12: {  	s1 =	sld [smem:$0x3F96];
	s0 =	simm.s32 @p0 $0x1  }
0x13: {  	[smem:$0x3FB1] =	sst s0;
	s0 =	simm.s32 @!p1 $0x0  }
0x14: {  	s2 =	sld [smem:$0x3F95];
	s0 =	simm.s32 @p1 $0x1  }
0x15: {  	[smem:$0x3FB2] =	sst s0;
	s0 =	simm.s32 @!p2 $0x0  }
0x16: {  	s3 =	sld [smem:$0x3FDB];
	s0 =	simm.s32 @p2 $0x1  }
0x17: {  	s4 =	simm.s32 $0x1BF5;
	[smem:$0x3FB4] =	sst s0  }
0x18: {  	s0 =	sld [smem:$0x3F97];
	_ =	swait.ge [sflag:s4], $0x0  }
0x19: {  	s7 =	sld [smem:$0x3F98]  }
0x1a: {  	s8 =	sadd.s32 $0xFFFFE003, lr  }
0x1b: {  	s9 =	sadd.s32 $0xFFFFFEF7, lr;
	s5 =	simm.s32 $0xFFFFFFFF;
	p2 =	slt.u32 s8, $0xFFFFF086  }
0x1c: {  	p1 =	slt.u32 s9, $0xF7A;
	s5 =	simm.s32 @!p2 $0x0  }
0x1d: {  	s5 =	simm.s32 @p1 $0x1;
	p0 =	seq.s32 s7, s2  }
0x1e: {  	s7 =	smul.u32 @!p0 $0xF7A, s2;
	p2 =	seq.s32 @!p0 s5, $0x0  }
0x1f: {  	s9 =	smul.u32 $0xF7A, s1;
	s8 =	simm.s32 @!p0 $0x1BF5;
	p2 =	por !p2, p0  }
0x20: {  	[sflag:s8] =	ssyncset.s32 @!p0 $0xFFFFF086;
	s6 =	sadd.s32 @!p0 s3, s7;
	s7 =	simm.s32 @!p0 $0x108  }
0x21: {  	s3 =	sadd.s32 s3, s9;
	s6 =	sadd.s32 @!p0 $0x88, s6;
	s7 =	simm.s32 @p2 $0x1082  }
0x22: {  	[simem:s7], [sflag:s8] =	dma.local @!p0 [hbm:s6], $0xF7A  }
0x23: {  	s9 =	sor.u32 $0xD0000000, s2;
	s6 =	simm.s32 $0x108;
	_ =	swait.ge @!p0 [sflag:s8], $0x0  }
0x24: {  	s3 =	sadd.s32 $0x88, s3;
	s6 =	simm.s32 @!p1 $0x1082;
	[sflag:s4] =	ssyncset.s32 $0xFFFFF086  }
0x25: {  	[simem:s6], [sflag:s4] =	dma.local [hbm:s3], $0xF7A  }
0x26: {  	[smem:$0x3F98] =	sst s1;
	(tag) =	ssettag s2;
	_ =	strace s9  }
0x27: {  	s1 =	sld [smem:$0x3FA8]  }
0x28: {  	s2 =	sld [smem:$0x3FA9]  }
0x29: {  	s4 =	sld [smem:$0x3FAB]  }
0x2a: {  	p0 =	seq.s32 s5, $0x0;
	s5 =	sld [smem:$0x3FAC]  }
0x2b: {  	s6 =	sld [smem:$0x3FAD]  }
0x2c: {  	s7 =	sld [smem:$0x3FAE]  }
0x2d: {  	s3 =	simm.s32 $0x108;
	s8 =	sld [smem:$0x3FAF]  }
0x2e: {  	s3 =	simm.s32 @!p0 $0x1082;
	s9 =	sld [smem:$0x3FB0]  }
0x2f: {  	lr =	sadd.s32 s0, s3;
	s0 =	sld [smem:$0x3FA7]  }
0x30: {  	s3 =	sld [smem:$0x3FAA]  }
0x31: {  	[smem:$0x3FB3] =	sst s10  }
0x32: {  	s10 =	sld [smem:$0x3FB1];
	_ =	sdelay $0x3  }
0x33: {  	p0 =	seq.s32 s10, $0x1;
	s10 =	sld [smem:$0x3FB3];
	_ =	sdelay $0x3  }
0x34: {  	[smem:$0x3FB3] =	sst s10  }
0x35: {  	s10 =	sld [smem:$0x3FB2];
	_ =	sdelay $0x3  }
0x36: {  	p1 =	seq.s32 s10, $0x1;
	s10 =	sld [smem:$0x3FB3];
	_ =	sdelay $0x3  }
0x37: {  	[smem:$0x3FB3] =	sst s10  }
0x38: {  	s10 =	sld [smem:$0x3FB4]  }
0x39: {  	_ = 	snop;
	(pc) =	sbr.ind lr, $3  }
0x3a: {  	_ = 	snop  }
0x3b: {  	_ = 	snop  }
0x3c: {  	p2 =	seq.s32 s10, $0x1;
	s10 =	sld [smem:$0x3FB3]  }
0x3d: {  	_ =	shalt  }
0x3e: {  	_ =	shalt  }
0x3f: {  	_ =	shalt  }
0x40: {  	_ =	shalt  }
0x41: {  	_ =	shalt  }
0x42: {  	_ =	shalt  }
0x43: {  	_ =	shalt  }
0x44: {  	_ =	shalt  }
0x45: {  	_ =	shalt  }
0x46: {  	_ =	shalt  }
0x47: {  	_ =	shalt  }
0x48: {  	_ =	shalt  }
0x49: {  	_ =	shalt  }
0x4a: {  	_ =	shalt  }
0x4b: {  	_ =	shalt  }
0x4c: {  	_ =	shalt  }
0x4d: {  	_ =	shalt  }
0x4e: {  	_ =	shalt  }
0x4f: {  	_ =	shalt  }
0x50: {  	_ =	shalt  }
0x51: {  	_ =	shalt  }
0x52: {  	_ =	shalt  }
0x53: {  	_ =	shalt  }
0x54: {  	_ =	shalt  }
0x55: {  	_ =	shalt  }
0x56: {  	_ =	shalt  }
0x57: {  	_ =	shalt  }
0x58: {  	_ =	shalt  }
0x59: {  	_ =	shalt  }
0x5a: {  	_ =	shalt  }
0x5b: {  	_ =	shalt  }
0x5c: {  	_ =	shalt  }
0x5d: {  	_ =	shalt  }
0x5e: {  	_ =	shalt  }
0x5f: {  	_ =	shalt  }
0x60: {  	_ =	shalt  }
0x61: {  	_ =	shalt  }
0x62: {  	_ =	shalt  }
0x63: {  	_ =	shalt  }
0x64: {  	_ =	shalt  }
0x65: {  	_ =	shalt  }
0x66: {  	_ =	shalt  }
0x67: {  	_ =	shalt  }
0x68: {  	_ =	shalt  }
0x69: {  	_ =	shalt  }
0x6a: {  	_ =	shalt  }
0x6b: {  	_ =	shalt  }
0x6c: {  	_ =	shalt  }
0x6d: {  	_ =	shalt  }
0x6e: {  	_ =	shalt  }
0x6f: {  	_ =	shalt  }
0x70: {  	_ =	shalt  }
0x71: {  	_ =	shalt  }
0x72: {  	_ =	shalt  }
0x73: {  	_ =	shalt  }
0x74: {  	_ =	shalt  }
0x75: {  	_ =	shalt  }
0x76: {  	_ =	shalt  }
0x77: {  	_ =	shalt  }
0x78: {  	_ =	shalt  }
0x79: {  	_ =	shalt  }
0x7a: {  	_ =	shalt  }
0x7b: {  	_ =	shalt  }
0x7c: {  	_ =	shalt  }
0x7d: {  	_ =	shalt  }
0x7e: {  	_ =	shalt  }
0x7f: {  	_ =	shalt  }
0x80: {  	_ =	shalt  }
0x81: {  	_ =	shalt  }
0x82: {  	_ =	shalt  }
0x83: {  	_ =	shalt  }
0x84: {  	_ =	shalt  }
0x85: {  	_ =	shalt  }
0x86: {  	_ =	shalt  }
0x87: {  	_ =	shalt  }
.Lfunc_end0:
.L_simem_size_0:
called_computation.1_lowered:
.L_overlay_start_0:
0x88: {  	s2 =	sld [smem:$0x3FD9]  }
0x89: {  	s3 =	sld [smem:$0x3FFE];
	_ =	sdelay $0x1  }
0x8a: {  	s1 =	srdreg.scid  }
0x8b: {  	s0 =	sand.u32 $0x1, s1  }
0x8c: {  	s17 =	sshll.u32 s0, $0xA;
	s2 =	sadd.s32 s3, s2  }
0x8d: {  	s2 =	sadd.s32 s2, s17  }
0x8e: {  	[smem:$0x3FBF] =	sst s2  }
0x8f: {  	_ = 	snop  }
0x90: {  	s2 =	sld [smem:$0x3FC9];
	(tm) =	ssettm $0x1  }
0x91: {  	s18 =	sld [smem:$0x3FFB];
	_ =	sdelay $0x3  }
0x92: {  	_ =	strace s18  }
0x93: {  	s3 =	sld [smem:$0x3FFC];
	_ =	sdelay $0x3  }
0x94: {  	_ =	strace s3  }
0x95: {  	s3 =	sld [smem:$0x3FFD];
	_ =	sdelay $0x3  }
0x96: {  	_ =	strace s3  }
0x97: {  	_ =	strace $0x8FFFFFFF  }
0x98: {  	s19 =	sld [smem:$0x3FDB];
	_ =	sdelay $0x1  }
0x99: {  	s4 =	simm.s32 $_scs_section_size  }
0x9a: {  	s5 =	simm.s32 $_size__tile_overlayer_lowered;
	s6 =	simm.s32 $_tile_overlayer_lowered  }
0x9b: {  	s22 =	simm.s32 $0x1BFF;
	s21 =	sshll.u32 s6, $0x1;
	s3 =	sadd.s32 s4, s19  }
0x9c: {  	s7 =	simm.s32 $0x0;
	s20 =	sshll.u32 s5, $0x1;
	s5 =	sadd.s32 s21, s3  }
0x9d: {  	[timem:s7], [sflag:s22] =	dma.local [hbm:s5], s20  }
0x9e: {  	_ =	swait.ge [sflag:s22], s20  }
0x9f: {  	s4 =	ssub.s32 $0x0, s20;
	[sflag:s22] =	ssyncset.done $0x0  }
0xa0: {  	[sflag:s22] =	ssyncadd.s32 s4;
	_ =	sdelay $0x1  }
0xa1: {  	s23 =	simm.s32 $0x1B8B  }
0xa2: {  	_ =	swait.ge [sflag:s23], $0x1  }
0xa3: {  	[sflag:s23] =	ssyncset.done $0x0  }
0xa4: {  	s25 =	simm.s32 $0x1B8E;
	s24 =	sld [smem:$0x3FFE];
	[sflag:s23] =	ssyncadd.s32 $0xFFFFFFFF  }
0xa5: {  	s26 =	simm.s32 $execute0_lowered;
	[smem:$0x3FD2] =	sst s25  }
0xa6: {  	s5 =	sshll.u32 s26, $0x1;
	_ =	strace $0x80000046;
	[dreg:$0x1] =	wrdreg $0xFFFFFFFF  }
0xa7: {  	s28 =	simm.s32 $_size_execute0_lowered;
	s3 =	sadd.s32 s3, s5;
	[dreg:$0x0] =	wrdreg $0x0  }
0xa8: {  	s5 =	sshll.u32 s28, $0x1;
	[dreg:$0x2] =	wrdreg s3  }
0xa9: {  	[dreg:$0x3] =	wrdreg s5  }
0xaa: {  	[dreg:$0x4] =	wrdreg $0xC0  }
0xab: {  	_ =	task [dreg:s7], $0x5FFFF  }
0xac: {  	[dreg:$0x1] =	wrdreg $0xFFFFFFFF  }
0xad: {  	[dreg:$0x0] =	wrdreg $0x60  }
0xae: {  	[dreg:$0x2] =	wrdreg s2  }
0xaf: {  	[dreg:$0x3] =	wrdreg s24  }
0xb0: {  	[dreg:$0x4] =	wrdreg $0x0  }
0xb1: {  	[dreg:$0x5] =	wrdreg $0x140000  }
0xb2: {  	[dreg:$0x6] =	wrdreg $0x9  }
0xb3: {  	_ =	task.clear_ibuf [dreg:s7], $0x7FFFF;
	_ =	strace $0x90000046  }
0xb4: {  	s29 =	simm.s32 $0x9;
	_ =	strace $0x80000048  }
0xb5: {  	_ =	swait.ge [sflag:s29], $0x1  }
0xb6: {  	[sflag:s29] =	ssyncadd.s32 $0xFFFFFFFF  }
0xb7: {  	_ =	strace $0x90000048  }
0xb8: {  	_ =	sfence  }
0xb9: {  	s30 =	sld [smem:$0x0];
	_ =	sdelay $0x2  }
0xba: {  	s31 =	sshll.u32 s1, $0xD;
	s1 =	sshrl.u32 s1, $0x2  }
0xbb: {  	s3 =	sand.u32 $0x4000, s31;
	s1 =	sadd.s32 s1, s30  }
0xbc: {  	s0 =	sor.u32 s3, s0;
	s1 =	sshll.u32 s1, $0x11  }
0xbd: {  	s0 =	sor.u32 s1, s0  }
0xbe: {  	s0 =	sadd.s32 $0x8F2B, s0  }
0xbf: {  	[sflag:s0] =	ssyncadd.remote.s32 $0x1  }
0xc0: {  	_ =	sfence.sel $0xFFFF  }
0xc1: {  	[dreg:$0x0] =	wrdreg $0xFFFFFFFF;
	(pc) =	sbr.abs _section_cstart, $3  }
0xc2: {  	[dreg:$0x1] =	wrdreg $0xFFFFFFFF  }
0xc3: {  	_ =	task.clear_ibuf [dreg:s7], $0x2FFFF;
	_ =	strace $0x9FFFFFFF  }
0xc4: {  	(tm) =	ssettm $0x7FFFFFFF  }
0xc5: {  	_ =	shalt  }
tec
execute0_lowered:
.L_overlay_start_1:
0x0: {  	(tag) =	ssettag $0x1  }
0x1: {  	s0 =	rddreg [dreg:$0x0]  }
0x2: {  	s2 =	rddreg [dreg:$0x1];
	s4 =	srdreg.scid  }
0x3: {  	s1 =	stileid.u32;
	s3 =	rddreg [dreg:$0x2];
	s5 =	simm.s32 $0x0  }
0x4: {  	s20 =	simm.s32 $0x16B80;
	s21 =	simm.s32 $0x2;
	s28 =	simm.s32 $0x14380  }
0x5: {  	s29 =	simm.s32 $0x1;
	s30 =	simm.s32 $0x0;
	s6 =	smul.u32 $0x4E20, s1  }
0x6: {  	s9 =	sand.u32 $0x1, s4;
	s4 =	rddreg [dreg:$0x3];
	s23 =	smul.u32 $0x14000, s1  }
0x7: {  	[smem:$0x7FF] =	sst s5;
	s24 =	sadd.s32 $0x16200, s2;
	s11 =	smul.u32 $0x50000, s1  }
0x8: {  	s14 =	sshll.u32 s1, $0xA;
	p0 =	sgt.u32 s1, $0x9;
	s7 =	smul.u32 $0x2710, s9  }
0x9: {  	p1 =	sne.s32 s1, $0x0;
	s8 =	smul.u32 $0x140000, s9;
	_ =	strace $0x80000047  }
0xa: {  	[dreg:$0x5] =	wrdreg s24;
	s25 =	sshll.u32 s9, $0x4;
	s12 =	ssub.s32 $0x2, s9  }
0xb: {  	s14 =	sadd.s32 s14, s4;
	s24 =	simm.s32 $0x14280;
	s26 =	sshrl.u32 s11, $0x2  }
0xc: {  	s31 =	sshrl.u32 s12, $0x1;
	s6 =	sadd.s32 s7, s6;
	s7 =	sadd.s32 s23, s8  }
0xd: {  	s8 =	sadd.s32 $0x16C00, s2;
	s9 =	sadd.s32 s26, s3;
	s17 =	ssub.s32 s12, s31  }
0xe: {  	s23 =	simm.s32 $0x1AF80;
	s26 =	simm.s32 $0x50;
	s6 =	sshrl.u32 s6, $0x3  }
0xf: {  	s10 =	sshrl.u32 s7, $0x3;
	s7 =	sadd.s32 $0x16A00, s2;
	s11 =	sadd.s32 $0x8000, s9  }
0x10: {  	s12 =	sadd.s32 $0xC000, s9;
	s13 =	sadd.s32 $0x10000, s9;
	s17 =	smax.u32 s17, $0x1  }
0x11: {  	s19 =	sadd.s32 s6, s2;
	s15 =	sadd.s32 s10, s2;
	s2 =	sadd.s32 s25, s2  }
0x12: {  	s10 =	sadd.s32 $0x4000, s9;
	s25 =	simm.s32 $0x14300;
	s15 =	sadd.s32 $0x17800, s15  }
0x13: {  	s16 =	sadd.s32 $0x16E00, s2;
	s18 =	sadd.s32 $0x2600, s19;
	s19 =	sadd.s32 $0xC400, s19  }
.LBB2_1:
0x14: {  	s1 =	rddreg [dreg:$0x5]  }
0x15: {  	[tilespmem:s20], [sflag:$0x2] =	stream.linear.gather [hbm4b:s1+s5], $0x4000, $0x38;
	[tilespmem:$0x1B000] =	vst v63  }
0x16: {  	_ =	swait.ge [sflag:s21], $0x4000  }
0x17: {  	[sflag:s21] =	ssyncset.done $0x0  }
0x18: {  	s2 =	simm.s32 $0x1AB80;
	[sflag:s21] =	ssyncadd.s32 $0xFFFFC000  }
0x19: {  	[tilespmem:s2], [sflag:$0x2] =	stream.linear.gather [hbm4b:s7+s5], $0x400, $0x38;
	[tilespmem:$0x1B000] =	vst v63  }
0x1a: {  	_ =	swait.ge [sflag:s21], $0x400  }
0x1b: {  	[sflag:s21] =	ssyncset.done $0x0  }
0x1c: {  	[sflag:s21] =	ssyncadd.s32 $0xFFFFFC00  }
0x1d: {  	[tilespmem:s23], [sflag:$0x2] =	stream.linear.gather [hbm4b:s8+s5], $0x50, $0x38;
	[tilespmem:$0x1B000] =	vst v63  }
0x1e: {  	_ =	swait.ge [sflag:s21], $0x50  }
0x1f: {  	[sflag:s21] =	ssyncset.done $0x0  }
0x20: {  	[sflag:s21] =	ssyncadd.s32 $0xFFFFFFB0  }
0x21: {  	[spmem:s9] =	stream.linear.scatter [tilespmem:s20], [sflag:$0x2], $0x4000, $0x38;
	[tilespmem:$0x1B000] =	vst v63  }
0x22: {  	_ =	swait.ge [sflag:s21], $0x4000  }
0x23: {  	[sflag:s21] =	ssyncset.done $0x0  }
0x24: {  	[sflag:s21] =	ssyncadd.s32 $0xFFFFC000  }
0x25: {  	[spmem:s10] =	stream.linear.scatter [tilespmem:s20], [sflag:$0x2], $0x4000, $0x38;
	[tilespmem:$0x1B000] =	vst v63  }
0x26: {  	_ =	swait.ge [sflag:s21], $0x4000  }
0x27: {  	[sflag:s21] =	ssyncset.done $0x0  }
0x28: {  	[sflag:s21] =	ssyncadd.s32 $0xFFFFC000  }
0x29: {  	[spmem:s11] =	stream.linear.scatter [tilespmem:s20], [sflag:$0x2], $0x4000, $0x38;
	[tilespmem:$0x1B000] =	vst v63  }
0x2a: {  	_ =	swait.ge [sflag:s21], $0x4000  }
0x2b: {  	[sflag:s21] =	ssyncset.done $0x0  }
0x2c: {  	[sflag:s21] =	ssyncadd.s32 $0xFFFFC000  }
0x2d: {  	[spmem:s12] =	stream.linear.scatter [tilespmem:s20], [sflag:$0x2], $0x4000, $0x38;
	[tilespmem:$0x1B000] =	vst v63  }
0x2e: {  	_ =	swait.ge [sflag:s21], $0x4000  }
0x2f: {  	[sflag:s21] =	ssyncset.done $0x0  }
0x30: {  	[sflag:s21] =	ssyncadd.s32 $0xFFFFC000  }
0x31: {  	[spmem:s13] =	stream.linear.scatter [tilespmem:s20], [sflag:$0x2], $0x4000, $0x38;
	[tilespmem:$0x1B000] =	vst v63  }
0x32: {  	_ =	swait.ge [sflag:s21], $0x4000  }
0x33: {  	[sflag:s21] =	ssyncset.done $0x0  }
0x34: {  	s2 =	simm.s32 @!p0 $0x1AB80;
	[sflag:s21] =	ssyncadd.s32 $0xFFFFC000  }
0x35: {  	[spmem:s14] =	stream.linear.scatter @!p0 [tilespmem:s2], [sflag:$0x2], $0x400, $0x38;
	[tilespmem:$0x1B000] =	vst v63  }
0x36: {  	s2 =	simm.s32 @!p0 $0x2  }
0x37: {  	_ =	swait.ge @!p0 [sflag:s2], $0x400  }
0x38: {  	[sflag:s2] =	ssyncset.done @!p0 $0x0  }
0x39: {  	[sflag:s2] =	ssyncadd.s32 @!p0 $0xFFFFFC00  }
0x3a: {  	s6 =	sadd.s32 $0x0, s19;
	[bflag:$0x0] =	sbarrier.arrive $0xFFFF  }
0x3b: {  	[tilespmem:s24], [sflag:$0x2] =	stream.linear.gather [hbm4b:s6+s5], $0x50, $0x38;
	[tilespmem:$0x1B000] =	vst v63  }
0x3c: {  	_ =	swait.ge [sflag:s21], $0x50  }
0x3d: {  	[sflag:s21] =	ssyncset.done $0x0  }
0x3e: {  	s22 =	sadd.s32 $0x0, s18;
	[sflag:s21] =	ssyncadd.s32 $0xFFFFFFB0  }
0x3f: {  	[tilespmem:s25], [sflag:$0x2] =	stream.linear.gather [hbm4b:s22+s5], $0x50, $0x38;
	[tilespmem:$0x1B000] =	vst v63  }
0x40: {  	_ =	swait.ge [sflag:s21], $0x50  }
0x41: {  	[sflag:s21] =	ssyncset.done $0x0  }
0x42: {  	[sflag:s21] =	ssyncadd.s32 $0xFFFFFFB0  }
0x43: {  	[tilespmem:s28], [sflag:$0x1] =	stream.indirect.gather [hbm4b:s0+s26], $0x80, s25, s26, $0xb8;
	[tilespmem:$0x1B000] =	vst v63  }
0x44: {  	_ =	swait.ge [sflag:s29], $0x2800  }
0x45: {  	[sflag:s29] =	ssyncset.done $0x0  }
0x46: {  	[sflag:s29] =	ssyncadd.s32 $0xFFFFD800  }
0x47: {  	[spmem:s3] =	stream.indirect.scatter.add.f32 [tilespmem:s28], [sflag:$0x2], $0x80, s24, s26, $0xb8;
	[tilespmem:$0x1B000] =	vst v63  }
0x48: {  	_ =	swait.ge [sflag:s21], $0x2800  }
0x49: {  	[sflag:s21] =	ssyncset.done $0x0  }
0x4a: {  	[sflag:s21] =	ssyncadd.s32 $0xFFFFD800  }
0x4b: {  	[spmem:s4] =	stream.indirect.scatter.add.f32 [tilespmem:s23], [sflag:$0x2], $0x1, s24, s26, $0xb8;
	[tilespmem:$0x1B000] =	vst v63  }
0x4c: {  	_ =	swait.ge [sflag:s21], $0x50  }
0x4d: {  	s31 =	simm.s32 $0xA;
	s2 =	simm.s32 $0x14;
	[sflag:s21] =	ssyncset.done $0x0  }
.LBB2_2:
0x4e: {  	s1 =	sadd.s32 s31, s19  }
0x4f: {  	[sflag:s21] =	ssyncadd.s32 $0xFFFFFFB0;
	s22 =	smov.u32 s2;
	s6 =	sadd.s32 $0xA, s2  }
0x50: {  	[tilespmem:s24], [sflag:$0x2] =	stream.linear.gather [hbm4b:s1+s5], $0x50, $0x38;
	[tilespmem:$0x1B000] =	vst v63  }
0x51: {  	p2 =	sne.s32 s2, $0x4D8;
	_ =	swait.ge [sflag:s21], $0x50  }
0x52: {  	[sflag:s21] =	ssyncset.done $0x0  }
0x53: {  	s1 =	sadd.s32 s31, s18;
	s31 =	smov.u32 s22;
	[sflag:s21] =	ssyncadd.s32 $0xFFFFFFB0  }
0x54: {  	[tilespmem:s25], [sflag:$0x2] =	stream.linear.gather [hbm4b:s1+s5], $0x50, $0x38;
	[tilespmem:$0x1B000] =	vst v63  }
0x55: {  	_ =	swait.ge [sflag:s21], $0x50  }
0x56: {  	[sflag:s21] =	ssyncset.done $0x0  }
0x57: {  	[sflag:s21] =	ssyncadd.s32 $0xFFFFFFB0  }
0x58: {  	[tilespmem:s28], [sflag:$0x1] =	stream.indirect.gather [hbm4b:s0+s26], $0x80, s25, s26, $0xb8;
	[tilespmem:$0x1B000] =	vst v63  }
0x59: {  	_ =	swait.ge [sflag:s29], $0x2800  }
0x5a: {  	[sflag:s29] =	ssyncset.done $0x0  }
0x5b: {  	[sflag:s29] =	ssyncadd.s32 $0xFFFFD800  }
0x5c: {  	[spmem:s3] =	stream.indirect.scatter.add.f32 [tilespmem:s28], [sflag:$0x2], $0x80, s24, s26, $0xb8;
	[tilespmem:$0x1B000] =	vst v63  }
0x5d: {  	_ =	swait.ge [sflag:s21], $0x2800  }
.Ltmp0:
0x5e: {  	[sflag:s21] =	ssyncset.done $0x0;
	(pc) =	sbr.rel @p2 .LBB2_2-.Ltmp0, $4  }
0x5f: {  	[sflag:s21] =	ssyncadd.s32 $0xFFFFD800  }
0x60: {  	[spmem:s4] =	stream.indirect.scatter.add.f32 [tilespmem:s23], [sflag:$0x2], $0x1, s24, s26, $0xb8;
	[tilespmem:$0x1B000] =	vst v63  }
0x61: {  	_ =	swait.ge [sflag:s21], $0x50  }
0x62: {  	s2 =	smov.u32 s6;
	[sflag:s21] =	ssyncset.done $0x0  }
0x63: {  	s1 =	sadd.s32 s31, s19;
	[sflag:s21] =	ssyncadd.s32 $0xFFFFFFB0  }
0x64: {  	[tilespmem:s24], [sflag:$0x2] =	stream.linear.gather [hbm4b:s1+s5], $0x50, $0x38;
	[tilespmem:$0x1B000] =	vst v63  }
0x65: {  	_ =	swait.ge [sflag:s21], $0x50  }
0x66: {  	[sflag:s21] =	ssyncset.done $0x0  }
0x67: {  	s22 =	sadd.s32 s31, s18;
	[sflag:s21] =	ssyncadd.s32 $0xFFFFFFB0  }
0x68: {  	[tilespmem:s25], [sflag:$0x2] =	stream.linear.gather [hbm4b:s22+s5], $0x50, $0x38;
	[tilespmem:$0x1B000] =	vst v63  }
0x69: {  	_ =	swait.ge [sflag:s21], $0x50  }
0x6a: {  	[sflag:s21] =	ssyncset.done $0x0  }
0x6b: {  	[sflag:s21] =	ssyncadd.s32 $0xFFFFFFB0  }
0x6c: {  	[tilespmem:s28], [sflag:$0x1] =	stream.indirect.gather [hbm4b:s0+s26], $0x80, s25, s26, $0xb8;
	[tilespmem:$0x1B000] =	vst v63  }
0x6d: {  	_ =	swait.ge [sflag:s29], $0x2800  }
0x6e: {  	[sflag:s29] =	ssyncset.done $0x0  }
0x6f: {  	[sflag:s29] =	ssyncadd.s32 $0xFFFFD800  }
0x70: {  	[spmem:s3] =	stream.indirect.scatter.add.f32 [tilespmem:s28], [sflag:$0x2], $0x80, s24, s26, $0xb8;
	[tilespmem:$0x1B000] =	vst v63  }
0x71: {  	_ =	swait.ge [sflag:s21], $0x2800  }
0x72: {  	[sflag:s21] =	ssyncset.done $0x0  }
0x73: {  	[sflag:s21] =	ssyncadd.s32 $0xFFFFD800  }
0x74: {  	[spmem:s4] =	stream.indirect.scatter.add.f32 [tilespmem:s23], [sflag:$0x2], $0x1, s24, s26, $0xb8;
	[tilespmem:$0x1B000] =	vst v63  }
0x75: {  	_ =	swait.ge [sflag:s21], $0x50  }
0x76: {  	s31 =	stileid.u32;
	[sflag:s21] =	ssyncset.done $0x0  }
0x77: {  	s1 =	sshll.u32 s31, $0x6;
	[sflag:s21] =	ssyncadd.s32 $0xFFFFFFB0  }
0x78: {  	s2 =	sshrl.u32 s9, $0x3;
	s1 =	sor.u32 $0x1C02, s1;
	[bflag:$0x0] =	sbarrier.arrive $0xFFFF  }
0x79: {  	[hbm:s15], [sflag:s1] =	dma.local [spmem:s2], $0x2800  }
0x7a: {  	s6 =	simm.s32 @!p1 $0x1;
	s30 =	sadd.s32 $0x1, s30;
	_ =	swait.ge [sflag:s21], $0x2800  }
0x7b: {  	s31 =	simm.s32 @!p1 $0x10;
	p2 =	sne.s32 s30, s17;
	[sflag:s21] =	ssyncset.done $0x0  }
0x7c: {  	s22 =	simm.s32 @!p1 $0x20;
	s2 =	sshrl.u32 @!p1 s4, $0x3;
	[sflag:s21] =	ssyncadd.s32 $0xFFFFD800  }
0x7d: {  	[hbm:s16@s22], [sflag:s1] =	dma.strided @!p1 [spmem:s2@s31], $0x500, s6, $0x10   }
.Ltmp1:
0x7e: {  	_ = 	snop;
	(pc) =	sbr.rel @p2 .LBB2_1-.Ltmp1, $4  }
0x7f: {  	s1 =	simm.s32 @!p1 $0x2  }
0x80: {  	_ =	swait.ge @!p1 [sflag:s1], $0x500  }
0x81: {  	[sflag:s1] =	ssyncset.done @!p1 $0x0  }
0x82: {  	[sflag:s1] =	ssyncadd.s32 @!p1 $0xFFFFFB00  }
0x83: {  	_ =	sfence.sel $0x180000  }
0x84: {  	[bflag:$0x0] =	sbarrier.arrive $0xFFFF  }
0x85: {  	_ =	strace $0x90000047  }
0x86: {  	[bflag:$0x2] =	sbarrier.arrive $0xFFFF  }
0x87: {  	s0 =	rddreg [dreg:$0x4]  }
0x88: {  	s0 =	sadd.s32 @!p1 $0x100000, s0  }
0x89: {  	[sflag:s0] =	ssyncadd.tile.s32 @!p1 $0x1;
	_ =	shalt  }
.Lfunc_end2:
_tile_overlayer_lowered:
.L_overlay_start_2:
0x8a: {  	(tag) =	ssettag $0x2  }
0x8b: {  	s0 =	rddreg [dreg:$0x0];
	s2 =	stileid.u32  }
0x8c: {  	s1 =	rddreg [dreg:$0x1];
	p0 =	sne.s32 s2, $0x0  }
0x8d: {  	s3 =	rddreg [dreg:$0x2];
	[bflag:$0x3] =	sbarrier.arrive $0xFFFF;
	s2 =	simm.s32 @!p0 $0x1C02  }
0x8e: {  	[timem:s3], [sflag:s2] =	dma.local @!p0 [hbm:s0], s1  }
0x8f: {  	s0 =	simm.s32 @!p0 $0x2  }
0x90: {  	_ =	swait.ge @!p0 [sflag:s0], s1  }
0x91: {  	s1 =	ssub.s32 @!p0 $0x0, s1;
	[sflag:s0] =	ssyncset.done @!p0 $0x0  }
0x92: {  	[sflag:s0] =	ssyncadd.s32 @!p0 s1  }
0x93: {  	[bflag:$0x3] =	sbarrier.arrive $0xFFFF  }
0x94: {  	_ =	shalt  }

// kernel: sparse-core-data-format-call.cloned.1.call-start
scs
called_computation_lowered:
.L_overlay_start_0:
0x0: {  	s1 =	sld [smem:$0x3FD9]  }
0x1: {  	s2 =	sld [smem:$0x3FFE];
	_ =	sdelay $0x1  }
0x2: {  	s3 =	srdreg.scid  }
0x3: {  	s0 =	sand.u32 $0x1, s3  }
0x4: {  	s17 =	sshll.u32 s0, $0xA;
	s1 =	sadd.s32 s2, s1  }
0x5: {  	s1 =	sadd.s32 s1, s17  }
0x6: {  	[smem:$0x3FBF] =	sst s1  }
0x7: {  	_ = 	snop  }
0x8: {  	(tm) =	ssettm $0x1  }
0x9: {  	s18 =	sld [smem:$0x3FFB];
	_ =	sdelay $0x3  }
0xa: {  	_ =	strace s18  }
0xb: {  	s1 =	sld [smem:$0x3FFC];
	_ =	sdelay $0x3  }
0xc: {  	_ =	strace s1  }
0xd: {  	s1 =	sld [smem:$0x3FFD];
	_ =	sdelay $0x3  }
0xe: {  	_ =	strace s1  }
0xf: {  	_ =	strace $0x8FFFFFFF  }
0x10: {  	s19 =	sld [smem:$0x3FDB];
	_ =	sdelay $0x1  }
0x11: {  	s20 =	simm.s32 $_scs_section_size  }
0x12: {  	s4 =	simm.s32 $_size__tile_overlayer_lowered;
	s5 =	simm.s32 $_tile_overlayer_lowered  }
0x13: {  	s23 =	simm.s32 $0x1BFF;
	s22 =	sshll.u32 s5, $0x1;
	s1 =	sadd.s32 s20, s19  }
0x14: {  	s6 =	simm.s32 $0x0;
	s21 =	sshll.u32 s4, $0x1;
	s4 =	sadd.s32 s22, s1  }
0x15: {  	[timem:s6], [sflag:s23] =	dma.local [hbm:s4], s21  }
0x16: {  	_ =	swait.ge [sflag:s23], s21  }
0x17: {  	s2 =	ssub.s32 $0x0, s21;
	[sflag:s23] =	ssyncset.done $0x0  }
0x18: {  	[sflag:s23] =	ssyncadd.s32 s2;
	_ =	sdelay $0x1  }
0x19: {  	s24 =	simm.s32 $0x1B8B  }
0x1a: {  	_ =	swait.ge [sflag:s24], $0x1  }
0x1b: {  	[sflag:s24] =	ssyncset.done $0x0  }
0x1c: {  	s26 =	simm.s32 $0x1B8E;
	s25 =	sld [smem:$0x3FFE];
	[sflag:s24] =	ssyncadd.s32 $0xFFFFFFFF  }
0x1d: {  	s27 =	simm.s32 $execute0_lowered;
	[smem:$0x3FD2] =	sst s26  }
0x1e: {  	s4 =	sshll.u32 s27, $0x1;
	_ =	strace $0x8000004F;
	[dreg:$0x1] =	wrdreg $0xFFFFFFFF  }
0x1f: {  	s28 =	simm.s32 $_size_execute0_lowered;
	s1 =	sadd.s32 s1, s4;
	[dreg:$0x0] =	wrdreg $0x0  }
0x20: {  	s4 =	sshll.u32 s28, $0x1;
	[dreg:$0x2] =	wrdreg s1  }
0x21: {  	[dreg:$0x3] =	wrdreg s4  }
0x22: {  	[dreg:$0x4] =	wrdreg $0xC0  }
0x23: {  	_ =	task [dreg:s6], $0x5FFFF  }
0x24: {  	[dreg:$0x1] =	wrdreg $0xFFFFFFFF  }
0x25: {  	[dreg:$0x0] =	wrdreg $0x60  }
0x26: {  	[dreg:$0x2] =	wrdreg s25  }
0x27: {  	[dreg:$0x3] =	wrdreg $0x9  }
0x28: {  	_ =	task.clear_ibuf [dreg:s6], $0x4FFFF;
	_ =	strace $0x9000004F  }
0x29: {  	s29 =	simm.s32 $0x9;
	_ =	strace $0x80000051  }
0x2a: {  	_ =	swait.ge [sflag:s29], $0x1  }
0x2b: {  	[sflag:s29] =	ssyncadd.s32 $0xFFFFFFFF  }
0x2c: {  	_ =	strace $0x90000051  }
0x2d: {  	_ =	sfence  }
0x2e: {  	s30 =	sld [smem:$0x0];
	_ =	sdelay $0x2  }
0x2f: {  	s31 =	sshll.u32 s3, $0xD;
	s3 =	sshrl.u32 s3, $0x2  }
0x30: {  	s2 =	sand.u32 $0x4000, s31;
	s1 =	sadd.s32 s3, s30  }
0x31: {  	s0 =	sor.u32 s2, s0;
	s1 =	sshll.u32 s1, $0x11  }
0x32: {  	s0 =	sor.u32 s1, s0  }
0x33: {  	s0 =	sadd.s32 $0x8F2B, s0  }
0x34: {  	[sflag:s0] =	ssyncadd.remote.s32 $0x1  }
0x35: {  	_ =	sfence.sel $0xFFFF  }
0x36: {  	[dreg:$0x0] =	wrdreg $0xFFFFFFFF;
	(pc) =	sbr.abs _section_cstart, $3  }
0x37: {  	[dreg:$0x1] =	wrdreg $0xFFFFFFFF  }
0x38: {  	_ =	task.clear_ibuf [dreg:s6], $0x2FFFF;
	_ =	strace $0x9FFFFFFF  }
0x39: {  	(tm) =	ssettm $0x7FFFFFFF  }
tec
execute0_lowered:
.L_overlay_start_1:
0x0: {  	(tag) =	ssettag $0x1  }
0x1: {  	s1 =	rddreg [dreg:$0x0]  }
0x2: {  	s0 =	rddreg [dreg:$0x1];
	_ =	strace $0x80000050  }
0x3: {  	s4 =	srdreg.scid;
	s6 =	simm.s32 $0x2;
	p0 =	por $0x0, $0x0  }
0x4: {  	s11 =	simm.s32 $0x0;
	s12 =	simm.s32 $0x0;
	s13 =	simm.s32 $0x0  }
.Ltmp0:
0x5: {  	s8 =	simm.s32 $0x0;
	s9 =	simm.s32 $0x0;
	(pc) =	sbr.rel .LBB1_1-.Ltmp0, $4  }
0x6: {  	s2 =	sadd.s32 $0x3EE00, s1;
	s3 =	sadd.s32 $0x2BEE00, s1;
	s4 =	sshll.u32 s4, $0x4  }
0x7: {  	s1 =	stileid.u32;
	s5 =	sand.u32 $0x10, s4;
	s4 =	simm.s32 $0x1  }
0x8: {  	s7 =	simm.s32 $0x0;
	s5 =	sor.u32 s1, s5;
	[sflag:s4] =	ssyncpa.u1 $0x0  }
0x9: {  	[sflag:s6] =	ssyncpa.u1 $0x0;
	s6 =	simm.s32 $0x0;
	s10 =	smov.u32 s5  }
.LBB1_7:
0xa: {  	s14 =	sadd.s32 $0x10, s8  }
0xb: {  	s11 =	sadd.s32 $0x8, s9;
	s15 =	smov.u32 s9;
	p2 =	sgt.s32 s14, $0x4F  }
0xc: {  	s15 =	smov.u32 @p2 s11  }
0xd: {  	s17 =	smov.u32 s10;
	s11 =	sadd.s32 $0x20, s10;
	p3 =	sgt.s32 s15, $0x7  }
0xe: {  	p1 =	slt.u32 s7, $0x2;
	s17 =	smov.u32 @p3 s11  }
0xf: {  	s7 =	sadd.s32 $0x1, s7;
	s14 =	simm.s32 @p2 $0x0;
	p2 =	sgt.s32 s17, $0xFF  }
0x10: {  	s17 =	smov.u32 @p2 s5;
	p2 =	sne.s32 s7, $0x2A  }
.Ltmp1:
0x11: {  	s16 =	simm.s32 @!p1 $0x2;
	(pc) =	sbr.rel @!p2 .LBB1_8-.Ltmp1, $4  }
0x12: {  	s12 =	smov.u32 s9;
	_ =	swait.ge @!p1 [sflag:s16], $0x4000  }
0x13: {  	s13 =	smov.u32 s10;
	p0 =	por !p0, !p0;
	[sflag:s16] =	ssyncset.done @!p1 $0x0  }
0x14: {  	s15 =	simm.s32 @p3 $0x0;
	s11 =	smov.u32 s8;
	[sflag:s16] =	ssyncadd.s32 @!p1 $0xFFFFC000  }
0x15: {  	s8 =	smov.u32 s14;
	s9 =	smov.u32 s15;
	s10 =	smov.u32 s17  }
.LBB1_1:
0x16: {  	p1 =	sgt.u32 s7, $0x27  }
0x17: {  	s14 =	sand.u32 @!p1 $0x1FFFFFF, s8;
	s16 =	smul.u32 @!p1 $0x2800, s10  }
0x18: {  	s15 =	smulhi.u32 @!p1 $0x3333334, s14  }
0x19: {  	s18 =	smul.u32 @!p1 $0x500, s9  }
0x1a: {  	s15 =	smul.u32 @!p1 $0x50, s15  }
0x1b: {  	s16 =	sadd.s32 @!p1 s2, s16  }
0x1c: {  	s17 =	sxor.u32 @!p1 $0xFFFFFFFF, s7;
	s16 =	sadd.s32 @!p1 s18, s16;
	s14 =	ssub.s32 @!p1 s14, s15  }
0x1d: {  	s15 =	sshll.u32 @!p1 s17, $0xE;
	s17 =	simm.s32 @!p1 $0x2800;
	s14 =	sshll.u32 @!p1 s14, $0x4  }
0x1e: {  	s15 =	sand.u32 @!p1 $0x4000, s15;
	s14 =	sadd.s32 @!p1 s14, s16;
	s16 =	simm.s32 @!p1 $0x800  }
0x1f: {  	[tilespmem:s15], [sflag:$0x1] =	stream.strided.gather @!p1 [hbm4b:s14+s16], $0x4000, s17, s16, $0x38;
	[tilespmem:$0x10000] =	vst v63  }
0x20: {  	p1 =	seq.s32 s7, $0x0  }
0x21: {  	p2 =	seq.s32 @!p1 s7, $0x29  }
0x22: {  	p1 =	por p1, p2  }
.Ltmp2:
0x23: {  	_ = 	snop;
	(pc) =	sbr.rel @p1 .LBB1_7-.Ltmp2, $1  }
0x24: {  	_ =	sdelay $0x3  }
0x25: {  	s14 =	simm.s32 $0x1;
	_ =	swait.ge [sflag:s4], $0x4000;
	s17 =	sshll.u32 s7, $0xE  }
0x26: {  	s14 =	simm.s32 @!p0 $0x0;
	[sflag:s4] =	ssyncset.done $0x0;
	s31 =	sand.u32 $0x4000, s17  }
0x27: {  	s17 =	simm.s32 $0x0;
	s14 =	sshll.u32 s14, $0xE;
	[sflag:s4] =	ssyncadd.s32 $0xFFFFC000  }
0x28: {  	s15 =	sor.u32 $0x8040, s14;
	s16 =	sor.u32 $0x40, s14;
	s14 =	sor.u32 $0x8000, s31  }
.LBB1_3:
0x29: {  	v0 =	vmov s16;
	_ =	sdelay $0x3  }
0x2a: {  	s19 =	simm.s32 $0x0  }
0x2b: {  	v6 =	vld.idx.msk [tilespmem:v0+s19+$0x30 ss:$0x1], $0xffff  }
0x2c: {  	v7 =	vld.idx.msk [tilespmem:v0+s19+$0xFFFFFFC0 ss:$0x1], $0xffff  }
0x2d: {  	v5 =	vld.idx.msk [tilespmem:v0+s19+$0xFFFFFFD0 ss:$0x1], $0xffff  }
0x2e: {  	v4 =	vld.idx.msk [tilespmem:v0+s19+$0xFFFFFFE0 ss:$0x1], $0xffff  }
0x2f: {  	v3 =	vld.idx.msk [tilespmem:v0+s19+$0xFFFFFFF0 ss:$0x1], $0xffff  }
0x30: {  	v1 =	vld.idx.msk [tilespmem:v0+s19+$0x0 ss:$0x1], $0xffff  }
0x31: {  	v2 =	vld.idx.msk [tilespmem:v0+s19+$0x10 ss:$0x1], $0xffff;
	[tilespmem:s15+$0x30] =	vst v6  }
0x32: {  	s18 =	simm.s32 $0x80;
	s20 =	simm.s32 $0x400;
	[tilespmem:s15+$0xFFFFFFC0] =	vst v7;
	v6 =	vld.idx.msk [tilespmem:v0+s19+$0x20 ss:$0x1], $0xffff;
	s19 =	smov.u32 s15  }
.LBB1_4:
0x33: {  	p1 =	sne.s32 s20, $0x1E00;
	v7 =	vld.idx.msk [tilespmem:v0+s18+$0x30 ss:$0x1], $0xffff;
	[tilespmem:s19+$0xFFFFFFD0] =	vst v5  }
0x34: {  	v8 =	vld.idx.msk [tilespmem:v0+s18+$0xFFFFFFC0 ss:$0x1], $0xffff;
	[tilespmem:s19+$0xFFFFFFE0] =	vst v4  }
0x35: {  	v5 =	vld.idx.msk [tilespmem:v0+s18+$0xFFFFFFD0 ss:$0x1], $0xffff;
	[tilespmem:s19+$0xFFFFFFF0] =	vst v3  }
.Ltmp3:
0x36: {  	v4 =	vld.idx.msk [tilespmem:v0+s18+$0xFFFFFFE0 ss:$0x1], $0xffff;
	[tilespmem:s19+$0x0] =	vst v1;
	(pc) =	sbr.rel @p1 .LBB1_4-.Ltmp3, $4  }
0x37: {  	v3 =	vld.idx.msk [tilespmem:v0+s18+$0xFFFFFFF0 ss:$0x1], $0xffff;
	[tilespmem:s19+$0x10] =	vst v2  }
0x38: {  	v1 =	vld.idx.msk [tilespmem:v0+s18+$0x0 ss:$0x1], $0xffff;
	[tilespmem:s19+$0x20] =	vst v6;
	s19 =	sadd.s32 $0x400, s19  }
0x39: {  	v2 =	vld.idx.msk [tilespmem:v0+s18+$0x10 ss:$0x1], $0xffff;
	[tilespmem:s19+$0x30] =	vst v7  }
0x3a: {  	[tilespmem:s19+$0xFFFFFFC0] =	vst v8;
	v6 =	vld.idx.msk [tilespmem:v0+s18+$0x20 ss:$0x1], $0xffff;
	s18 =	sshra.s32 s20, $0x2;
	s20 =	sadd.s32 $0x200, s20  }
0x3b: {  	_ =	sdelay $0x2  }
0x3c: {  	[tilespmem:s19+$0xFFFFFFD0] =	vst v5  }
0x3d: {  	v56 =	vld.idx.msk [tilespmem:v0+s18+$0x30 ss:$0x1], $0xffff;
	[tilespmem:s19+$0xFFFFFFE0] =	vst v4  }
0x3e: {  	v57 =	vld.idx.msk [tilespmem:v0+s18+$0xFFFFFFC0 ss:$0x1], $0xffff;
	[tilespmem:s19+$0xFFFFFFF0] =	vst v3  }
0x3f: {  	v58 =	vld.idx.msk [tilespmem:v0+s18+$0xFFFFFFD0 ss:$0x1], $0xffff;
	[tilespmem:s19+$0x0] =	vst v1  }
0x40: {  	v59 =	vld.idx.msk [tilespmem:v0+s18+$0xFFFFFFE0 ss:$0x1], $0xffff;
	[tilespmem:s19+$0x10] =	vst v2  }
0x41: {  	v60 =	vld.idx.msk [tilespmem:v0+s18+$0xFFFFFFF0 ss:$0x1], $0xffff;
	s31 =	sadd.s32 $0x400, s19;
	[tilespmem:s19+$0x20] =	vst v6  }
0x42: {  	v61 =	vld.idx.msk [tilespmem:v0+s18+$0x0 ss:$0x1], $0xffff;
	[tilespmem:s31+$0x30] =	vst v56  }
0x43: {  	v62 =	vld.idx.msk [tilespmem:v0+s18+$0x10 ss:$0x1], $0xffff;
	s17 =	sadd.s32 $0x1, s17;
	[tilespmem:s31+$0xFFFFFFC0] =	vst v57  }
0x44: {  	v63 =	vld.idx.msk [tilespmem:v0+s18+$0x20 ss:$0x1], $0xffff;
	p1 =	sne.s32 s17, $0x8;
	[tilespmem:s31+$0xFFFFFFD0] =	vst v58  }
.Ltmp4:
0x45: {  	[tilespmem:s31+$0xFFFFFFE0] =	vst v59;
	(pc) =	sbr.rel @p1 .LBB1_3-.Ltmp4, $4  }
0x46: {  	[tilespmem:s31+$0xFFFFFFF0] =	vst v60  }
0x47: {  	[tilespmem:s31+$0x0] =	vst v61  }
0x48: {  	[tilespmem:s31+$0x10] =	vst v62  }
0x49: {  	s15 =	sadd.s32 $0x80, s15;
	s16 =	sadd.s32 $0x800, s16;
	[tilespmem:s31+$0x20] =	vst v63  }
0x4a: {  	s13 =	smul.u32 $0x2800, s13  }
.Ltmp5:
0x4b: {  	_ = 	snop;
	(pc) =	sbr.rel .LBB1_7-.Ltmp5, $4  }
0x4c: {  	s11 =	sshll.u32 s11, $0x7;
	s12 =	sshll.u32 s12, $0x4;
	s13 =	sadd.s32 s3, s13  }
0x4d: {  	s12 =	sand.u32 $0x70, s12;
	s11 =	sadd.s32 s11, s13  }
0x4e: {  	s11 =	sadd.s32 s12, s11  }
0x4f: {  	[hbm4b:s11+s6] =	stream.linear.scatter [tilespmem:s14], [sflag:$0x2], $0x4000, $0x38;
	[tilespmem:$0x10000] =	vst v63  }
.LBB1_8:
0x50: {  	_ =	sfence.sel $0x180000  }
0x51: {  	s2 =	simm.s32 $0x1;
	[bflag:$0x0] =	sbarrier.arrive $0xFFFF  }
0x52: {  	s31 =	simm.s32 $0x2;
	[sflag:s2] =	ssyncpa.u1 $0x1  }
0x53: {  	[sflag:s31] =	ssyncpa.u1 $0x1  }
0x54: {  	p0 =	sne.s32 s1, $0x0;
	_ =	strace $0x90000050  }
0x55: {  	s0 =	sadd.s32 @!p0 $0x100000, s0;
	[bflag:$0x2] =	sbarrier.arrive $0xFFFF  }
0x56: {  	[sflag:s0] =	ssyncadd.tile.s32 @!p0 $0x1;
	_ =	shalt  }
.Lfunc_end1:
_tile_overlayer_lowered:
.L_overlay_start_2:
0x57: {  	(tag) =	ssettag $0x2  }
0x58: {  	s0 =	rddreg [dreg:$0x0];
	s2 =	stileid.u32  }
0x59: {  	s1 =	rddreg [dreg:$0x1];
	p0 =	sne.s32 s2, $0x0  }
0x5a: {  	s3 =	rddreg [dreg:$0x2];
	[bflag:$0x3] =	sbarrier.arrive $0xFFFF;
	s2 =	simm.s32 @!p0 $0x1C01  }
0x5b: {  	[timem:s3], [sflag:s2] =	dma.local @!p0 [hbm:s0], s1  }
0x5c: {  	s0 =	simm.s32 @!p0 $0x1  }
0x5d: {  	_ =	swait.ge @!p0 [sflag:s0], s1  }
0x5e: {  	s1 =	ssub.s32 @!p0 $0x0, s1;
	[sflag:s0] =	ssyncset.done @!p0 $0x0  }
0x5f: {  	[sflag:s0] =	ssyncadd.s32 @!p0 s1  }
0x60: {  	[bflag:$0x3] =	sbarrier.arrive $0xFFFF  }
0x61: {  	_ =	shalt  }

</sc_bundles>
